<compile_context>
chip_gen: v7x
topology: tpu7x:2x2x1
jax: 0.10.2.dev20260603
libtpu: 0.0.44.dev20260713+nightly
codegen_flags: <defaults>
</compile_context>

<pallas_src>
import jax
import jax.numpy as jnp
from jax import lax
from jax.experimental import pallas as pl
from jax.experimental.pallas import tpu as pltpu
from jax.experimental.pallas import tpu_sc as plsc

N = 100000
K = 16
NC, NS, L = 2, 16, 16
NW = NC * NS
TPW = 3136
CHUNK = 224
NCHUNK = TPW // CHUNK
EC = CHUNK * K
GRP = CHUNK // L


def _body(xs, ys, zs, us, idx0, idx1, outx, outy, outz,
          idxv0a, idxv1a, x0a, y0a, z0a, u0a, x1a, y1a, z1a, u1a,
          idxv0b, idxv1b, x0b, y0b, z0b, u0b, x1b, y1b, z1b, u1b,
          outv, sema, semb):
    pa = (x0a, y0a, z0a, u0a, x1a, y1a, z1a, u1a)
    pb = (x0b, y0b, z0b, u0b, x1b, y1b, z1b, u1b)
    wid = lax.axis_index("s") * NC + lax.axis_index("c")

    def base_of(c):
        return jnp.minimum(wid * TPW + c * CHUNK, N - CHUNK)

    def fire(c, idxv0, idxv1, planes, sem):
        edge_base = base_of(c) * K
        pltpu.sync_copy(idx0.at[pl.ds(edge_base, EC)], idxv0)
        pltpu.sync_copy(idx1.at[pl.ds(edge_base, EC)], idxv1)
        pltpu.async_copy(xs.at[idxv0], planes[0], sem)
        pltpu.async_copy(ys.at[idxv0], planes[1], sem)
        pltpu.async_copy(zs.at[idxv0], planes[2], sem)
        pltpu.async_copy(us.at[idxv0], planes[3], sem)
        pltpu.async_copy(xs.at[idxv1], planes[4], sem)
        pltpu.async_copy(ys.at[idxv1], planes[5], sem)
        pltpu.async_copy(zs.at[idxv1], planes[6], sem)
        pltpu.async_copy(us.at[idxv1], planes[7], sem)

    def drain(planes, sem):
        for k in range(8):
            pltpu.make_async_copy(xs.at[pl.ds(0, EC)], planes[k], sem).wait()

    def compute(c, planes):
        def do_group(g, _):
            zero = jnp.zeros((L,), jnp.float32)
            axx = axy = axz = ayy = ayz = azz = zero
            bx = by = bz = zero
            lanes = lax.iota(jnp.int32, L) * K + g * (L * K)
            for j in range(K):
                e = lanes + j
                x0 = plsc.load_gather(planes[0], [e])
                y0 = plsc.load_gather(planes[1], [e])
                z0 = plsc.load_gather(planes[2], [e])
                u0 = plsc.load_gather(planes[3], [e])
                x1 = plsc.load_gather(planes[4], [e])
                y1 = plsc.load_gather(planes[5], [e])
                z1 = plsc.load_gather(planes[6], [e])
                u1 = plsc.load_gather(planes[7], [e])
                dx = x0 - x1
                dy = y0 - y1
                dz = z0 - z1
                du = u0 - u1
                s = dx * dx + dy * dy + dz * dz
                w2 = jnp.where(s == 0.0, jnp.float32(1.0), jnp.float32(1.0) / s)
                wdx = w2 * dx
                wdy = w2 * dy
                wdz = w2 * dz
                axx = axx + wdx * dx
                axy = axy + wdx * dy
                axz = axz + wdx * dz
                ayy = ayy + wdy * dy
                ayz = ayz + wdy * dz
                azz = azz + wdz * dz
                bx = bx + wdx * du
                by = by + wdy * du
                bz = bz + wdz * du
            cof11 = ayy * azz - ayz * ayz
            cof12 = axy * azz - ayz * axz
            cof13 = axy * ayz - ayy * axz
            cof22 = axx * azz - axz * axz
            cof23 = axx * ayz - axy * axz
            cof33 = axx * ayy - axy * axy
            det = axx * cof11 - axy * cof12 + axz * cof13
            inv = jnp.float32(1.0) / det
            outv[pl.ds(0 * CHUNK + g * L, L)] = (bx * cof11 - by * cof12 + bz * cof13) * inv
            outv[pl.ds(1 * CHUNK + g * L, L)] = (-bx * cof12 + by * cof22 - bz * cof23) * inv
            outv[pl.ds(2 * CHUNK + g * L, L)] = (bx * cof13 - by * cof23 + bz * cof33) * inv
            return 0

        lax.fori_loop(0, GRP, do_group, 0)

        node_base = base_of(c)
        pltpu.sync_copy(outv.at[pl.ds(0 * CHUNK, CHUNK)], outx.at[pl.ds(node_base, CHUNK)])
        pltpu.sync_copy(outv.at[pl.ds(1 * CHUNK, CHUNK)], outy.at[pl.ds(node_base, CHUNK)])
        pltpu.sync_copy(outv.at[pl.ds(2 * CHUNK, CHUNK)], outz.at[pl.ds(node_base, CHUNK)])

    fire(0, idxv0a, idxv1a, pa, sema)

    def do_pair(i, _):
        ca = 2 * i
        fire(ca + 1, idxv0b, idxv1b, pb, semb)
        drain(pa, sema)
        compute(ca, pa)

        @pl.when(ca + 2 < NCHUNK)
        def _():
            fire(ca + 2, idxv0a, idxv1a, pa, sema)

        drain(pb, semb)
        compute(ca + 1, pb)
        return 0

    lax.fori_loop(0, NCHUNK // 2, do_pair, 0)


@jax.jit
def _run(xs, ys, zs, us, idx0, idx1):
    mesh = plsc.VectorSubcoreMesh(
        core_axis_name="c", subcore_axis_name="s", num_cores=NC, num_subcores=NS
    )
    o = jax.ShapeDtypeStruct((N,), jnp.float32)
    return pl.kernel(
        _body,
        out_type=[o, o, o],
        mesh=mesh,
        compiler_params=pltpu.CompilerParams(needs_layout_passes=False),
        scratch_types=(
            [pltpu.VMEM((EC,), jnp.int32)] * 2
            + [pltpu.VMEM((EC,), jnp.float32)] * 8
            + [pltpu.VMEM((EC,), jnp.int32)] * 2
            + [pltpu.VMEM((EC,), jnp.float32)] * 8
            + [pltpu.VMEM((3 * CHUNK,), jnp.float32)]
            + [pltpu.SemaphoreType.DMA] * 2
        ),
    )(xs, ys, zs, us, idx0, idx1)


def kernel(coordinates, u, connectivity_tensor):
    xs = coordinates[:, 0]
    ys = coordinates[:, 1]
    zs = coordinates[:, 2]
    us = u[:, 0]
    conn = connectivity_tensor.astype(jnp.int32)
    i0 = conn[:, :, 0].reshape(N * K)
    i1 = conn[:, :, 1].reshape(N * K)
    outx, outy, outz = _run(xs, ys, zs, us, i0, i1)
    return (outx[:, None], outy[:, None], outz[:, None])

# --- scband reference (transcript-rebuilt; emitter-appended) ---
"""Pipeline reference for scband-gradients-least-squares-4286377362017 (READ-ONLY COPY).

The authoritative reference and input builder live on the scoring server;
editing this copy changes nothing except your own understanding.
"""

import jax, jax.numpy as jnp
import numpy as np


def setup_inputs(seed: int = 0) -> dict:
    key = jax.random.key(seed)
    k1, k2, k3 = jax.random.split(key, 3)
    N, K = 100000, 16
    coordinates = jax.random.normal(k1, (N, 3), dtype=jnp.float32)
    u = jax.random.normal(k2, (N, 1), dtype=jnp.float32)
    connectivity_tensor = jax.random.randint(k3, (N, K, 2), 0, N)
    return {"coordinates": coordinates, "u": u, "connectivity_tensor": connectivity_tensor}


def reference(coordinates, u, connectivity_tensor):
    # dim=3, order=1 branch of GradientsLeastSquares.forward
    i0 = connectivity_tensor[:, :, 0]
    i1 = connectivity_tensor[:, :, 1]
    p1 = jnp.take(coordinates, i0, axis=0)
    p2 = jnp.take(coordinates, i1, axis=0)
    dx = p1[:, :, 0] - p2[:, :, 0]
    dy = p1[:, :, 1] - p2[:, :, 1]
    dz = p1[:, :, 2] - p2[:, :, 2]
    f1 = jnp.take(u, i0, axis=0)
    f2 = jnp.take(u, i1, axis=0)
    du = jnp.squeeze(f1 - f2, axis=-1)
    w = 1.0 / jnp.sqrt(dx ** 2 + dy ** 2 + dz ** 2)
    w = jnp.where(jnp.isinf(w), jnp.array(1.0, dtype=w.dtype), w)
    mask = jnp.ones_like(dx)
    w2 = w ** 2
    a1 = jnp.sum(w2 * dx * dx * mask, axis=1)
    b1 = jnp.sum(w2 * dx * dy * mask, axis=1)
    c1 = jnp.sum(w2 * dx * dz * mask, axis=1)
    d1 = jnp.sum(w2 * du * dx * mask, axis=1)
    a2 = jnp.sum(w2 * dx * dy * mask, axis=1)
    b2 = jnp.sum(w2 * dy * dy * mask, axis=1)
    c2 = jnp.sum(w2 * dy * dz * mask, axis=1)
    d2 = jnp.sum(w2 * du * dy * mask, axis=1)
    a3 = jnp.sum(w2 * dx * dz * mask, axis=1)
    b3 = jnp.sum(w2 * dy * dz * mask, axis=1)
    c3 = jnp.sum(w2 * dz * dz * mask, axis=1)
    d3 = jnp.sum(w2 * du * dz * mask, axis=1)
    detA = jnp.linalg.det(jnp.stack([
        jnp.stack([a1, a2, a3], axis=1),
        jnp.stack([b1, b2, b3], axis=1),
        jnp.stack([c1, c2, c3], axis=1)], axis=2))
    dudx = jnp.linalg.det(jnp.stack([
        jnp.stack([d1, d2, d3], axis=1),
        jnp.stack([b1, b2, b3], axis=1),
        jnp.stack([c1, c2, c3], axis=1)], axis=2)) / detA
    dudy = jnp.linalg.det(jnp.stack([
        jnp.stack([a1, a2, a3], axis=1),
        jnp.stack([d1, d2, d3], axis=1),
        jnp.stack([c1, c2, c3], axis=1)], axis=2)) / detA
    dudz = jnp.linalg.det(jnp.stack([
        jnp.stack([a1, a2, a3], axis=1),
        jnp.stack([b1, b2, b3], axis=1),
        jnp.stack([d1, d2, d3], axis=1)], axis=2)) / detA
    return (dudx[:, None], dudy[:, None], dudz[:, None])

if __name__ == "__main__":
    import jax
    _d = setup_inputs()
    print(jax.jit(kernel)(*tuple(_d.values())))

</pallas_src>

<mosaic_0001>
#map = affine_map<(d0, d1) -> (0)>
module attributes {stable_mosaic.version = 14 : i64} {
  func.func @_body(%arg0: i32, %arg1: i32, %arg2: memref<100000xf32, #tpu.memory_space<hbm>>, %arg3: memref<100000xf32, #tpu.memory_space<hbm>>, %arg4: memref<100000xf32, #tpu.memory_space<hbm>>, %arg5: memref<100000xf32, #tpu.memory_space<hbm>>, %arg6: memref<1600000xi32, #tpu.memory_space<hbm>>, %arg7: memref<1600000xi32, #tpu.memory_space<hbm>>, %arg8: memref<100000xf32, #tpu.memory_space<hbm>>, %arg9: memref<100000xf32, #tpu.memory_space<hbm>>, %arg10: memref<100000xf32, #tpu.memory_space<hbm>>, %arg11: memref<3584xi32, #tpu.memory_space<vmem>>, %arg12: memref<3584xi32, #tpu.memory_space<vmem>>, %arg13: memref<3584xf32, #tpu.memory_space<vmem>>, %arg14: memref<3584xf32, #tpu.memory_space<vmem>>, %arg15: memref<3584xf32, #tpu.memory_space<vmem>>, %arg16: memref<3584xf32, #tpu.memory_space<vmem>>, %arg17: memref<3584xf32, #tpu.memory_space<vmem>>, %arg18: memref<3584xf32, #tpu.memory_space<vmem>>, %arg19: memref<3584xf32, #tpu.memory_space<vmem>>, %arg20: memref<3584xf32, #tpu.memory_space<vmem>>, %arg21: memref<3584xi32, #tpu.memory_space<vmem>>, %arg22: memref<3584xi32, #tpu.memory_space<vmem>>, %arg23: memref<3584xf32, #tpu.memory_space<vmem>>, %arg24: memref<3584xf32, #tpu.memory_space<vmem>>, %arg25: memref<3584xf32, #tpu.memory_space<vmem>>, %arg26: memref<3584xf32, #tpu.memory_space<vmem>>, %arg27: memref<3584xf32, #tpu.memory_space<vmem>>, %arg28: memref<3584xf32, #tpu.memory_space<vmem>>, %arg29: memref<3584xf32, #tpu.memory_space<vmem>>, %arg30: memref<3584xf32, #tpu.memory_space<vmem>>, %arg31: memref<672xf32, #tpu.memory_space<vmem>>, %arg32: memref<!tpu.dma_semaphore, #tpu.memory_space<semaphore_mem>>, %arg33: memref<!tpu.dma_semaphore, #tpu.memory_space<semaphore_mem>>) attributes {dimension_semantics = [#tpu.dimension_semantics<core_parallel>, #tpu.dimension_semantics<subcore_parallel>], iteration_bounds = array<i64: 2, 16>, scalar_prefetch = 0 : i64, scratch_operands = 23 : i64, tpu.core_type = #tpu.core_type<sc_vector_subcore>, window_params = [{transform_indices = #map}, {transform_indices = #map}, {transform_indices = #map}, {transform_indices = #map}, {transform_indices = #map}, {transform_indices = #map}, {transform_indices = #map}, {transform_indices = #map}, {transform_indices = #map}]} {
    %mul3A = arith.constant 2 : i32
    %mul3A_0 = arith.muli %arg1, %mul3A : i32
    %add3A = arith.addi %mul3A_0, %arg0 : i32
    %mul3A_1 = arith.constant 3136 : i32
    %mul3A_2 = arith.muli %add3A, %mul3A_1 : i32
    %add3A_3 = arith.constant 0 : i32
    %add3A_4 = arith.addi %mul3A_2, %add3A_3 : i32
    %min3A = arith.constant 99776 : i32
    %min3A_5 = arith.minsi %add3A_4, %min3A : i32
    %mul3A_6 = arith.constant 16 : i32
    %mul3A_7 = arith.muli %min3A_5, %mul3A_6 : i32
    "tpu.region"() ({
      %run_scoped3A = tpu.sem_alloc : memref<!tpu.dma_semaphore, #tpu.memory_space<semaphore_mem>>
      %dma_start3A_29 = tpu.memref_slice %arg6[%mul3A_7] : memref<1600000xi32, #tpu.memory_space<hbm>> -> memref<3584xi32, #tpu.memory_space<hbm>>
      %dma_start3A_30 = tpu.memref_slice %arg6[%mul3A_7] : memref<1600000xi32, #tpu.memory_space<hbm>> -> memref<3584xi32, #tpu.memory_space<hbm>>
      tpu.enqueue_dma source(%dma_start3A_30 : memref<3584xi32, #tpu.memory_space<hbm>>) target(%arg11 : memref<3584xi32, #tpu.memory_space<vmem>>) target_semaphore(%run_scoped3A : memref<!tpu.dma_semaphore, #tpu.memory_space<semaphore_mem>>)
      %dma_wait3A = tpu.memref_slice %arg6[%mul3A_7] : memref<1600000xi32, #tpu.memory_space<hbm>> -> memref<3584xi32, #tpu.memory_space<hbm>>
      %dma_wait3A_31 = tpu.memref_slice %arg6[%mul3A_7] : memref<1600000xi32, #tpu.memory_space<hbm>> -> memref<3584xi32, #tpu.memory_space<hbm>>
      tpu.wait_dma2 semaphore(%run_scoped3A : memref<!tpu.dma_semaphore, #tpu.memory_space<semaphore_mem>>) src(%dma_wait3A_31 : memref<3584xi32, #tpu.memory_space<hbm>>) dst(%arg11 : memref<3584xi32, #tpu.memory_space<vmem>>)
      tpu.yield
    }) : () -> ()
    "tpu.region"() ({
      %run_scoped3A = tpu.sem_alloc : memref<!tpu.dma_semaphore, #tpu.memory_space<semaphore_mem>>
      %dma_start3A_29 = tpu.memref_slice %arg7[%mul3A_7] : memref<1600000xi32, #tpu.memory_space<hbm>> -> memref<3584xi32, #tpu.memory_space<hbm>>
      %dma_start3A_30 = tpu.memref_slice %arg7[%mul3A_7] : memref<1600000xi32, #tpu.memory_space<hbm>> -> memref<3584xi32, #tpu.memory_space<hbm>>
      tpu.enqueue_dma source(%dma_start3A_30 : memref<3584xi32, #tpu.memory_space<hbm>>) target(%arg12 : memref<3584xi32, #tpu.memory_space<vmem>>) target_semaphore(%run_scoped3A : memref<!tpu.dma_semaphore, #tpu.memory_space<semaphore_mem>>)
      %dma_wait3A = tpu.memref_slice %arg7[%mul3A_7] : memref<1600000xi32, #tpu.memory_space<hbm>> -> memref<3584xi32, #tpu.memory_space<hbm>>
      %dma_wait3A_31 = tpu.memref_slice %arg7[%mul3A_7] : memref<1600000xi32, #tpu.memory_space<hbm>> -> memref<3584xi32, #tpu.memory_space<hbm>>
      tpu.wait_dma2 semaphore(%run_scoped3A : memref<!tpu.dma_semaphore, #tpu.memory_space<semaphore_mem>>) src(%dma_wait3A_31 : memref<3584xi32, #tpu.memory_space<hbm>>) dst(%arg12 : memref<3584xi32, #tpu.memory_space<vmem>>)
      tpu.yield
    }) : () -> ()
    %dma_start3A = arith.constant 0 : i32
    %dma_start3A_8 = tpu.memref_slice %arg2[%dma_start3A] : memref<100000xf32, #tpu.memory_space<hbm>> -> memref<100000xf32, #tpu.memory_space<hbm>>
    tpu.enqueue_indirect_dma source(%dma_start3A_8 : memref<100000xf32, #tpu.memory_space<hbm>>) target(%arg13 : memref<3584xf32, #tpu.memory_space<vmem>>) offsets(%arg11 : memref<3584xi32, #tpu.memory_space<vmem>>) semaphore(%arg32 : memref<!tpu.dma_semaphore, #tpu.memory_space<semaphore_mem>>)
    %dma_start3A_9 = arith.constant 0 : i32
    %dma_start3A_10 = tpu.memref_slice %arg3[%dma_start3A_9] : memref<100000xf32, #tpu.memory_space<hbm>> -> memref<100000xf32, #tpu.memory_space<hbm>>
    tpu.enqueue_indirect_dma source(%dma_start3A_10 : memref<100000xf32, #tpu.memory_space<hbm>>) target(%arg14 : memref<3584xf32, #tpu.memory_space<vmem>>) offsets(%arg11 : memref<3584xi32, #tpu.memory_space<vmem>>) semaphore(%arg32 : memref<!tpu.dma_semaphore, #tpu.memory_space<semaphore_mem>>)
    %dma_start3A_11 = arith.constant 0 : i32
    %dma_start3A_12 = tpu.memref_slice %arg4[%dma_start3A_11] : memref<100000xf32, #tpu.memory_space<hbm>> -> memref<100000xf32, #tpu.memory_space<hbm>>
    tpu.enqueue_indirect_dma source(%dma_start3A_12 : memref<100000xf32, #tpu.memory_space<hbm>>) target(%arg15 : memref<3584xf32, #tpu.memory_space<vmem>>) offsets(%arg11 : memref<3584xi32, #tpu.memory_space<vmem>>) semaphore(%arg32 : memref<!tpu.dma_semaphore, #tpu.memory_space<semaphore_mem>>)
    %dma_start3A_13 = arith.constant 0 : i32
    %dma_start3A_14 = tpu.memref_slice %arg5[%dma_start3A_13] : memref<100000xf32, #tpu.memory_space<hbm>> -> memref<100000xf32, #tpu.memory_space<hbm>>
    tpu.enqueue_indirect_dma source(%dma_start3A_14 : memref<100000xf32, #tpu.memory_space<hbm>>) target(%arg16 : memref<3584xf32, #tpu.memory_space<vmem>>) offsets(%arg11 : memref<3584xi32, #tpu.memory_space<vmem>>) semaphore(%arg32 : memref<!tpu.dma_semaphore, #tpu.memory_space<semaphore_mem>>)
    %dma_start3A_15 = arith.constant 0 : i32
    %dma_start3A_16 = tpu.memref_slice %arg2[%dma_start3A_15] : memref<100000xf32, #tpu.memory_space<hbm>> -> memref<100000xf32, #tpu.memory_space<hbm>>
    tpu.enqueue_indirect_dma source(%dma_start3A_16 : memref<100000xf32, #tpu.memory_space<hbm>>) target(%arg17 : memref<3584xf32, #tpu.memory_space<vmem>>) offsets(%arg12 : memref<3584xi32, #tpu.memory_space<vmem>>) semaphore(%arg32 : memref<!tpu.dma_semaphore, #tpu.memory_space<semaphore_mem>>)
    %dma_start3A_17 = arith.constant 0 : i32
    %dma_start3A_18 = tpu.memref_slice %arg3[%dma_start3A_17] : memref<100000xf32, #tpu.memory_space<hbm>> -> memref<100000xf32, #tpu.memory_space<hbm>>
    tpu.enqueue_indirect_dma source(%dma_start3A_18 : memref<100000xf32, #tpu.memory_space<hbm>>) target(%arg18 : memref<3584xf32, #tpu.memory_space<vmem>>) offsets(%arg12 : memref<3584xi32, #tpu.memory_space<vmem>>) semaphore(%arg32 : memref<!tpu.dma_semaphore, #tpu.memory_space<semaphore_mem>>)
    %dma_start3A_19 = arith.constant 0 : i32
    %dma_start3A_20 = tpu.memref_slice %arg4[%dma_start3A_19] : memref<100000xf32, #tpu.memory_space<hbm>> -> memref<100000xf32, #tpu.memory_space<hbm>>
    tpu.enqueue_indirect_dma source(%dma_start3A_20 : memref<100000xf32, #tpu.memory_space<hbm>>) target(%arg19 : memref<3584xf32, #tpu.memory_space<vmem>>) offsets(%arg12 : memref<3584xi32, #tpu.memory_space<vmem>>) semaphore(%arg32 : memref<!tpu.dma_semaphore, #tpu.memory_space<semaphore_mem>>)
    %dma_start3A_21 = arith.constant 0 : i32
    %dma_start3A_22 = tpu.memref_slice %arg5[%dma_start3A_21] : memref<100000xf32, #tpu.memory_space<hbm>> -> memref<100000xf32, #tpu.memory_space<hbm>>
    tpu.enqueue_indirect_dma source(%dma_start3A_22 : memref<100000xf32, #tpu.memory_space<hbm>>) target(%arg20 : memref<3584xf32, #tpu.memory_space<vmem>>) offsets(%arg12 : memref<3584xi32, #tpu.memory_space<vmem>>) semaphore(%arg32 : memref<!tpu.dma_semaphore, #tpu.memory_space<semaphore_mem>>)
    %scan3A = arith.constant 0 : i32
    %scan3A_23 = arith.constant 0 : i32
    %scan3A_24 = arith.constant 7 : i32
    %scan3A_25 = arith.addi %scan3A_23, %scan3A_24 : i32
    %scan3A_26 = arith.constant 1 : i32
    %scan3A_27 = scf.for %scan3A_29 = %scan3A_23 to %scan3A_25 step %scan3A_26 iter_args(%scan3A_30 = %scan3A) -> (i32)  : i32 {
      %mul3A_31 = arith.constant 2 : i32
      %mul3A_32 = arith.muli %mul3A_31, %scan3A_29 : i32
      %add3A_33 = arith.constant 1 : i32
      %add3A_34 = arith.addi %mul3A_32, %add3A_33 : i32
      %mul3A_35 = arith.constant 3136 : i32
      %mul3A_36 = arith.muli %add3A, %mul3A_35 : i32
      %mul3A_37 = arith.constant 224 : i32
      %mul3A_38 = arith.muli %add3A_34, %mul3A_37 : i32
      %add3A_39 = arith.addi %mul3A_36, %mul3A_38 : i32
      %min3A_40 = arith.constant 99776 : i32
      %min3A_41 = arith.minsi %add3A_39, %min3A_40 : i32
      %mul3A_42 = arith.constant 16 : i32
      %mul3A_43 = arith.muli %min3A_41, %mul3A_42 : i32
      "tpu.region"() ({
        %run_scoped3A = tpu.sem_alloc : memref<!tpu.dma_semaphore, #tpu.memory_space<semaphore_mem>>
        %dma_start3A_158 = tpu.memref_slice %arg6[%mul3A_43] : memref<1600000xi32, #tpu.memory_space<hbm>> -> memref<3584xi32, #tpu.memory_space<hbm>>
        %dma_start3A_159 = tpu.memref_slice %arg6[%mul3A_43] : memref<1600000xi32, #tpu.memory_space<hbm>> -> memref<3584xi32, #tpu.memory_space<hbm>>
        tpu.enqueue_dma source(%dma_start3A_159 : memref<3584xi32, #tpu.memory_space<hbm>>) target(%arg21 : memref<3584xi32, #tpu.memory_space<vmem>>) target_semaphore(%run_scoped3A : memref<!tpu.dma_semaphore, #tpu.memory_space<semaphore_mem>>)
        %dma_wait3A_160 = tpu.memref_slice %arg6[%mul3A_43] : memref<1600000xi32, #tpu.memory_space<hbm>> -> memref<3584xi32, #tpu.memory_space<hbm>>
        %dma_wait3A_161 = tpu.memref_slice %arg6[%mul3A_43] : memref<1600000xi32, #tpu.memory_space<hbm>> -> memref<3584xi32, #tpu.memory_space<hbm>>
        tpu.wait_dma2 semaphore(%run_scoped3A : memref<!tpu.dma_semaphore, #tpu.memory_space<semaphore_mem>>) src(%dma_wait3A_161 : memref<3584xi32, #tpu.memory_space<hbm>>) dst(%arg21 : memref<3584xi32, #tpu.memory_space<vmem>>)
        tpu.yield
      }) : () -> ()
      "tpu.region"() ({
        %run_scoped3A = tpu.sem_alloc : memref<!tpu.dma_semaphore, #tpu.memory_space<semaphore_mem>>
        %dma_start3A_158 = tpu.memref_slice %arg7[%mul3A_43] : memref<1600000xi32, #tpu.memory_space<hbm>> -> memref<3584xi32, #tpu.memory_space<hbm>>
        %dma_start3A_159 = tpu.memref_slice %arg7[%mul3A_43] : memref<1600000xi32, #tpu.memory_space<hbm>> -> memref<3584xi32, #tpu.memory_space<hbm>>
        tpu.enqueue_dma source(%dma_start3A_159 : memref<3584xi32, #tpu.memory_space<hbm>>) target(%arg22 : memref<3584xi32, #tpu.memory_space<vmem>>) target_semaphore(%run_scoped3A : memref<!tpu.dma_semaphore, #tpu.memory_space<semaphore_mem>>)
        %dma_wait3A_160 = tpu.memref_slice %arg7[%mul3A_43] : memref<1600000xi32, #tpu.memory_space<hbm>> -> memref<3584xi32, #tpu.memory_space<hbm>>
        %dma_wait3A_161 = tpu.memref_slice %arg7[%mul3A_43] : memref<1600000xi32, #tpu.memory_space<hbm>> -> memref<3584xi32, #tpu.memory_space<hbm>>
        tpu.wait_dma2 semaphore(%run_scoped3A : memref<!tpu.dma_semaphore, #tpu.memory_space<semaphore_mem>>) src(%dma_wait3A_161 : memref<3584xi32, #tpu.memory_space<hbm>>) dst(%arg22 : memref<3584xi32, #tpu.memory_space<vmem>>)
        tpu.yield
      }) : () -> ()
      %dma_start3A_44 = arith.constant 0 : i32
      %dma_start3A_45 = tpu.memref_slice %arg2[%dma_start3A_44] : memref<100000xf32, #tpu.memory_space<hbm>> -> memref<100000xf32, #tpu.memory_space<hbm>>
      tpu.enqueue_indirect_dma source(%dma_start3A_45 : memref<100000xf32, #tpu.memory_space<hbm>>) target(%arg23 : memref<3584xf32, #tpu.memory_space<vmem>>) offsets(%arg21 : memref<3584xi32, #tpu.memory_space<vmem>>) semaphore(%arg33 : memref<!tpu.dma_semaphore, #tpu.memory_space<semaphore_mem>>)
      %dma_start3A_46 = arith.constant 0 : i32
      %dma_start3A_47 = tpu.memref_slice %arg3[%dma_start3A_46] : memref<100000xf32, #tpu.memory_space<hbm>> -> memref<100000xf32, #tpu.memory_space<hbm>>
      tpu.enqueue_indirect_dma source(%dma_start3A_47 : memref<100000xf32, #tpu.memory_space<hbm>>) target(%arg24 : memref<3584xf32, #tpu.memory_space<vmem>>) offsets(%arg21 : memref<3584xi32, #tpu.memory_space<vmem>>) semaphore(%arg33 : memref<!tpu.dma_semaphore, #tpu.memory_space<semaphore_mem>>)
      %dma_start3A_48 = arith.constant 0 : i32
      %dma_start3A_49 = tpu.memref_slice %arg4[%dma_start3A_48] : memref<100000xf32, #tpu.memory_space<hbm>> -> memref<100000xf32, #tpu.memory_space<hbm>>
      tpu.enqueue_indirect_dma source(%dma_start3A_49 : memref<100000xf32, #tpu.memory_space<hbm>>) target(%arg25 : memref<3584xf32, #tpu.memory_space<vmem>>) offsets(%arg21 : memref<3584xi32, #tpu.memory_space<vmem>>) semaphore(%arg33 : memref<!tpu.dma_semaphore, #tpu.memory_space<semaphore_mem>>)
      %dma_start3A_50 = arith.constant 0 : i32
      %dma_start3A_51 = tpu.memref_slice %arg5[%dma_start3A_50] : memref<100000xf32, #tpu.memory_space<hbm>> -> memref<100000xf32, #tpu.memory_space<hbm>>
      tpu.enqueue_indirect_dma source(%dma_start3A_51 : memref<100000xf32, #tpu.memory_space<hbm>>) target(%arg26 : memref<3584xf32, #tpu.memory_space<vmem>>) offsets(%arg21 : memref<3584xi32, #tpu.memory_space<vmem>>) semaphore(%arg33 : memref<!tpu.dma_semaphore, #tpu.memory_space<semaphore_mem>>)
      %dma_start3A_52 = arith.constant 0 : i32
      %dma_start3A_53 = tpu.memref_slice %arg2[%dma_start3A_52] : memref<100000xf32, #tpu.memory_space<hbm>> -> memref<100000xf32, #tpu.memory_space<hbm>>
      tpu.enqueue_indirect_dma source(%dma_start3A_53 : memref<100000xf32, #tpu.memory_space<hbm>>) target(%arg27 : memref<3584xf32, #tpu.memory_space<vmem>>) offsets(%arg22 : memref<3584xi32, #tpu.memory_space<vmem>>) semaphore(%arg33 : memref<!tpu.dma_semaphore, #tpu.memory_space<semaphore_mem>>)
      %dma_start3A_54 = arith.constant 0 : i32
      %dma_start3A_55 = tpu.memref_slice %arg3[%dma_start3A_54] : memref<100000xf32, #tpu.memory_space<hbm>> -> memref<100000xf32, #tpu.memory_space<hbm>>
      tpu.enqueue_indirect_dma source(%dma_start3A_55 : memref<100000xf32, #tpu.memory_space<hbm>>) target(%arg28 : memref<3584xf32, #tpu.memory_space<vmem>>) offsets(%arg22 : memref<3584xi32, #tpu.memory_space<vmem>>) semaphore(%arg33 : memref<!tpu.dma_semaphore, #tpu.memory_space<semaphore_mem>>)
      %dma_start3A_56 = arith.constant 0 : i32
      %dma_start3A_57 = tpu.memref_slice %arg4[%dma_start3A_56] : memref<100000xf32, #tpu.memory_space<hbm>> -> memref<100000xf32, #tpu.memory_space<hbm>>
      tpu.enqueue_indirect_dma source(%dma_start3A_57 : memref<100000xf32, #tpu.memory_space<hbm>>) target(%arg29 : memref<3584xf32, #tpu.memory_space<vmem>>) offsets(%arg22 : memref<3584xi32, #tpu.memory_space<vmem>>) semaphore(%arg33 : memref<!tpu.dma_semaphore, #tpu.memory_space<semaphore_mem>>)
      %dma_start3A_58 = arith.constant 0 : i32
      %dma_start3A_59 = tpu.memref_slice %arg5[%dma_start3A_58] : memref<100000xf32, #tpu.memory_space<hbm>> -> memref<100000xf32, #tpu.memory_space<hbm>>
      tpu.enqueue_indirect_dma source(%dma_start3A_59 : memref<100000xf32, #tpu.memory_space<hbm>>) target(%arg30 : memref<3584xf32, #tpu.memory_space<vmem>>) offsets(%arg22 : memref<3584xi32, #tpu.memory_space<vmem>>) semaphore(%arg33 : memref<!tpu.dma_semaphore, #tpu.memory_space<semaphore_mem>>)
      %dma_wait3A = arith.constant 0 : i32
      %dma_wait3A_60 = tpu.memref_slice %arg2[%dma_wait3A] : memref<100000xf32, #tpu.memory_space<hbm>> -> memref<3584xf32, #tpu.memory_space<hbm>>
      %dma_wait3A_61 = arith.constant 0 : i32
      %dma_wait3A_62 = tpu.memref_slice %arg2[%dma_wait3A_61] : memref<100000xf32, #tpu.memory_space<hbm>> -> memref<3584xf32, #tpu.memory_space<hbm>>
      tpu.wait_dma2 semaphore(%arg32 : memref<!tpu.dma_semaphore, #tpu.memory_space<semaphore_mem>>) src(%dma_wait3A_62 : memref<3584xf32, #tpu.memory_space<hbm>>) dst(%arg13 : memref<3584xf32, #tpu.memory_space<vmem>>)
      %dma_wait3A_63 = arith.constant 0 : i32
      %dma_wait3A_64 = tpu.memref_slice %arg2[%dma_wait3A_63] : memref<100000xf32, #tpu.memory_space<hbm>> -> memref<3584xf32, #tpu.memory_space<hbm>>
      %dma_wait3A_65 = arith.constant 0 : i32
      %dma_wait3A_66 = tpu.memref_slice %arg2[%dma_wait3A_65] : memref<100000xf32, #tpu.memory_space<hbm>> -> memref<3584xf32, #tpu.memory_space<hbm>>
      tpu.wait_dma2 semaphore(%arg32 : memref<!tpu.dma_semaphore, #tpu.memory_space<semaphore_mem>>) src(%dma_wait3A_66 : memref<3584xf32, #tpu.memory_space<hbm>>) dst(%arg14 : memref<3584xf32, #tpu.memory_space<vmem>>)
      %dma_wait3A_67 = arith.constant 0 : i32
      %dma_wait3A_68 = tpu.memref_slice %arg2[%dma_wait3A_67] : memref<100000xf32, #tpu.memory_space<hbm>> -> memref<3584xf32, #tpu.memory_space<hbm>>
      %dma_wait3A_69 = arith.constant 0 : i32
      %dma_wait3A_70 = tpu.memref_slice %arg2[%dma_wait3A_69] : memref<100000xf32, #tpu.memory_space<hbm>> -> memref<3584xf32, #tpu.memory_space<hbm>>
      tpu.wait_dma2 semaphore(%arg32 : memref<!tpu.dma_semaphore, #tpu.memory_space<semaphore_mem>>) src(%dma_wait3A_70 : memref<3584xf32, #tpu.memory_space<hbm>>) dst(%arg15 : memref<3584xf32, #tpu.memory_space<vmem>>)
      %dma_wait3A_71 = arith.constant 0 : i32
      %dma_wait3A_72 = tpu.memref_slice %arg2[%dma_wait3A_71] : memref<100000xf32, #tpu.memory_space<hbm>> -> memref<3584xf32, #tpu.memory_space<hbm>>
      %dma_wait3A_73 = arith.constant 0 : i32
      %dma_wait3A_74 = tpu.memref_slice %arg2[%dma_wait3A_73] : memref<100000xf32, #tpu.memory_space<hbm>> -> memref<3584xf32, #tpu.memory_space<hbm>>
      tpu.wait_dma2 semaphore(%arg32 : memref<!tpu.dma_semaphore, #tpu.memory_space<semaphore_mem>>) src(%dma_wait3A_74 : memref<3584xf32, #tpu.memory_space<hbm>>) dst(%arg16 : memref<3584xf32, #tpu.memory_space<vmem>>)
      %dma_wait3A_75 = arith.constant 0 : i32
      %dma_wait3A_76 = tpu.memref_slice %arg2[%dma_wait3A_75] : memref<100000xf32, #tpu.memory_space<hbm>> -> memref<3584xf32, #tpu.memory_space<hbm>>
      %dma_wait3A_77 = arith.constant 0 : i32
      %dma_wait3A_78 = tpu.memref_slice %arg2[%dma_wait3A_77] : memref<100000xf32, #tpu.memory_space<hbm>> -> memref<3584xf32, #tpu.memory_space<hbm>>
      tpu.wait_dma2 semaphore(%arg32 : memref<!tpu.dma_semaphore, #tpu.memory_space<semaphore_mem>>) src(%dma_wait3A_78 : memref<3584xf32, #tpu.memory_space<hbm>>) dst(%arg17 : memref<3584xf32, #tpu.memory_space<vmem>>)
      %dma_wait3A_79 = arith.constant 0 : i32
      %dma_wait3A_80 = tpu.memref_slice %arg2[%dma_wait3A_79] : memref<100000xf32, #tpu.memory_space<hbm>> -> memref<3584xf32, #tpu.memory_space<hbm>>
      %dma_wait3A_81 = arith.constant 0 : i32
      %dma_wait3A_82 = tpu.memref_slice %arg2[%dma_wait3A_81] : memref<100000xf32, #tpu.memory_space<hbm>> -> memref<3584xf32, #tpu.memory_space<hbm>>
      tpu.wait_dma2 semaphore(%arg32 : memref<!tpu.dma_semaphore, #tpu.memory_space<semaphore_mem>>) src(%dma_wait3A_82 : memref<3584xf32, #tpu.memory_space<hbm>>) dst(%arg18 : memref<3584xf32, #tpu.memory_space<vmem>>)
      %dma_wait3A_83 = arith.constant 0 : i32
      %dma_wait3A_84 = tpu.memref_slice %arg2[%dma_wait3A_83] : memref<100000xf32, #tpu.memory_space<hbm>> -> memref<3584xf32, #tpu.memory_space<hbm>>
      %dma_wait3A_85 = arith.constant 0 : i32
      %dma_wait3A_86 = tpu.memref_slice %arg2[%dma_wait3A_85] : memref<100000xf32, #tpu.memory_space<hbm>> -> memref<3584xf32, #tpu.memory_space<hbm>>
      tpu.wait_dma2 semaphore(%arg32 : memref<!tpu.dma_semaphore, #tpu.memory_space<semaphore_mem>>) src(%dma_wait3A_86 : memref<3584xf32, #tpu.memory_space<hbm>>) dst(%arg19 : memref<3584xf32, #tpu.memory_space<vmem>>)
      %dma_wait3A_87 = arith.constant 0 : i32
      %dma_wait3A_88 = tpu.memref_slice %arg2[%dma_wait3A_87] : memref<100000xf32, #tpu.memory_space<hbm>> -> memref<3584xf32, #tpu.memory_space<hbm>>
      %dma_wait3A_89 = arith.constant 0 : i32
      %dma_wait3A_90 = tpu.memref_slice %arg2[%dma_wait3A_89] : memref<100000xf32, #tpu.memory_space<hbm>> -> memref<3584xf32, #tpu.memory_space<hbm>>
      tpu.wait_dma2 semaphore(%arg32 : memref<!tpu.dma_semaphore, #tpu.memory_space<semaphore_mem>>) src(%dma_wait3A_90 : memref<3584xf32, #tpu.memory_space<hbm>>) dst(%arg20 : memref<3584xf32, #tpu.memory_space<vmem>>)
      %scan3A_91 = arith.constant 0 : i32
      %scan3A_92 = arith.constant 0 : i32
      %scan3A_93 = arith.constant 14 : i32
      %scan3A_94 = arith.addi %scan3A_92, %scan3A_93 : i32
      %scan3A_95 = arith.constant 1 : i32
      %scan3A_96 = scf.for %scan3A_158 = %scan3A_92 to %scan3A_94 step %scan3A_95 iter_args(%scan3A_159 = %scan3A_91) -> (i32)  : i32 {
        %broadcast_in_dim3A = arith.constant 0.000000e+00 : f32
        %broadcast_in_dim3A_160 = vector.broadcast %broadcast_in_dim3A : f32 to vector<16xf32>
        %iota3A = tpu.iota {dimensions = array<i32: 0>} : vector<16xi32>
        %mul3A_161 = arith.constant 16 : i32
        %mul3A_162 = vector.broadcast %mul3A_161 : i32 to vector<16xi32>
        %mul3A_163 = arith.muli %iota3A, %mul3A_162 : vector<16xi32>
        %mul3A_164 = arith.constant 256 : i32
        %mul3A_165 = arith.muli %scan3A_158, %mul3A_164 : i32
        %add3A_166 = vector.broadcast %mul3A_165 : i32 to vector<16xi32>
        %add3A_167 = arith.addi %mul3A_163, %add3A_166 : vector<16xi32>
        %add3A_168 = arith.constant 0 : i32
        %add3A_169 = vector.broadcast %add3A_168 : i32 to vector<16xi32>
        %add3A_170 = arith.addi %add3A_167, %add3A_169 : vector<16xi32>
        %gather3A = tpu.vector_load_idx %arg13[%add3A_170] : memref<3584xf32, #tpu.memory_space<vmem>>[vector<16xi32>], vector<16xf32>,
        %gather3A_171 = tpu.vector_load_idx %arg14[%add3A_170] : memref<3584xf32, #tpu.memory_space<vmem>>[vector<16xi32>], vector<16xf32>,
        %gather3A_172 = tpu.vector_load_idx %arg15[%add3A_170] : memref<3584xf32, #tpu.memory_space<vmem>>[vector<16xi32>], vector<16xf32>,
        %gather3A_173 = tpu.vector_load_idx %arg16[%add3A_170] : memref<3584xf32, #tpu.memory_space<vmem>>[vector<16xi32>], vector<16xf32>,
        %gather3A_174 = tpu.vector_load_idx %arg17[%add3A_170] : memref<3584xf32, #tpu.memory_space<vmem>>[vector<16xi32>], vector<16xf32>,
        %gather3A_175 = tpu.vector_load_idx %arg18[%add3A_170] : memref<3584xf32, #tpu.memory_space<vmem>>[vector<16xi32>], vector<16xf32>,
        %gather3A_176 = tpu.vector_load_idx %arg19[%add3A_170] : memref<3584xf32, #tpu.memory_space<vmem>>[vector<16xi32>], vector<16xf32>,
        %gather3A_177 = tpu.vector_load_idx %arg20[%add3A_170] : memref<3584xf32, #tpu.memory_space<vmem>>[vector<16xi32>], vector<16xf32>,
        %sub3A = arith.subf %gather3A, %gather3A_174 : vector<16xf32>
        %sub3A_178 = arith.subf %gather3A_171, %gather3A_175 : vector<16xf32>
        %sub3A_179 = arith.subf %gather3A_172, %gather3A_176 : vector<16xf32>
        %sub3A_180 = arith.subf %gather3A_173, %gather3A_177 : vector<16xf32>
        %mul3A_181 = arith.mulf %sub3A, %sub3A : vector<16xf32>
        %mul3A_182 = arith.mulf %sub3A_178, %sub3A_178 : vector<16xf32>
        %add3A_183 = arith.addf %mul3A_181, %mul3A_182 : vector<16xf32>
        %mul3A_184 = arith.mulf %sub3A_179, %sub3A_179 : vector<16xf32>
        %add3A_185 = arith.addf %add3A_183, %mul3A_184 : vector<16xf32>
        %eq3A = arith.constant 0.000000e+00 : f32
        %eq3A_186 = vector.broadcast %eq3A : f32 to vector<16xf32>
        %eq3A_187 = arith.cmpf oeq, %add3A_185, %eq3A_186 : vector<16xf32>
        %div3A = arith.constant 1.000000e+00 : f32
        %div3A_188 = vector.broadcast %div3A : f32 to vector<16xf32>
        %div3A_189 = arith.divf %div3A_188, %add3A_185 : vector<16xf32>
        %jit3A = arith.constant 1.000000e+00 : f32
        %broadcast_in_dim3A_190 = vector.broadcast %jit3A : f32 to vector<16xf32>
        %select_n3A = arith.select %eq3A_187, %broadcast_in_dim3A_190, %div3A_189 : vector<16xi1>, vector<16xf32>
        %mul3A_191 = arith.mulf %select_n3A, %sub3A : vector<16xf32>
        %mul3A_192 = arith.mulf %select_n3A, %sub3A_178 : vector<16xf32>
        %mul3A_193 = arith.mulf %select_n3A, %sub3A_179 : vector<16xf32>
        %mul3A_194 = arith.mulf %mul3A_191, %sub3A : vector<16xf32>
        %add3A_195 = arith.addf %broadcast_in_dim3A_160, %mul3A_194 : vector<16xf32>
        %mul3A_196 = arith.mulf %mul3A_191, %sub3A_178 : vector<16xf32>
        %add3A_197 = arith.addf %broadcast_in_dim3A_160, %mul3A_196 : vector<16xf32>
        %mul3A_198 = arith.mulf %mul3A_191, %sub3A_179 : vector<16xf32>
        %add3A_199 = arith.addf %broadcast_in_dim3A_160, %mul3A_198 : vector<16xf32>
        %mul3A_200 = arith.mulf %mul3A_192, %sub3A_178 : vector<16xf32>
        %add3A_201 = arith.addf %broadcast_in_dim3A_160, %mul3A_200 : vector<16xf32>
        %mul3A_202 = arith.mulf %mul3A_192, %sub3A_179 : vector<16xf32>
        %add3A_203 = arith.addf %broadcast_in_dim3A_160, %mul3A_202 : vector<16xf32>
        %mul3A_204 = arith.mulf %mul3A_193, %sub3A_179 : vector<16xf32>
        %add3A_205 = arith.addf %broadcast_in_dim3A_160, %mul3A_204 : vector<16xf32>
        %mul3A_206 = arith.mulf %mul3A_191, %sub3A_180 : vector<16xf32>
        %add3A_207 = arith.addf %broadcast_in_dim3A_160, %mul3A_206 : vector<16xf32>
        %mul3A_208 = arith.mulf %mul3A_192, %sub3A_180 : vector<16xf32>
        %add3A_209 = arith.addf %broadcast_in_dim3A_160, %mul3A_208 : vector<16xf32>
        %mul3A_210 = arith.mulf %mul3A_193, %sub3A_180 : vector<16xf32>
        %add3A_211 = arith.addf %broadcast_in_dim3A_160, %mul3A_210 : vector<16xf32>
        %add3A_212 = arith.constant 1 : i32
        %add3A_213 = vector.broadcast %add3A_212 : i32 to vector<16xi32>
        %add3A_214 = arith.addi %add3A_167, %add3A_213 : vector<16xi32>
        %gather3A_215 = tpu.vector_load_idx %arg13[%add3A_214] : memref<3584xf32, #tpu.memory_space<vmem>>[vector<16xi32>], vector<16xf32>,
        %gather3A_216 = tpu.vector_load_idx %arg14[%add3A_214] : memref<3584xf32, #tpu.memory_space<vmem>>[vector<16xi32>], vector<16xf32>,
        %gather3A_217 = tpu.vector_load_idx %arg15[%add3A_214] : memref<3584xf32, #tpu.memory_space<vmem>>[vector<16xi32>], vector<16xf32>,
        %gather3A_218 = tpu.vector_load_idx %arg16[%add3A_214] : memref<3584xf32, #tpu.memory_space<vmem>>[vector<16xi32>], vector<16xf32>,
        %gather3A_219 = tpu.vector_load_idx %arg17[%add3A_214] : memref<3584xf32, #tpu.memory_space<vmem>>[vector<16xi32>], vector<16xf32>,
        %gather3A_220 = tpu.vector_load_idx %arg18[%add3A_214] : memref<3584xf32, #tpu.memory_space<vmem>>[vector<16xi32>], vector<16xf32>,
        %gather3A_221 = tpu.vector_load_idx %arg19[%add3A_214] : memref<3584xf32, #tpu.memory_space<vmem>>[vector<16xi32>], vector<16xf32>,
        %gather3A_222 = tpu.vector_load_idx %arg20[%add3A_214] : memref<3584xf32, #tpu.memory_space<vmem>>[vector<16xi32>], vector<16xf32>,
        %sub3A_223 = arith.subf %gather3A_215, %gather3A_219 : vector<16xf32>
        %sub3A_224 = arith.subf %gather3A_216, %gather3A_220 : vector<16xf32>
        %sub3A_225 = arith.subf %gather3A_217, %gather3A_221 : vector<16xf32>
        %sub3A_226 = arith.subf %gather3A_218, %gather3A_222 : vector<16xf32>
        %mul3A_227 = arith.mulf %sub3A_223, %sub3A_223 : vector<16xf32>
        %mul3A_228 = arith.mulf %sub3A_224, %sub3A_224 : vector<16xf32>
        %add3A_229 = arith.addf %mul3A_227, %mul3A_228 : vector<16xf32>
        %mul3A_230 = arith.mulf %sub3A_225, %sub3A_225 : vector<16xf32>
        %add3A_231 = arith.addf %add3A_229, %mul3A_230 : vector<16xf32>
        %eq3A_232 = arith.constant 0.000000e+00 : f32
        %eq3A_233 = vector.broadcast %eq3A_232 : f32 to vector<16xf32>
        %eq3A_234 = arith.cmpf oeq, %add3A_231, %eq3A_233 : vector<16xf32>
        %div3A_235 = arith.constant 1.000000e+00 : f32
        %div3A_236 = vector.broadcast %div3A_235 : f32 to vector<16xf32>
        %div3A_237 = arith.divf %div3A_236, %add3A_231 : vector<16xf32>
        %jit3A_238 = arith.constant 1.000000e+00 : f32
        %broadcast_in_dim3A_239 = vector.broadcast %jit3A_238 : f32 to vector<16xf32>
        %select_n3A_240 = arith.select %eq3A_234, %broadcast_in_dim3A_239, %div3A_237 : vector<16xi1>, vector<16xf32>
        %mul3A_241 = arith.mulf %select_n3A_240, %sub3A_223 : vector<16xf32>
        %mul3A_242 = arith.mulf %select_n3A_240, %sub3A_224 : vector<16xf32>
        %mul3A_243 = arith.mulf %select_n3A_240, %sub3A_225 : vector<16xf32>
        %mul3A_244 = arith.mulf %mul3A_241, %sub3A_223 : vector<16xf32>
        %add3A_245 = arith.addf %add3A_195, %mul3A_244 : vector<16xf32>
        %mul3A_246 = arith.mulf %mul3A_241, %sub3A_224 : vector<16xf32>
        %add3A_247 = arith.addf %add3A_197, %mul3A_246 : vector<16xf32>
        %mul3A_248 = arith.mulf %mul3A_241, %sub3A_225 : vector<16xf32>
        %add3A_249 = arith.addf %add3A_199, %mul3A_248 : vector<16xf32>
        %mul3A_250 = arith.mulf %mul3A_242, %sub3A_224 : vector<16xf32>
        %add3A_251 = arith.addf %add3A_201, %mul3A_250 : vector<16xf32>
        %mul3A_252 = arith.mulf %mul3A_242, %sub3A_225 : vector<16xf32>
        %add3A_253 = arith.addf %add3A_203, %mul3A_252 : vector<16xf32>
        %mul3A_254 = arith.mulf %mul3A_243, %sub3A_225 : vector<16xf32>
        %add3A_255 = arith.addf %add3A_205, %mul3A_254 : vector<16xf32>
        %mul3A_256 = arith.mulf %mul3A_241, %sub3A_226 : vector<16xf32>
        %add3A_257 = arith.addf %add3A_207, %mul3A_256 : vector<16xf32>
        %mul3A_258 = arith.mulf %mul3A_242, %sub3A_226 : vector<16xf32>
        %add3A_259 = arith.addf %add3A_209, %mul3A_258 : vector<16xf32>
        %mul3A_260 = arith.mulf %mul3A_243, %sub3A_226 : vector<16xf32>
        %add3A_261 = arith.addf %add3A_211, %mul3A_260 : vector<16xf32>
        %add3A_262 = arith.constant 2 : i32
        %add3A_263 = vector.broadcast %add3A_262 : i32 to vector<16xi32>
        %add3A_264 = arith.addi %add3A_167, %add3A_263 : vector<16xi32>
        %gather3A_265 = tpu.vector_load_idx %arg13[%add3A_264] : memref<3584xf32, #tpu.memory_space<vmem>>[vector<16xi32>], vector<16xf32>,
        %gather3A_266 = tpu.vector_load_idx %arg14[%add3A_264] : memref<3584xf32, #tpu.memory_space<vmem>>[vector<16xi32>], vector<16xf32>,
        %gather3A_267 = tpu.vector_load_idx %arg15[%add3A_264] : memref<3584xf32, #tpu.memory_space<vmem>>[vector<16xi32>], vector<16xf32>,
        %gather3A_268 = tpu.vector_load_idx %arg16[%add3A_264] : memref<3584xf32, #tpu.memory_space<vmem>>[vector<16xi32>], vector<16xf32>,
        %gather3A_269 = tpu.vector_load_idx %arg17[%add3A_264] : memref<3584xf32, #tpu.memory_space<vmem>>[vector<16xi32>], vector<16xf32>,
        %gather3A_270 = tpu.vector_load_idx %arg18[%add3A_264] : memref<3584xf32, #tpu.memory_space<vmem>>[vector<16xi32>], vector<16xf32>,
        %gather3A_271 = tpu.vector_load_idx %arg19[%add3A_264] : memref<3584xf32, #tpu.memory_space<vmem>>[vector<16xi32>], vector<16xf32>,
        %gather3A_272 = tpu.vector_load_idx %arg20[%add3A_264] : memref<3584xf32, #tpu.memory_space<vmem>>[vector<16xi32>], vector<16xf32>,
        %sub3A_273 = arith.subf %gather3A_265, %gather3A_269 : vector<16xf32>
        %sub3A_274 = arith.subf %gather3A_266, %gather3A_270 : vector<16xf32>
        %sub3A_275 = arith.subf %gather3A_267, %gather3A_271 : vector<16xf32>
        %sub3A_276 = arith.subf %gather3A_268, %gather3A_272 : vector<16xf32>
        %mul3A_277 = arith.mulf %sub3A_273, %sub3A_273 : vector<16xf32>
        %mul3A_278 = arith.mulf %sub3A_274, %sub3A_274 : vector<16xf32>
        %add3A_279 = arith.addf %mul3A_277, %mul3A_278 : vector<16xf32>
        %mul3A_280 = arith.mulf %sub3A_275, %sub3A_275 : vector<16xf32>
        %add3A_281 = arith.addf %add3A_279, %mul3A_280 : vector<16xf32>
        %eq3A_282 = arith.constant 0.000000e+00 : f32
        %eq3A_283 = vector.broadcast %eq3A_282 : f32 to vector<16xf32>
        %eq3A_284 = arith.cmpf oeq, %add3A_281, %eq3A_283 : vector<16xf32>
        %div3A_285 = arith.constant 1.000000e+00 : f32
        %div3A_286 = vector.broadcast %div3A_285 : f32 to vector<16xf32>
        %div3A_287 = arith.divf %div3A_286, %add3A_281 : vector<16xf32>
        %jit3A_288 = arith.constant 1.000000e+00 : f32
        %broadcast_in_dim3A_289 = vector.broadcast %jit3A_288 : f32 to vector<16xf32>
        %select_n3A_290 = arith.select %eq3A_284, %broadcast_in_dim3A_289, %div3A_287 : vector<16xi1>, vector<16xf32>
        %mul3A_291 = arith.mulf %select_n3A_290, %sub3A_273 : vector<16xf32>
        %mul3A_292 = arith.mulf %select_n3A_290, %sub3A_274 : vector<16xf32>
        %mul3A_293 = arith.mulf %select_n3A_290, %sub3A_275 : vector<16xf32>
        %mul3A_294 = arith.mulf %mul3A_291, %sub3A_273 : vector<16xf32>
        %add3A_295 = arith.addf %add3A_245, %mul3A_294 : vector<16xf32>
        %mul3A_296 = arith.mulf %mul3A_291, %sub3A_274 : vector<16xf32>
        %add3A_297 = arith.addf %add3A_247, %mul3A_296 : vector<16xf32>
        %mul3A_298 = arith.mulf %mul3A_291, %sub3A_275 : vector<16xf32>
        %add3A_299 = arith.addf %add3A_249, %mul3A_298 : vector<16xf32>
        %mul3A_300 = arith.mulf %mul3A_292, %sub3A_274 : vector<16xf32>
        %add3A_301 = arith.addf %add3A_251, %mul3A_300 : vector<16xf32>
        %mul3A_302 = arith.mulf %mul3A_292, %sub3A_275 : vector<16xf32>
        %add3A_303 = arith.addf %add3A_253, %mul3A_302 : vector<16xf32>
        %mul3A_304 = arith.mulf %mul3A_293, %sub3A_275 : vector<16xf32>
        %add3A_305 = arith.addf %add3A_255, %mul3A_304 : vector<16xf32>
        %mul3A_306 = arith.mulf %mul3A_291, %sub3A_276 : vector<16xf32>
        %add3A_307 = arith.addf %add3A_257, %mul3A_306 : vector<16xf32>
        %mul3A_308 = arith.mulf %mul3A_292, %sub3A_276 : vector<16xf32>
        %add3A_309 = arith.addf %add3A_259, %mul3A_308 : vector<16xf32>
        %mul3A_310 = arith.mulf %mul3A_293, %sub3A_276 : vector<16xf32>
        %add3A_311 = arith.addf %add3A_261, %mul3A_310 : vector<16xf32>
        %add3A_312 = arith.constant 3 : i32
        %add3A_313 = vector.broadcast %add3A_312 : i32 to vector<16xi32>
        %add3A_314 = arith.addi %add3A_167, %add3A_313 : vector<16xi32>
        %gather3A_315 = tpu.vector_load_idx %arg13[%add3A_314] : memref<3584xf32, #tpu.memory_space<vmem>>[vector<16xi32>], vector<16xf32>,
        %gather3A_316 = tpu.vector_load_idx %arg14[%add3A_314] : memref<3584xf32, #tpu.memory_space<vmem>>[vector<16xi32>], vector<16xf32>,
        %gather3A_317 = tpu.vector_load_idx %arg15[%add3A_314] : memref<3584xf32, #tpu.memory_space<vmem>>[vector<16xi32>], vector<16xf32>,
        %gather3A_318 = tpu.vector_load_idx %arg16[%add3A_314] : memref<3584xf32, #tpu.memory_space<vmem>>[vector<16xi32>], vector<16xf32>,
        %gather3A_319 = tpu.vector_load_idx %arg17[%add3A_314] : memref<3584xf32, #tpu.memory_space<vmem>>[vector<16xi32>], vector<16xf32>,
        %gather3A_320 = tpu.vector_load_idx %arg18[%add3A_314] : memref<3584xf32, #tpu.memory_space<vmem>>[vector<16xi32>], vector<16xf32>,
        %gather3A_321 = tpu.vector_load_idx %arg19[%add3A_314] : memref<3584xf32, #tpu.memory_space<vmem>>[vector<16xi32>], vector<16xf32>,
        %gather3A_322 = tpu.vector_load_idx %arg20[%add3A_314] : memref<3584xf32, #tpu.memory_space<vmem>>[vector<16xi32>], vector<16xf32>,
        %sub3A_323 = arith.subf %gather3A_315, %gather3A_319 : vector<16xf32>
        %sub3A_324 = arith.subf %gather3A_316, %gather3A_320 : vector<16xf32>
        %sub3A_325 = arith.subf %gather3A_317, %gather3A_321 : vector<16xf32>
        %sub3A_326 = arith.subf %gather3A_318, %gather3A_322 : vector<16xf32>
        %mul3A_327 = arith.mulf %sub3A_323, %sub3A_323 : vector<16xf32>
        %mul3A_328 = arith.mulf %sub3A_324, %sub3A_324 : vector<16xf32>
        %add3A_329 = arith.addf %mul3A_327, %mul3A_328 : vector<16xf32>
        %mul3A_330 = arith.mulf %sub3A_325, %sub3A_325 : vector<16xf32>
        %add3A_331 = arith.addf %add3A_329, %mul3A_330 : vector<16xf32>
        %eq3A_332 = arith.constant 0.000000e+00 : f32
        %eq3A_333 = vector.broadcast %eq3A_332 : f32 to vector<16xf32>
        %eq3A_334 = arith.cmpf oeq, %add3A_331, %eq3A_333 : vector<16xf32>
        %div3A_335 = arith.constant 1.000000e+00 : f32
        %div3A_336 = vector.broadcast %div3A_335 : f32 to vector<16xf32>
        %div3A_337 = arith.divf %div3A_336, %add3A_331 : vector<16xf32>
        %jit3A_338 = arith.constant 1.000000e+00 : f32
        %broadcast_in_dim3A_339 = vector.broadcast %jit3A_338 : f32 to vector<16xf32>
        %select_n3A_340 = arith.select %eq3A_334, %broadcast_in_dim3A_339, %div3A_337 : vector<16xi1>, vector<16xf32>
        %mul3A_341 = arith.mulf %select_n3A_340, %sub3A_323 : vector<16xf32>
        %mul3A_342 = arith.mulf %select_n3A_340, %sub3A_324 : vector<16xf32>
        %mul3A_343 = arith.mulf %select_n3A_340, %sub3A_325 : vector<16xf32>
        %mul3A_344 = arith.mulf %mul3A_341, %sub3A_323 : vector<16xf32>
        %add3A_345 = arith.addf %add3A_295, %mul3A_344 : vector<16xf32>
        %mul3A_346 = arith.mulf %mul3A_341, %sub3A_324 : vector<16xf32>
        %add3A_347 = arith.addf %add3A_297, %mul3A_346 : vector<16xf32>
        %mul3A_348 = arith.mulf %mul3A_341, %sub3A_325 : vector<16xf32>
        %add3A_349 = arith.addf %add3A_299, %mul3A_348 : vector<16xf32>
        %mul3A_350 = arith.mulf %mul3A_342, %sub3A_324 : vector<16xf32>
        %add3A_351 = arith.addf %add3A_301, %mul3A_350 : vector<16xf32>
        %mul3A_352 = arith.mulf %mul3A_342, %sub3A_325 : vector<16xf32>
        %add3A_353 = arith.addf %add3A_303, %mul3A_352 : vector<16xf32>
        %mul3A_354 = arith.mulf %mul3A_343, %sub3A_325 : vector<16xf32>
        %add3A_355 = arith.addf %add3A_305, %mul3A_354 : vector<16xf32>
        %mul3A_356 = arith.mulf %mul3A_341, %sub3A_326 : vector<16xf32>
        %add3A_357 = arith.addf %add3A_307, %mul3A_356 : vector<16xf32>
        %mul3A_358 = arith.mulf %mul3A_342, %sub3A_326 : vector<16xf32>
        %add3A_359 = arith.addf %add3A_309, %mul3A_358 : vector<16xf32>
        %mul3A_360 = arith.mulf %mul3A_343, %sub3A_326 : vector<16xf32>
        %add3A_361 = arith.addf %add3A_311, %mul3A_360 : vector<16xf32>
        %add3A_362 = arith.constant 4 : i32
        %add3A_363 = vector.broadcast %add3A_362 : i32 to vector<16xi32>
        %add3A_364 = arith.addi %add3A_167, %add3A_363 : vector<16xi32>
        %gather3A_365 = tpu.vector_load_idx %arg13[%add3A_364] : memref<3584xf32, #tpu.memory_space<vmem>>[vector<16xi32>], vector<16xf32>,
        %gather3A_366 = tpu.vector_load_idx %arg14[%add3A_364] : memref<3584xf32, #tpu.memory_space<vmem>>[vector<16xi32>], vector<16xf32>,
        %gather3A_367 = tpu.vector_load_idx %arg15[%add3A_364] : memref<3584xf32, #tpu.memory_space<vmem>>[vector<16xi32>], vector<16xf32>,
        %gather3A_368 = tpu.vector_load_idx %arg16[%add3A_364] : memref<3584xf32, #tpu.memory_space<vmem>>[vector<16xi32>], vector<16xf32>,
        %gather3A_369 = tpu.vector_load_idx %arg17[%add3A_364] : memref<3584xf32, #tpu.memory_space<vmem>>[vector<16xi32>], vector<16xf32>,
        %gather3A_370 = tpu.vector_load_idx %arg18[%add3A_364] : memref<3584xf32, #tpu.memory_space<vmem>>[vector<16xi32>], vector<16xf32>,
        %gather3A_371 = tpu.vector_load_idx %arg19[%add3A_364] : memref<3584xf32, #tpu.memory_space<vmem>>[vector<16xi32>], vector<16xf32>,
        %gather3A_372 = tpu.vector_load_idx %arg20[%add3A_364] : memref<3584xf32, #tpu.memory_space<vmem>>[vector<16xi32>], vector<16xf32>,
        %sub3A_373 = arith.subf %gather3A_365, %gather3A_369 : vector<16xf32>
        %sub3A_374 = arith.subf %gather3A_366, %gather3A_370 : vector<16xf32>
        %sub3A_375 = arith.subf %gather3A_367, %gather3A_371 : vector<16xf32>
        %sub3A_376 = arith.subf %gather3A_368, %gather3A_372 : vector<16xf32>
        %mul3A_377 = arith.mulf %sub3A_373, %sub3A_373 : vector<16xf32>
        %mul3A_378 = arith.mulf %sub3A_374, %sub3A_374 : vector<16xf32>
        %add3A_379 = arith.addf %mul3A_377, %mul3A_378 : vector<16xf32>
        %mul3A_380 = arith.mulf %sub3A_375, %sub3A_375 : vector<16xf32>
        %add3A_381 = arith.addf %add3A_379, %mul3A_380 : vector<16xf32>
        %eq3A_382 = arith.constant 0.000000e+00 : f32
        %eq3A_383 = vector.broadcast %eq3A_382 : f32 to vector<16xf32>
        %eq3A_384 = arith.cmpf oeq, %add3A_381, %eq3A_383 : vector<16xf32>
        %div3A_385 = arith.constant 1.000000e+00 : f32
        %div3A_386 = vector.broadcast %div3A_385 : f32 to vector<16xf32>
        %div3A_387 = arith.divf %div3A_386, %add3A_381 : vector<16xf32>
        %jit3A_388 = arith.constant 1.000000e+00 : f32
        %broadcast_in_dim3A_389 = vector.broadcast %jit3A_388 : f32 to vector<16xf32>
        %select_n3A_390 = arith.select %eq3A_384, %broadcast_in_dim3A_389, %div3A_387 : vector<16xi1>, vector<16xf32>
        %mul3A_391 = arith.mulf %select_n3A_390, %sub3A_373 : vector<16xf32>
        %mul3A_392 = arith.mulf %select_n3A_390, %sub3A_374 : vector<16xf32>
        %mul3A_393 = arith.mulf %select_n3A_390, %sub3A_375 : vector<16xf32>
        %mul3A_394 = arith.mulf %mul3A_391, %sub3A_373 : vector<16xf32>
        %add3A_395 = arith.addf %add3A_345, %mul3A_394 : vector<16xf32>
        %mul3A_396 = arith.mulf %mul3A_391, %sub3A_374 : vector<16xf32>
        %add3A_397 = arith.addf %add3A_347, %mul3A_396 : vector<16xf32>
        %mul3A_398 = arith.mulf %mul3A_391, %sub3A_375 : vector<16xf32>
        %add3A_399 = arith.addf %add3A_349, %mul3A_398 : vector<16xf32>
        %mul3A_400 = arith.mulf %mul3A_392, %sub3A_374 : vector<16xf32>
        %add3A_401 = arith.addf %add3A_351, %mul3A_400 : vector<16xf32>
        %mul3A_402 = arith.mulf %mul3A_392, %sub3A_375 : vector<16xf32>
        %add3A_403 = arith.addf %add3A_353, %mul3A_402 : vector<16xf32>
        %mul3A_404 = arith.mulf %mul3A_393, %sub3A_375 : vector<16xf32>
        %add3A_405 = arith.addf %add3A_355, %mul3A_404 : vector<16xf32>
        %mul3A_406 = arith.mulf %mul3A_391, %sub3A_376 : vector<16xf32>
        %add3A_407 = arith.addf %add3A_357, %mul3A_406 : vector<16xf32>
        %mul3A_408 = arith.mulf %mul3A_392, %sub3A_376 : vector<16xf32>
        %add3A_409 = arith.addf %add3A_359, %mul3A_408 : vector<16xf32>
        %mul3A_410 = arith.mulf %mul3A_393, %sub3A_376 : vector<16xf32>
        %add3A_411 = arith.addf %add3A_361, %mul3A_410 : vector<16xf32>
        %add3A_412 = arith.constant 5 : i32
        %add3A_413 = vector.broadcast %add3A_412 : i32 to vector<16xi32>
        %add3A_414 = arith.addi %add3A_167, %add3A_413 : vector<16xi32>
        %gather3A_415 = tpu.vector_load_idx %arg13[%add3A_414] : memref<3584xf32, #tpu.memory_space<vmem>>[vector<16xi32>], vector<16xf32>,
        %gather3A_416 = tpu.vector_load_idx %arg14[%add3A_414] : memref<3584xf32, #tpu.memory_space<vmem>>[vector<16xi32>], vector<16xf32>,
        %gather3A_417 = tpu.vector_load_idx %arg15[%add3A_414] : memref<3584xf32, #tpu.memory_space<vmem>>[vector<16xi32>], vector<16xf32>,
        %gather3A_418 = tpu.vector_load_idx %arg16[%add3A_414] : memref<3584xf32, #tpu.memory_space<vmem>>[vector<16xi32>], vector<16xf32>,
        %gather3A_419 = tpu.vector_load_idx %arg17[%add3A_414] : memref<3584xf32, #tpu.memory_space<vmem>>[vector<16xi32>], vector<16xf32>,
        %gather3A_420 = tpu.vector_load_idx %arg18[%add3A_414] : memref<3584xf32, #tpu.memory_space<vmem>>[vector<16xi32>], vector<16xf32>,
        %gather3A_421 = tpu.vector_load_idx %arg19[%add3A_414] : memref<3584xf32, #tpu.memory_space<vmem>>[vector<16xi32>], vector<16xf32>,
        %gather3A_422 = tpu.vector_load_idx %arg20[%add3A_414] : memref<3584xf32, #tpu.memory_space<vmem>>[vector<16xi32>], vector<16xf32>,
        %sub3A_423 = arith.subf %gather3A_415, %gather3A_419 : vector<16xf32>
        %sub3A_424 = arith.subf %gather3A_416, %gather3A_420 : vector<16xf32>
        %sub3A_425 = arith.subf %gather3A_417, %gather3A_421 : vector<16xf32>
        %sub3A_426 = arith.subf %gather3A_418, %gather3A_422 : vector<16xf32>
        %mul3A_427 = arith.mulf %sub3A_423, %sub3A_423 : vector<16xf32>
        %mul3A_428 = arith.mulf %sub3A_424, %sub3A_424 : vector<16xf32>
        %add3A_429 = arith.addf %mul3A_427, %mul3A_428 : vector<16xf32>
        %mul3A_430 = arith.mulf %sub3A_425, %sub3A_425 : vector<16xf32>
        %add3A_431 = arith.addf %add3A_429, %mul3A_430 : vector<16xf32>
        %eq3A_432 = arith.constant 0.000000e+00 : f32
        %eq3A_433 = vector.broadcast %eq3A_432 : f32 to vector<16xf32>
        %eq3A_434 = arith.cmpf oeq, %add3A_431, %eq3A_433 : vector<16xf32>
        %div3A_435 = arith.constant 1.000000e+00 : f32
        %div3A_436 = vector.broadcast %div3A_435 : f32 to vector<16xf32>
        %div3A_437 = arith.divf %div3A_436, %add3A_431 : vector<16xf32>
        %jit3A_438 = arith.constant 1.000000e+00 : f32
        %broadcast_in_dim3A_439 = vector.broadcast %jit3A_438 : f32 to vector<16xf32>
        %select_n3A_440 = arith.select %eq3A_434, %broadcast_in_dim3A_439, %div3A_437 : vector<16xi1>, vector<16xf32>
        %mul3A_441 = arith.mulf %select_n3A_440, %sub3A_423 : vector<16xf32>
        %mul3A_442 = arith.mulf %select_n3A_440, %sub3A_424 : vector<16xf32>
        %mul3A_443 = arith.mulf %select_n3A_440, %sub3A_425 : vector<16xf32>
        %mul3A_444 = arith.mulf %mul3A_441, %sub3A_423 : vector<16xf32>
        %add3A_445 = arith.addf %add3A_395, %mul3A_444 : vector<16xf32>
        %mul3A_446 = arith.mulf %mul3A_441, %sub3A_424 : vector<16xf32>
        %add3A_447 = arith.addf %add3A_397, %mul3A_446 : vector<16xf32>
        %mul3A_448 = arith.mulf %mul3A_441, %sub3A_425 : vector<16xf32>
        %add3A_449 = arith.addf %add3A_399, %mul3A_448 : vector<16xf32>
        %mul3A_450 = arith.mulf %mul3A_442, %sub3A_424 : vector<16xf32>
        %add3A_451 = arith.addf %add3A_401, %mul3A_450 : vector<16xf32>
        %mul3A_452 = arith.mulf %mul3A_442, %sub3A_425 : vector<16xf32>
        %add3A_453 = arith.addf %add3A_403, %mul3A_452 : vector<16xf32>
        %mul3A_454 = arith.mulf %mul3A_443, %sub3A_425 : vector<16xf32>
        %add3A_455 = arith.addf %add3A_405, %mul3A_454 : vector<16xf32>
        %mul3A_456 = arith.mulf %mul3A_441, %sub3A_426 : vector<16xf32>
        %add3A_457 = arith.addf %add3A_407, %mul3A_456 : vector<16xf32>
        %mul3A_458 = arith.mulf %mul3A_442, %sub3A_426 : vector<16xf32>
        %add3A_459 = arith.addf %add3A_409, %mul3A_458 : vector<16xf32>
        %mul3A_460 = arith.mulf %mul3A_443, %sub3A_426 : vector<16xf32>
        %add3A_461 = arith.addf %add3A_411, %mul3A_460 : vector<16xf32>
        %add3A_462 = arith.constant 6 : i32
        %add3A_463 = vector.broadcast %add3A_462 : i32 to vector<16xi32>
        %add3A_464 = arith.addi %add3A_167, %add3A_463 : vector<16xi32>
        %gather3A_465 = tpu.vector_load_idx %arg13[%add3A_464] : memref<3584xf32, #tpu.memory_space<vmem>>[vector<16xi32>], vector<16xf32>,
        %gather3A_466 = tpu.vector_load_idx %arg14[%add3A_464] : memref<3584xf32, #tpu.memory_space<vmem>>[vector<16xi32>], vector<16xf32>,
        %gather3A_467 = tpu.vector_load_idx %arg15[%add3A_464] : memref<3584xf32, #tpu.memory_space<vmem>>[vector<16xi32>], vector<16xf32>,
        %gather3A_468 = tpu.vector_load_idx %arg16[%add3A_464] : memref<3584xf32, #tpu.memory_space<vmem>>[vector<16xi32>], vector<16xf32>,
        %gather3A_469 = tpu.vector_load_idx %arg17[%add3A_464] : memref<3584xf32, #tpu.memory_space<vmem>>[vector<16xi32>], vector<16xf32>,
        %gather3A_470 = tpu.vector_load_idx %arg18[%add3A_464] : memref<3584xf32, #tpu.memory_space<vmem>>[vector<16xi32>], vector<16xf32>,
        %gather3A_471 = tpu.vector_load_idx %arg19[%add3A_464] : memref<3584xf32, #tpu.memory_space<vmem>>[vector<16xi32>], vector<16xf32>,
        %gather3A_472 = tpu.vector_load_idx %arg20[%add3A_464] : memref<3584xf32, #tpu.memory_space<vmem>>[vector<16xi32>], vector<16xf32>,
        %sub3A_473 = arith.subf %gather3A_465, %gather3A_469 : vector<16xf32>
        %sub3A_474 = arith.subf %gather3A_466, %gather3A_470 : vector<16xf32>
        %sub3A_475 = arith.subf %gather3A_467, %gather3A_471 : vector<16xf32>
        %sub3A_476 = arith.subf %gather3A_468, %gather3A_472 : vector<16xf32>
        %mul3A_477 = arith.mulf %sub3A_473, %sub3A_473 : vector<16xf32>
        %mul3A_478 = arith.mulf %sub3A_474, %sub3A_474 : vector<16xf32>
        %add3A_479 = arith.addf %mul3A_477, %mul3A_478 : vector<16xf32>
        %mul3A_480 = arith.mulf %sub3A_475, %sub3A_475 : vector<16xf32>
        %add3A_481 = arith.addf %add3A_479, %mul3A_480 : vector<16xf32>
        %eq3A_482 = arith.constant 0.000000e+00 : f32
        %eq3A_483 = vector.broadcast %eq3A_482 : f32 to vector<16xf32>
        %eq3A_484 = arith.cmpf oeq, %add3A_481, %eq3A_483 : vector<16xf32>
        %div3A_485 = arith.constant 1.000000e+00 : f32
        %div3A_486 = vector.broadcast %div3A_485 : f32 to vector<16xf32>
        %div3A_487 = arith.divf %div3A_486, %add3A_481 : vector<16xf32>
        %jit3A_488 = arith.constant 1.000000e+00 : f32
        %broadcast_in_dim3A_489 = vector.broadcast %jit3A_488 : f32 to vector<16xf32>
        %select_n3A_490 = arith.select %eq3A_484, %broadcast_in_dim3A_489, %div3A_487 : vector<16xi1>, vector<16xf32>
        %mul3A_491 = arith.mulf %select_n3A_490, %sub3A_473 : vector<16xf32>
        %mul3A_492 = arith.mulf %select_n3A_490, %sub3A_474 : vector<16xf32>
        %mul3A_493 = arith.mulf %select_n3A_490, %sub3A_475 : vector<16xf32>
        %mul3A_494 = arith.mulf %mul3A_491, %sub3A_473 : vector<16xf32>
        %add3A_495 = arith.addf %add3A_445, %mul3A_494 : vector<16xf32>
        %mul3A_496 = arith.mulf %mul3A_491, %sub3A_474 : vector<16xf32>
        %add3A_497 = arith.addf %add3A_447, %mul3A_496 : vector<16xf32>
        %mul3A_498 = arith.mulf %mul3A_491, %sub3A_475 : vector<16xf32>
        %add3A_499 = arith.addf %add3A_449, %mul3A_498 : vector<16xf32>
        %mul3A_500 = arith.mulf %mul3A_492, %sub3A_474 : vector<16xf32>
        %add3A_501 = arith.addf %add3A_451, %mul3A_500 : vector<16xf32>
        %mul3A_502 = arith.mulf %mul3A_492, %sub3A_475 : vector<16xf32>
        %add3A_503 = arith.addf %add3A_453, %mul3A_502 : vector<16xf32>
        %mul3A_504 = arith.mulf %mul3A_493, %sub3A_475 : vector<16xf32>
        %add3A_505 = arith.addf %add3A_455, %mul3A_504 : vector<16xf32>
        %mul3A_506 = arith.mulf %mul3A_491, %sub3A_476 : vector<16xf32>
        %add3A_507 = arith.addf %add3A_457, %mul3A_506 : vector<16xf32>
        %mul3A_508 = arith.mulf %mul3A_492, %sub3A_476 : vector<16xf32>
        %add3A_509 = arith.addf %add3A_459, %mul3A_508 : vector<16xf32>
        %mul3A_510 = arith.mulf %mul3A_493, %sub3A_476 : vector<16xf32>
        %add3A_511 = arith.addf %add3A_461, %mul3A_510 : vector<16xf32>
        %add3A_512 = arith.constant 7 : i32
        %add3A_513 = vector.broadcast %add3A_512 : i32 to vector<16xi32>
        %add3A_514 = arith.addi %add3A_167, %add3A_513 : vector<16xi32>
        %gather3A_515 = tpu.vector_load_idx %arg13[%add3A_514] : memref<3584xf32, #tpu.memory_space<vmem>>[vector<16xi32>], vector<16xf32>,
        %gather3A_516 = tpu.vector_load_idx %arg14[%add3A_514] : memref<3584xf32, #tpu.memory_space<vmem>>[vector<16xi32>], vector<16xf32>,
        %gather3A_517 = tpu.vector_load_idx %arg15[%add3A_514] : memref<3584xf32, #tpu.memory_space<vmem>>[vector<16xi32>], vector<16xf32>,
        %gather3A_518 = tpu.vector_load_idx %arg16[%add3A_514] : memref<3584xf32, #tpu.memory_space<vmem>>[vector<16xi32>], vector<16xf32>,
        %gather3A_519 = tpu.vector_load_idx %arg17[%add3A_514] : memref<3584xf32, #tpu.memory_space<vmem>>[vector<16xi32>], vector<16xf32>,
        %gather3A_520 = tpu.vector_load_idx %arg18[%add3A_514] : memref<3584xf32, #tpu.memory_space<vmem>>[vector<16xi32>], vector<16xf32>,
        %gather3A_521 = tpu.vector_load_idx %arg19[%add3A_514] : memref<3584xf32, #tpu.memory_space<vmem>>[vector<16xi32>], vector<16xf32>,
        %gather3A_522 = tpu.vector_load_idx %arg20[%add3A_514] : memref<3584xf32, #tpu.memory_space<vmem>>[vector<16xi32>], vector<16xf32>,
        %sub3A_523 = arith.subf %gather3A_515, %gather3A_519 : vector<16xf32>
        %sub3A_524 = arith.subf %gather3A_516, %gather3A_520 : vector<16xf32>
        %sub3A_525 = arith.subf %gather3A_517, %gather3A_521 : vector<16xf32>
        %sub3A_526 = arith.subf %gather3A_518, %gather3A_522 : vector<16xf32>
        %mul3A_527 = arith.mulf %sub3A_523, %sub3A_523 : vector<16xf32>
        %mul3A_528 = arith.mulf %sub3A_524, %sub3A_524 : vector<16xf32>
        %add3A_529 = arith.addf %mul3A_527, %mul3A_528 : vector<16xf32>
        %mul3A_530 = arith.mulf %sub3A_525, %sub3A_525 : vector<16xf32>
        %add3A_531 = arith.addf %add3A_529, %mul3A_530 : vector<16xf32>
        %eq3A_532 = arith.constant 0.000000e+00 : f32
        %eq3A_533 = vector.broadcast %eq3A_532 : f32 to vector<16xf32>
        %eq3A_534 = arith.cmpf oeq, %add3A_531, %eq3A_533 : vector<16xf32>
        %div3A_535 = arith.constant 1.000000e+00 : f32
        %div3A_536 = vector.broadcast %div3A_535 : f32 to vector<16xf32>
        %div3A_537 = arith.divf %div3A_536, %add3A_531 : vector<16xf32>
        %jit3A_538 = arith.constant 1.000000e+00 : f32
        %broadcast_in_dim3A_539 = vector.broadcast %jit3A_538 : f32 to vector<16xf32>
        %select_n3A_540 = arith.select %eq3A_534, %broadcast_in_dim3A_539, %div3A_537 : vector<16xi1>, vector<16xf32>
        %mul3A_541 = arith.mulf %select_n3A_540, %sub3A_523 : vector<16xf32>
        %mul3A_542 = arith.mulf %select_n3A_540, %sub3A_524 : vector<16xf32>
        %mul3A_543 = arith.mulf %select_n3A_540, %sub3A_525 : vector<16xf32>
        %mul3A_544 = arith.mulf %mul3A_541, %sub3A_523 : vector<16xf32>
        %add3A_545 = arith.addf %add3A_495, %mul3A_544 : vector<16xf32>
        %mul3A_546 = arith.mulf %mul3A_541, %sub3A_524 : vector<16xf32>
        %add3A_547 = arith.addf %add3A_497, %mul3A_546 : vector<16xf32>
        %mul3A_548 = arith.mulf %mul3A_541, %sub3A_525 : vector<16xf32>
        %add3A_549 = arith.addf %add3A_499, %mul3A_548 : vector<16xf32>
        %mul3A_550 = arith.mulf %mul3A_542, %sub3A_524 : vector<16xf32>
        %add3A_551 = arith.addf %add3A_501, %mul3A_550 : vector<16xf32>
        %mul3A_552 = arith.mulf %mul3A_542, %sub3A_525 : vector<16xf32>
        %add3A_553 = arith.addf %add3A_503, %mul3A_552 : vector<16xf32>
        %mul3A_554 = arith.mulf %mul3A_543, %sub3A_525 : vector<16xf32>
        %add3A_555 = arith.addf %add3A_505, %mul3A_554 : vector<16xf32>
        %mul3A_556 = arith.mulf %mul3A_541, %sub3A_526 : vector<16xf32>
        %add3A_557 = arith.addf %add3A_507, %mul3A_556 : vector<16xf32>
        %mul3A_558 = arith.mulf %mul3A_542, %sub3A_526 : vector<16xf32>
        %add3A_559 = arith.addf %add3A_509, %mul3A_558 : vector<16xf32>
        %mul3A_560 = arith.mulf %mul3A_543, %sub3A_526 : vector<16xf32>
        %add3A_561 = arith.addf %add3A_511, %mul3A_560 : vector<16xf32>
        %add3A_562 = arith.constant 8 : i32
        %add3A_563 = vector.broadcast %add3A_562 : i32 to vector<16xi32>
        %add3A_564 = arith.addi %add3A_167, %add3A_563 : vector<16xi32>
        %gather3A_565 = tpu.vector_load_idx %arg13[%add3A_564] : memref<3584xf32, #tpu.memory_space<vmem>>[vector<16xi32>], vector<16xf32>,
        %gather3A_566 = tpu.vector_load_idx %arg14[%add3A_564] : memref<3584xf32, #tpu.memory_space<vmem>>[vector<16xi32>], vector<16xf32>,
        %gather3A_567 = tpu.vector_load_idx %arg15[%add3A_564] : memref<3584xf32, #tpu.memory_space<vmem>>[vector<16xi32>], vector<16xf32>,
        %gather3A_568 = tpu.vector_load_idx %arg16[%add3A_564] : memref<3584xf32, #tpu.memory_space<vmem>>[vector<16xi32>], vector<16xf32>,
        %gather3A_569 = tpu.vector_load_idx %arg17[%add3A_564] : memref<3584xf32, #tpu.memory_space<vmem>>[vector<16xi32>], vector<16xf32>,
        %gather3A_570 = tpu.vector_load_idx %arg18[%add3A_564] : memref<3584xf32, #tpu.memory_space<vmem>>[vector<16xi32>], vector<16xf32>,
        %gather3A_571 = tpu.vector_load_idx %arg19[%add3A_564] : memref<3584xf32, #tpu.memory_space<vmem>>[vector<16xi32>], vector<16xf32>,
        %gather3A_572 = tpu.vector_load_idx %arg20[%add3A_564] : memref<3584xf32, #tpu.memory_space<vmem>>[vector<16xi32>], vector<16xf32>,
        %sub3A_573 = arith.subf %gather3A_565, %gather3A_569 : vector<16xf32>
        %sub3A_574 = arith.subf %gather3A_566, %gather3A_570 : vector<16xf32>
        %sub3A_575 = arith.subf %gather3A_567, %gather3A_571 : vector<16xf32>
        %sub3A_576 = arith.subf %gather3A_568, %gather3A_572 : vector<16xf32>
        %mul3A_577 = arith.mulf %sub3A_573, %sub3A_573 : vector<16xf32>
        %mul3A_578 = arith.mulf %sub3A_574, %sub3A_574 : vector<16xf32>
        %add3A_579 = arith.addf %mul3A_577, %mul3A_578 : vector<16xf32>
        %mul3A_580 = arith.mulf %sub3A_575, %sub3A_575 : vector<16xf32>
        %add3A_581 = arith.addf %add3A_579, %mul3A_580 : vector<16xf32>
        %eq3A_582 = arith.constant 0.000000e+00 : f32
        %eq3A_583 = vector.broadcast %eq3A_582 : f32 to vector<16xf32>
        %eq3A_584 = arith.cmpf oeq, %add3A_581, %eq3A_583 : vector<16xf32>
        %div3A_585 = arith.constant 1.000000e+00 : f32
        %div3A_586 = vector.broadcast %div3A_585 : f32 to vector<16xf32>
        %div3A_587 = arith.divf %div3A_586, %add3A_581 : vector<16xf32>
        %jit3A_588 = arith.constant 1.000000e+00 : f32
        %broadcast_in_dim3A_589 = vector.broadcast %jit3A_588 : f32 to vector<16xf32>
        %select_n3A_590 = arith.select %eq3A_584, %broadcast_in_dim3A_589, %div3A_587 : vector<16xi1>, vector<16xf32>
        %mul3A_591 = arith.mulf %select_n3A_590, %sub3A_573 : vector<16xf32>
        %mul3A_592 = arith.mulf %select_n3A_590, %sub3A_574 : vector<16xf32>
        %mul3A_593 = arith.mulf %select_n3A_590, %sub3A_575 : vector<16xf32>
        %mul3A_594 = arith.mulf %mul3A_591, %sub3A_573 : vector<16xf32>
        %add3A_595 = arith.addf %add3A_545, %mul3A_594 : vector<16xf32>
        %mul3A_596 = arith.mulf %mul3A_591, %sub3A_574 : vector<16xf32>
        %add3A_597 = arith.addf %add3A_547, %mul3A_596 : vector<16xf32>
        %mul3A_598 = arith.mulf %mul3A_591, %sub3A_575 : vector<16xf32>
        %add3A_599 = arith.addf %add3A_549, %mul3A_598 : vector<16xf32>
        %mul3A_600 = arith.mulf %mul3A_592, %sub3A_574 : vector<16xf32>
        %add3A_601 = arith.addf %add3A_551, %mul3A_600 : vector<16xf32>
        %mul3A_602 = arith.mulf %mul3A_592, %sub3A_575 : vector<16xf32>
        %add3A_603 = arith.addf %add3A_553, %mul3A_602 : vector<16xf32>
        %mul3A_604 = arith.mulf %mul3A_593, %sub3A_575 : vector<16xf32>
        %add3A_605 = arith.addf %add3A_555, %mul3A_604 : vector<16xf32>
        %mul3A_606 = arith.mulf %mul3A_591, %sub3A_576 : vector<16xf32>
        %add3A_607 = arith.addf %add3A_557, %mul3A_606 : vector<16xf32>
        %mul3A_608 = arith.mulf %mul3A_592, %sub3A_576 : vector<16xf32>
        %add3A_609 = arith.addf %add3A_559, %mul3A_608 : vector<16xf32>
        %mul3A_610 = arith.mulf %mul3A_593, %sub3A_576 : vector<16xf32>
        %add3A_611 = arith.addf %add3A_561, %mul3A_610 : vector<16xf32>
        %add3A_612 = arith.constant 9 : i32
        %add3A_613 = vector.broadcast %add3A_612 : i32 to vector<16xi32>
        %add3A_614 = arith.addi %add3A_167, %add3A_613 : vector<16xi32>
        %gather3A_615 = tpu.vector_load_idx %arg13[%add3A_614] : memref<3584xf32, #tpu.memory_space<vmem>>[vector<16xi32>], vector<16xf32>,
        %gather3A_616 = tpu.vector_load_idx %arg14[%add3A_614] : memref<3584xf32, #tpu.memory_space<vmem>>[vector<16xi32>], vector<16xf32>,
        %gather3A_617 = tpu.vector_load_idx %arg15[%add3A_614] : memref<3584xf32, #tpu.memory_space<vmem>>[vector<16xi32>], vector<16xf32>,
        %gather3A_618 = tpu.vector_load_idx %arg16[%add3A_614] : memref<3584xf32, #tpu.memory_space<vmem>>[vector<16xi32>], vector<16xf32>,
        %gather3A_619 = tpu.vector_load_idx %arg17[%add3A_614] : memref<3584xf32, #tpu.memory_space<vmem>>[vector<16xi32>], vector<16xf32>,
        %gather3A_620 = tpu.vector_load_idx %arg18[%add3A_614] : memref<3584xf32, #tpu.memory_space<vmem>>[vector<16xi32>], vector<16xf32>,
        %gather3A_621 = tpu.vector_load_idx %arg19[%add3A_614] : memref<3584xf32, #tpu.memory_space<vmem>>[vector<16xi32>], vector<16xf32>,
        %gather3A_622 = tpu.vector_load_idx %arg20[%add3A_614] : memref<3584xf32, #tpu.memory_space<vmem>>[vector<16xi32>], vector<16xf32>,
        %sub3A_623 = arith.subf %gather3A_615, %gather3A_619 : vector<16xf32>
        %sub3A_624 = arith.subf %gather3A_616, %gather3A_620 : vector<16xf32>
        %sub3A_625 = arith.subf %gather3A_617, %gather3A_621 : vector<16xf32>
        %sub3A_626 = arith.subf %gather3A_618, %gather3A_622 : vector<16xf32>
        %mul3A_627 = arith.mulf %sub3A_623, %sub3A_623 : vector<16xf32>
        %mul3A_628 = arith.mulf %sub3A_624, %sub3A_624 : vector<16xf32>
        %add3A_629 = arith.addf %mul3A_627, %mul3A_628 : vector<16xf32>
        %mul3A_630 = arith.mulf %sub3A_625, %sub3A_625 : vector<16xf32>
        %add3A_631 = arith.addf %add3A_629, %mul3A_630 : vector<16xf32>
        %eq3A_632 = arith.constant 0.000000e+00 : f32
        %eq3A_633 = vector.broadcast %eq3A_632 : f32 to vector<16xf32>
        %eq3A_634 = arith.cmpf oeq, %add3A_631, %eq3A_633 : vector<16xf32>
        %div3A_635 = arith.constant 1.000000e+00 : f32
        %div3A_636 = vector.broadcast %div3A_635 : f32 to vector<16xf32>
        %div3A_637 = arith.divf %div3A_636, %add3A_631 : vector<16xf32>
        %jit3A_638 = arith.constant 1.000000e+00 : f32
        %broadcast_in_dim3A_639 = vector.broadcast %jit3A_638 : f32 to vector<16xf32>
        %select_n3A_640 = arith.select %eq3A_634, %broadcast_in_dim3A_639, %div3A_637 : vector<16xi1>, vector<16xf32>
        %mul3A_641 = arith.mulf %select_n3A_640, %sub3A_623 : vector<16xf32>
        %mul3A_642 = arith.mulf %select_n3A_640, %sub3A_624 : vector<16xf32>
        %mul3A_643 = arith.mulf %select_n3A_640, %sub3A_625 : vector<16xf32>
        %mul3A_644 = arith.mulf %mul3A_641, %sub3A_623 : vector<16xf32>
        %add3A_645 = arith.addf %add3A_595, %mul3A_644 : vector<16xf32>
        %mul3A_646 = arith.mulf %mul3A_641, %sub3A_624 : vector<16xf32>
        %add3A_647 = arith.addf %add3A_597, %mul3A_646 : vector<16xf32>
        %mul3A_648 = arith.mulf %mul3A_641, %sub3A_625 : vector<16xf32>
        %add3A_649 = arith.addf %add3A_599, %mul3A_648 : vector<16xf32>
        %mul3A_650 = arith.mulf %mul3A_642, %sub3A_624 : vector<16xf32>
        %add3A_651 = arith.addf %add3A_601, %mul3A_650 : vector<16xf32>
        %mul3A_652 = arith.mulf %mul3A_642, %sub3A_625 : vector<16xf32>
        %add3A_653 = arith.addf %add3A_603, %mul3A_652 : vector<16xf32>
        %mul3A_654 = arith.mulf %mul3A_643, %sub3A_625 : vector<16xf32>
        %add3A_655 = arith.addf %add3A_605, %mul3A_654 : vector<16xf32>
        %mul3A_656 = arith.mulf %mul3A_641, %sub3A_626 : vector<16xf32>
        %add3A_657 = arith.addf %add3A_607, %mul3A_656 : vector<16xf32>
        %mul3A_658 = arith.mulf %mul3A_642, %sub3A_626 : vector<16xf32>
        %add3A_659 = arith.addf %add3A_609, %mul3A_658 : vector<16xf32>
        %mul3A_660 = arith.mulf %mul3A_643, %sub3A_626 : vector<16xf32>
        %add3A_661 = arith.addf %add3A_611, %mul3A_660 : vector<16xf32>
        %add3A_662 = arith.constant 10 : i32
        %add3A_663 = vector.broadcast %add3A_662 : i32 to vector<16xi32>
        %add3A_664 = arith.addi %add3A_167, %add3A_663 : vector<16xi32>
        %gather3A_665 = tpu.vector_load_idx %arg13[%add3A_664] : memref<3584xf32, #tpu.memory_space<vmem>>[vector<16xi32>], vector<16xf32>,
        %gather3A_666 = tpu.vector_load_idx %arg14[%add3A_664] : memref<3584xf32, #tpu.memory_space<vmem>>[vector<16xi32>], vector<16xf32>,
        %gather3A_667 = tpu.vector_load_idx %arg15[%add3A_664] : memref<3584xf32, #tpu.memory_space<vmem>>[vector<16xi32>], vector<16xf32>,
        %gather3A_668 = tpu.vector_load_idx %arg16[%add3A_664] : memref<3584xf32, #tpu.memory_space<vmem>>[vector<16xi32>], vector<16xf32>,
        %gather3A_669 = tpu.vector_load_idx %arg17[%add3A_664] : memref<3584xf32, #tpu.memory_space<vmem>>[vector<16xi32>], vector<16xf32>,
        %gather3A_670 = tpu.vector_load_idx %arg18[%add3A_664] : memref<3584xf32, #tpu.memory_space<vmem>>[vector<16xi32>], vector<16xf32>,
        %gather3A_671 = tpu.vector_load_idx %arg19[%add3A_664] : memref<3584xf32, #tpu.memory_space<vmem>>[vector<16xi32>], vector<16xf32>,
        %gather3A_672 = tpu.vector_load_idx %arg20[%add3A_664] : memref<3584xf32, #tpu.memory_space<vmem>>[vector<16xi32>], vector<16xf32>,
        %sub3A_673 = arith.subf %gather3A_665, %gather3A_669 : vector<16xf32>
        %sub3A_674 = arith.subf %gather3A_666, %gather3A_670 : vector<16xf32>
        %sub3A_675 = arith.subf %gather3A_667, %gather3A_671 : vector<16xf32>
        %sub3A_676 = arith.subf %gather3A_668, %gather3A_672 : vector<16xf32>
        %mul3A_677 = arith.mulf %sub3A_673, %sub3A_673 : vector<16xf32>
        %mul3A_678 = arith.mulf %sub3A_674, %sub3A_674 : vector<16xf32>
        %add3A_679 = arith.addf %mul3A_677, %mul3A_678 : vector<16xf32>
        %mul3A_680 = arith.mulf %sub3A_675, %sub3A_675 : vector<16xf32>
        %add3A_681 = arith.addf %add3A_679, %mul3A_680 : vector<16xf32>
        %eq3A_682 = arith.constant 0.000000e+00 : f32
        %eq3A_683 = vector.broadcast %eq3A_682 : f32 to vector<16xf32>
        %eq3A_684 = arith.cmpf oeq, %add3A_681, %eq3A_683 : vector<16xf32>
        %div3A_685 = arith.constant 1.000000e+00 : f32
        %div3A_686 = vector.broadcast %div3A_685 : f32 to vector<16xf32>
        %div3A_687 = arith.divf %div3A_686, %add3A_681 : vector<16xf32>
        %jit3A_688 = arith.constant 1.000000e+00 : f32
        %broadcast_in_dim3A_689 = vector.broadcast %jit3A_688 : f32 to vector<16xf32>
        %select_n3A_690 = arith.select %eq3A_684, %broadcast_in_dim3A_689, %div3A_687 : vector<16xi1>, vector<16xf32>
        %mul3A_691 = arith.mulf %select_n3A_690, %sub3A_673 : vector<16xf32>
        %mul3A_692 = arith.mulf %select_n3A_690, %sub3A_674 : vector<16xf32>
        %mul3A_693 = arith.mulf %select_n3A_690, %sub3A_675 : vector<16xf32>
        %mul3A_694 = arith.mulf %mul3A_691, %sub3A_673 : vector<16xf32>
        %add3A_695 = arith.addf %add3A_645, %mul3A_694 : vector<16xf32>
        %mul3A_696 = arith.mulf %mul3A_691, %sub3A_674 : vector<16xf32>
        %add3A_697 = arith.addf %add3A_647, %mul3A_696 : vector<16xf32>
        %mul3A_698 = arith.mulf %mul3A_691, %sub3A_675 : vector<16xf32>
        %add3A_699 = arith.addf %add3A_649, %mul3A_698 : vector<16xf32>
        %mul3A_700 = arith.mulf %mul3A_692, %sub3A_674 : vector<16xf32>
        %add3A_701 = arith.addf %add3A_651, %mul3A_700 : vector<16xf32>
        %mul3A_702 = arith.mulf %mul3A_692, %sub3A_675 : vector<16xf32>
        %add3A_703 = arith.addf %add3A_653, %mul3A_702 : vector<16xf32>
        %mul3A_704 = arith.mulf %mul3A_693, %sub3A_675 : vector<16xf32>
        %add3A_705 = arith.addf %add3A_655, %mul3A_704 : vector<16xf32>
        %mul3A_706 = arith.mulf %mul3A_691, %sub3A_676 : vector<16xf32>
        %add3A_707 = arith.addf %add3A_657, %mul3A_706 : vector<16xf32>
        %mul3A_708 = arith.mulf %mul3A_692, %sub3A_676 : vector<16xf32>
        %add3A_709 = arith.addf %add3A_659, %mul3A_708 : vector<16xf32>
        %mul3A_710 = arith.mulf %mul3A_693, %sub3A_676 : vector<16xf32>
        %add3A_711 = arith.addf %add3A_661, %mul3A_710 : vector<16xf32>
        %add3A_712 = arith.constant 11 : i32
        %add3A_713 = vector.broadcast %add3A_712 : i32 to vector<16xi32>
        %add3A_714 = arith.addi %add3A_167, %add3A_713 : vector<16xi32>
        %gather3A_715 = tpu.vector_load_idx %arg13[%add3A_714] : memref<3584xf32, #tpu.memory_space<vmem>>[vector<16xi32>], vector<16xf32>,
        %gather3A_716 = tpu.vector_load_idx %arg14[%add3A_714] : memref<3584xf32, #tpu.memory_space<vmem>>[vector<16xi32>], vector<16xf32>,
        %gather3A_717 = tpu.vector_load_idx %arg15[%add3A_714] : memref<3584xf32, #tpu.memory_space<vmem>>[vector<16xi32>], vector<16xf32>,
        %gather3A_718 = tpu.vector_load_idx %arg16[%add3A_714] : memref<3584xf32, #tpu.memory_space<vmem>>[vector<16xi32>], vector<16xf32>,
        %gather3A_719 = tpu.vector_load_idx %arg17[%add3A_714] : memref<3584xf32, #tpu.memory_space<vmem>>[vector<16xi32>], vector<16xf32>,
        %gather3A_720 = tpu.vector_load_idx %arg18[%add3A_714] : memref<3584xf32, #tpu.memory_space<vmem>>[vector<16xi32>], vector<16xf32>,
        %gather3A_721 = tpu.vector_load_idx %arg19[%add3A_714] : memref<3584xf32, #tpu.memory_space<vmem>>[vector<16xi32>], vector<16xf32>,
        %gather3A_722 = tpu.vector_load_idx %arg20[%add3A_714] : memref<3584xf32, #tpu.memory_space<vmem>>[vector<16xi32>], vector<16xf32>,
        %sub3A_723 = arith.subf %gather3A_715, %gather3A_719 : vector<16xf32>
        %sub3A_724 = arith.subf %gather3A_716, %gather3A_720 : vector<16xf32>
        %sub3A_725 = arith.subf %gather3A_717, %gather3A_721 : vector<16xf32>
        %sub3A_726 = arith.subf %gather3A_718, %gather3A_722 : vector<16xf32>
        %mul3A_727 = arith.mulf %sub3A_723, %sub3A_723 : vector<16xf32>
        %mul3A_728 = arith.mulf %sub3A_724, %sub3A_724 : vector<16xf32>
        %add3A_729 = arith.addf %mul3A_727, %mul3A_728 : vector<16xf32>
        %mul3A_730 = arith.mulf %sub3A_725, %sub3A_725 : vector<16xf32>
        %add3A_731 = arith.addf %add3A_729, %mul3A_730 : vector<16xf32>
        %eq3A_732 = arith.constant 0.000000e+00 : f32
        %eq3A_733 = vector.broadcast %eq3A_732 : f32 to vector<16xf32>
        %eq3A_734 = arith.cmpf oeq, %add3A_731, %eq3A_733 : vector<16xf32>
        %div3A_735 = arith.constant 1.000000e+00 : f32
        %div3A_736 = vector.broadcast %div3A_735 : f32 to vector<16xf32>
        %div3A_737 = arith.divf %div3A_736, %add3A_731 : vector<16xf32>
        %jit3A_738 = arith.constant 1.000000e+00 : f32
        %broadcast_in_dim3A_739 = vector.broadcast %jit3A_738 : f32 to vector<16xf32>
        %select_n3A_740 = arith.select %eq3A_734, %broadcast_in_dim3A_739, %div3A_737 : vector<16xi1>, vector<16xf32>
        %mul3A_741 = arith.mulf %select_n3A_740, %sub3A_723 : vector<16xf32>
        %mul3A_742 = arith.mulf %select_n3A_740, %sub3A_724 : vector<16xf32>
        %mul3A_743 = arith.mulf %select_n3A_740, %sub3A_725 : vector<16xf32>
        %mul3A_744 = arith.mulf %mul3A_741, %sub3A_723 : vector<16xf32>
        %add3A_745 = arith.addf %add3A_695, %mul3A_744 : vector<16xf32>
        %mul3A_746 = arith.mulf %mul3A_741, %sub3A_724 : vector<16xf32>
        %add3A_747 = arith.addf %add3A_697, %mul3A_746 : vector<16xf32>
        %mul3A_748 = arith.mulf %mul3A_741, %sub3A_725 : vector<16xf32>
        %add3A_749 = arith.addf %add3A_699, %mul3A_748 : vector<16xf32>
        %mul3A_750 = arith.mulf %mul3A_742, %sub3A_724 : vector<16xf32>
        %add3A_751 = arith.addf %add3A_701, %mul3A_750 : vector<16xf32>
        %mul3A_752 = arith.mulf %mul3A_742, %sub3A_725 : vector<16xf32>
        %add3A_753 = arith.addf %add3A_703, %mul3A_752 : vector<16xf32>
        %mul3A_754 = arith.mulf %mul3A_743, %sub3A_725 : vector<16xf32>
        %add3A_755 = arith.addf %add3A_705, %mul3A_754 : vector<16xf32>
        %mul3A_756 = arith.mulf %mul3A_741, %sub3A_726 : vector<16xf32>
        %add3A_757 = arith.addf %add3A_707, %mul3A_756 : vector<16xf32>
        %mul3A_758 = arith.mulf %mul3A_742, %sub3A_726 : vector<16xf32>
        %add3A_759 = arith.addf %add3A_709, %mul3A_758 : vector<16xf32>
        %mul3A_760 = arith.mulf %mul3A_743, %sub3A_726 : vector<16xf32>
        %add3A_761 = arith.addf %add3A_711, %mul3A_760 : vector<16xf32>
        %add3A_762 = arith.constant 12 : i32
        %add3A_763 = vector.broadcast %add3A_762 : i32 to vector<16xi32>
        %add3A_764 = arith.addi %add3A_167, %add3A_763 : vector<16xi32>
        %gather3A_765 = tpu.vector_load_idx %arg13[%add3A_764] : memref<3584xf32, #tpu.memory_space<vmem>>[vector<16xi32>], vector<16xf32>,
        %gather3A_766 = tpu.vector_load_idx %arg14[%add3A_764] : memref<3584xf32, #tpu.memory_space<vmem>>[vector<16xi32>], vector<16xf32>,
        %gather3A_767 = tpu.vector_load_idx %arg15[%add3A_764] : memref<3584xf32, #tpu.memory_space<vmem>>[vector<16xi32>], vector<16xf32>,
        %gather3A_768 = tpu.vector_load_idx %arg16[%add3A_764] : memref<3584xf32, #tpu.memory_space<vmem>>[vector<16xi32>], vector<16xf32>,
        %gather3A_769 = tpu.vector_load_idx %arg17[%add3A_764] : memref<3584xf32, #tpu.memory_space<vmem>>[vector<16xi32>], vector<16xf32>,
        %gather3A_770 = tpu.vector_load_idx %arg18[%add3A_764] : memref<3584xf32, #tpu.memory_space<vmem>>[vector<16xi32>], vector<16xf32>,
        %gather3A_771 = tpu.vector_load_idx %arg19[%add3A_764] : memref<3584xf32, #tpu.memory_space<vmem>>[vector<16xi32>], vector<16xf32>,
        %gather3A_772 = tpu.vector_load_idx %arg20[%add3A_764] : memref<3584xf32, #tpu.memory_space<vmem>>[vector<16xi32>], vector<16xf32>,
        %sub3A_773 = arith.subf %gather3A_765, %gather3A_769 : vector<16xf32>
        %sub3A_774 = arith.subf %gather3A_766, %gather3A_770 : vector<16xf32>
        %sub3A_775 = arith.subf %gather3A_767, %gather3A_771 : vector<16xf32>
        %sub3A_776 = arith.subf %gather3A_768, %gather3A_772 : vector<16xf32>
        %mul3A_777 = arith.mulf %sub3A_773, %sub3A_773 : vector<16xf32>
        %mul3A_778 = arith.mulf %sub3A_774, %sub3A_774 : vector<16xf32>
        %add3A_779 = arith.addf %mul3A_777, %mul3A_778 : vector<16xf32>
        %mul3A_780 = arith.mulf %sub3A_775, %sub3A_775 : vector<16xf32>
        %add3A_781 = arith.addf %add3A_779, %mul3A_780 : vector<16xf32>
        %eq3A_782 = arith.constant 0.000000e+00 : f32
        %eq3A_783 = vector.broadcast %eq3A_782 : f32 to vector<16xf32>
        %eq3A_784 = arith.cmpf oeq, %add3A_781, %eq3A_783 : vector<16xf32>
        %div3A_785 = arith.constant 1.000000e+00 : f32
        %div3A_786 = vector.broadcast %div3A_785 : f32 to vector<16xf32>
        %div3A_787 = arith.divf %div3A_786, %add3A_781 : vector<16xf32>
        %jit3A_788 = arith.constant 1.000000e+00 : f32
        %broadcast_in_dim3A_789 = vector.broadcast %jit3A_788 : f32 to vector<16xf32>
        %select_n3A_790 = arith.select %eq3A_784, %broadcast_in_dim3A_789, %div3A_787 : vector<16xi1>, vector<16xf32>
        %mul3A_791 = arith.mulf %select_n3A_790, %sub3A_773 : vector<16xf32>
        %mul3A_792 = arith.mulf %select_n3A_790, %sub3A_774 : vector<16xf32>
        %mul3A_793 = arith.mulf %select_n3A_790, %sub3A_775 : vector<16xf32>
        %mul3A_794 = arith.mulf %mul3A_791, %sub3A_773 : vector<16xf32>
        %add3A_795 = arith.addf %add3A_745, %mul3A_794 : vector<16xf32>
        %mul3A_796 = arith.mulf %mul3A_791, %sub3A_774 : vector<16xf32>
        %add3A_797 = arith.addf %add3A_747, %mul3A_796 : vector<16xf32>
        %mul3A_798 = arith.mulf %mul3A_791, %sub3A_775 : vector<16xf32>
        %add3A_799 = arith.addf %add3A_749, %mul3A_798 : vector<16xf32>
        %mul3A_800 = arith.mulf %mul3A_792, %sub3A_774 : vector<16xf32>
        %add3A_801 = arith.addf %add3A_751, %mul3A_800 : vector<16xf32>
        %mul3A_802 = arith.mulf %mul3A_792, %sub3A_775 : vector<16xf32>
        %add3A_803 = arith.addf %add3A_753, %mul3A_802 : vector<16xf32>
        %mul3A_804 = arith.mulf %mul3A_793, %sub3A_775 : vector<16xf32>
        %add3A_805 = arith.addf %add3A_755, %mul3A_804 : vector<16xf32>
        %mul3A_806 = arith.mulf %mul3A_791, %sub3A_776 : vector<16xf32>
        %add3A_807 = arith.addf %add3A_757, %mul3A_806 : vector<16xf32>
        %mul3A_808 = arith.mulf %mul3A_792, %sub3A_776 : vector<16xf32>
        %add3A_809 = arith.addf %add3A_759, %mul3A_808 : vector<16xf32>
        %mul3A_810 = arith.mulf %mul3A_793, %sub3A_776 : vector<16xf32>
        %add3A_811 = arith.addf %add3A_761, %mul3A_810 : vector<16xf32>
        %add3A_812 = arith.constant 13 : i32
        %add3A_813 = vector.broadcast %add3A_812 : i32 to vector<16xi32>
        %add3A_814 = arith.addi %add3A_167, %add3A_813 : vector<16xi32>
        %gather3A_815 = tpu.vector_load_idx %arg13[%add3A_814] : memref<3584xf32, #tpu.memory_space<vmem>>[vector<16xi32>], vector<16xf32>,
        %gather3A_816 = tpu.vector_load_idx %arg14[%add3A_814] : memref<3584xf32, #tpu.memory_space<vmem>>[vector<16xi32>], vector<16xf32>,
        %gather3A_817 = tpu.vector_load_idx %arg15[%add3A_814] : memref<3584xf32, #tpu.memory_space<vmem>>[vector<16xi32>], vector<16xf32>,
        %gather3A_818 = tpu.vector_load_idx %arg16[%add3A_814] : memref<3584xf32, #tpu.memory_space<vmem>>[vector<16xi32>], vector<16xf32>,
        %gather3A_819 = tpu.vector_load_idx %arg17[%add3A_814] : memref<3584xf32, #tpu.memory_space<vmem>>[vector<16xi32>], vector<16xf32>,
        %gather3A_820 = tpu.vector_load_idx %arg18[%add3A_814] : memref<3584xf32, #tpu.memory_space<vmem>>[vector<16xi32>], vector<16xf32>,
        %gather3A_821 = tpu.vector_load_idx %arg19[%add3A_814] : memref<3584xf32, #tpu.memory_space<vmem>>[vector<16xi32>], vector<16xf32>,
        %gather3A_822 = tpu.vector_load_idx %arg20[%add3A_814] : memref<3584xf32, #tpu.memory_space<vmem>>[vector<16xi32>], vector<16xf32>,
        %sub3A_823 = arith.subf %gather3A_815, %gather3A_819 : vector<16xf32>
        %sub3A_824 = arith.subf %gather3A_816, %gather3A_820 : vector<16xf32>
        %sub3A_825 = arith.subf %gather3A_817, %gather3A_821 : vector<16xf32>
        %sub3A_826 = arith.subf %gather3A_818, %gather3A_822 : vector<16xf32>
        %mul3A_827 = arith.mulf %sub3A_823, %sub3A_823 : vector<16xf32>
        %mul3A_828 = arith.mulf %sub3A_824, %sub3A_824 : vector<16xf32>
        %add3A_829 = arith.addf %mul3A_827, %mul3A_828 : vector<16xf32>
        %mul3A_830 = arith.mulf %sub3A_825, %sub3A_825 : vector<16xf32>
        %add3A_831 = arith.addf %add3A_829, %mul3A_830 : vector<16xf32>
        %eq3A_832 = arith.constant 0.000000e+00 : f32
        %eq3A_833 = vector.broadcast %eq3A_832 : f32 to vector<16xf32>
        %eq3A_834 = arith.cmpf oeq, %add3A_831, %eq3A_833 : vector<16xf32>
        %div3A_835 = arith.constant 1.000000e+00 : f32
        %div3A_836 = vector.broadcast %div3A_835 : f32 to vector<16xf32>
        %div3A_837 = arith.divf %div3A_836, %add3A_831 : vector<16xf32>
        %jit3A_838 = arith.constant 1.000000e+00 : f32
        %broadcast_in_dim3A_839 = vector.broadcast %jit3A_838 : f32 to vector<16xf32>
        %select_n3A_840 = arith.select %eq3A_834, %broadcast_in_dim3A_839, %div3A_837 : vector<16xi1>, vector<16xf32>
        %mul3A_841 = arith.mulf %select_n3A_840, %sub3A_823 : vector<16xf32>
        %mul3A_842 = arith.mulf %select_n3A_840, %sub3A_824 : vector<16xf32>
        %mul3A_843 = arith.mulf %select_n3A_840, %sub3A_825 : vector<16xf32>
        %mul3A_844 = arith.mulf %mul3A_841, %sub3A_823 : vector<16xf32>
        %add3A_845 = arith.addf %add3A_795, %mul3A_844 : vector<16xf32>
        %mul3A_846 = arith.mulf %mul3A_841, %sub3A_824 : vector<16xf32>
        %add3A_847 = arith.addf %add3A_797, %mul3A_846 : vector<16xf32>
        %mul3A_848 = arith.mulf %mul3A_841, %sub3A_825 : vector<16xf32>
        %add3A_849 = arith.addf %add3A_799, %mul3A_848 : vector<16xf32>
        %mul3A_850 = arith.mulf %mul3A_842, %sub3A_824 : vector<16xf32>
        %add3A_851 = arith.addf %add3A_801, %mul3A_850 : vector<16xf32>
        %mul3A_852 = arith.mulf %mul3A_842, %sub3A_825 : vector<16xf32>
        %add3A_853 = arith.addf %add3A_803, %mul3A_852 : vector<16xf32>
        %mul3A_854 = arith.mulf %mul3A_843, %sub3A_825 : vector<16xf32>
        %add3A_855 = arith.addf %add3A_805, %mul3A_854 : vector<16xf32>
        %mul3A_856 = arith.mulf %mul3A_841, %sub3A_826 : vector<16xf32>
        %add3A_857 = arith.addf %add3A_807, %mul3A_856 : vector<16xf32>
        %mul3A_858 = arith.mulf %mul3A_842, %sub3A_826 : vector<16xf32>
        %add3A_859 = arith.addf %add3A_809, %mul3A_858 : vector<16xf32>
        %mul3A_860 = arith.mulf %mul3A_843, %sub3A_826 : vector<16xf32>
        %add3A_861 = arith.addf %add3A_811, %mul3A_860 : vector<16xf32>
        %add3A_862 = arith.constant 14 : i32
        %add3A_863 = vector.broadcast %add3A_862 : i32 to vector<16xi32>
        %add3A_864 = arith.addi %add3A_167, %add3A_863 : vector<16xi32>
        %gather3A_865 = tpu.vector_load_idx %arg13[%add3A_864] : memref<3584xf32, #tpu.memory_space<vmem>>[vector<16xi32>], vector<16xf32>,
        %gather3A_866 = tpu.vector_load_idx %arg14[%add3A_864] : memref<3584xf32, #tpu.memory_space<vmem>>[vector<16xi32>], vector<16xf32>,
        %gather3A_867 = tpu.vector_load_idx %arg15[%add3A_864] : memref<3584xf32, #tpu.memory_space<vmem>>[vector<16xi32>], vector<16xf32>,
        %gather3A_868 = tpu.vector_load_idx %arg16[%add3A_864] : memref<3584xf32, #tpu.memory_space<vmem>>[vector<16xi32>], vector<16xf32>,
        %gather3A_869 = tpu.vector_load_idx %arg17[%add3A_864] : memref<3584xf32, #tpu.memory_space<vmem>>[vector<16xi32>], vector<16xf32>,
        %gather3A_870 = tpu.vector_load_idx %arg18[%add3A_864] : memref<3584xf32, #tpu.memory_space<vmem>>[vector<16xi32>], vector<16xf32>,
        %gather3A_871 = tpu.vector_load_idx %arg19[%add3A_864] : memref<3584xf32, #tpu.memory_space<vmem>>[vector<16xi32>], vector<16xf32>,
        %gather3A_872 = tpu.vector_load_idx %arg20[%add3A_864] : memref<3584xf32, #tpu.memory_space<vmem>>[vector<16xi32>], vector<16xf32>,
        %sub3A_873 = arith.subf %gather3A_865, %gather3A_869 : vector<16xf32>
        %sub3A_874 = arith.subf %gather3A_866, %gather3A_870 : vector<16xf32>
        %sub3A_875 = arith.subf %gather3A_867, %gather3A_871 : vector<16xf32>
        %sub3A_876 = arith.subf %gather3A_868, %gather3A_872 : vector<16xf32>
        %mul3A_877 = arith.mulf %sub3A_873, %sub3A_873 : vector<16xf32>
        %mul3A_878 = arith.mulf %sub3A_874, %sub3A_874 : vector<16xf32>
        %add3A_879 = arith.addf %mul3A_877, %mul3A_878 : vector<16xf32>
        %mul3A_880 = arith.mulf %sub3A_875, %sub3A_875 : vector<16xf32>
        %add3A_881 = arith.addf %add3A_879, %mul3A_880 : vector<16xf32>
        %eq3A_882 = arith.constant 0.000000e+00 : f32
        %eq3A_883 = vector.broadcast %eq3A_882 : f32 to vector<16xf32>
        %eq3A_884 = arith.cmpf oeq, %add3A_881, %eq3A_883 : vector<16xf32>
        %div3A_885 = arith.constant 1.000000e+00 : f32
        %div3A_886 = vector.broadcast %div3A_885 : f32 to vector<16xf32>
        %div3A_887 = arith.divf %div3A_886, %add3A_881 : vector<16xf32>
        %jit3A_888 = arith.constant 1.000000e+00 : f32
        %broadcast_in_dim3A_889 = vector.broadcast %jit3A_888 : f32 to vector<16xf32>
        %select_n3A_890 = arith.select %eq3A_884, %broadcast_in_dim3A_889, %div3A_887 : vector<16xi1>, vector<16xf32>
        %mul3A_891 = arith.mulf %select_n3A_890, %sub3A_873 : vector<16xf32>
        %mul3A_892 = arith.mulf %select_n3A_890, %sub3A_874 : vector<16xf32>
        %mul3A_893 = arith.mulf %select_n3A_890, %sub3A_875 : vector<16xf32>
        %mul3A_894 = arith.mulf %mul3A_891, %sub3A_873 : vector<16xf32>
        %add3A_895 = arith.addf %add3A_845, %mul3A_894 : vector<16xf32>
        %mul3A_896 = arith.mulf %mul3A_891, %sub3A_874 : vector<16xf32>
        %add3A_897 = arith.addf %add3A_847, %mul3A_896 : vector<16xf32>
        %mul3A_898 = arith.mulf %mul3A_891, %sub3A_875 : vector<16xf32>
        %add3A_899 = arith.addf %add3A_849, %mul3A_898 : vector<16xf32>
        %mul3A_900 = arith.mulf %mul3A_892, %sub3A_874 : vector<16xf32>
        %add3A_901 = arith.addf %add3A_851, %mul3A_900 : vector<16xf32>
        %mul3A_902 = arith.mulf %mul3A_892, %sub3A_875 : vector<16xf32>
        %add3A_903 = arith.addf %add3A_853, %mul3A_902 : vector<16xf32>
        %mul3A_904 = arith.mulf %mul3A_893, %sub3A_875 : vector<16xf32>
        %add3A_905 = arith.addf %add3A_855, %mul3A_904 : vector<16xf32>
        %mul3A_906 = arith.mulf %mul3A_891, %sub3A_876 : vector<16xf32>
        %add3A_907 = arith.addf %add3A_857, %mul3A_906 : vector<16xf32>
        %mul3A_908 = arith.mulf %mul3A_892, %sub3A_876 : vector<16xf32>
        %add3A_909 = arith.addf %add3A_859, %mul3A_908 : vector<16xf32>
        %mul3A_910 = arith.mulf %mul3A_893, %sub3A_876 : vector<16xf32>
        %add3A_911 = arith.addf %add3A_861, %mul3A_910 : vector<16xf32>
        %add3A_912 = arith.constant 15 : i32
        %add3A_913 = vector.broadcast %add3A_912 : i32 to vector<16xi32>
        %add3A_914 = arith.addi %add3A_167, %add3A_913 : vector<16xi32>
        %gather3A_915 = tpu.vector_load_idx %arg13[%add3A_914] : memref<3584xf32, #tpu.memory_space<vmem>>[vector<16xi32>], vector<16xf32>,
        %gather3A_916 = tpu.vector_load_idx %arg14[%add3A_914] : memref<3584xf32, #tpu.memory_space<vmem>>[vector<16xi32>], vector<16xf32>,
        %gather3A_917 = tpu.vector_load_idx %arg15[%add3A_914] : memref<3584xf32, #tpu.memory_space<vmem>>[vector<16xi32>], vector<16xf32>,
        %gather3A_918 = tpu.vector_load_idx %arg16[%add3A_914] : memref<3584xf32, #tpu.memory_space<vmem>>[vector<16xi32>], vector<16xf32>,
        %gather3A_919 = tpu.vector_load_idx %arg17[%add3A_914] : memref<3584xf32, #tpu.memory_space<vmem>>[vector<16xi32>], vector<16xf32>,
        %gather3A_920 = tpu.vector_load_idx %arg18[%add3A_914] : memref<3584xf32, #tpu.memory_space<vmem>>[vector<16xi32>], vector<16xf32>,
        %gather3A_921 = tpu.vector_load_idx %arg19[%add3A_914] : memref<3584xf32, #tpu.memory_space<vmem>>[vector<16xi32>], vector<16xf32>,
        %gather3A_922 = tpu.vector_load_idx %arg20[%add3A_914] : memref<3584xf32, #tpu.memory_space<vmem>>[vector<16xi32>], vector<16xf32>,
        %sub3A_923 = arith.subf %gather3A_915, %gather3A_919 : vector<16xf32>
        %sub3A_924 = arith.subf %gather3A_916, %gather3A_920 : vector<16xf32>
        %sub3A_925 = arith.subf %gather3A_917, %gather3A_921 : vector<16xf32>
        %sub3A_926 = arith.subf %gather3A_918, %gather3A_922 : vector<16xf32>
        %mul3A_927 = arith.mulf %sub3A_923, %sub3A_923 : vector<16xf32>
        %mul3A_928 = arith.mulf %sub3A_924, %sub3A_924 : vector<16xf32>
        %add3A_929 = arith.addf %mul3A_927, %mul3A_928 : vector<16xf32>
        %mul3A_930 = arith.mulf %sub3A_925, %sub3A_925 : vector<16xf32>
        %add3A_931 = arith.addf %add3A_929, %mul3A_930 : vector<16xf32>
        %eq3A_932 = arith.constant 0.000000e+00 : f32
        %eq3A_933 = vector.broadcast %eq3A_932 : f32 to vector<16xf32>
        %eq3A_934 = arith.cmpf oeq, %add3A_931, %eq3A_933 : vector<16xf32>
        %div3A_935 = arith.constant 1.000000e+00 : f32
        %div3A_936 = vector.broadcast %div3A_935 : f32 to vector<16xf32>
        %div3A_937 = arith.divf %div3A_936, %add3A_931 : vector<16xf32>
        %jit3A_938 = arith.constant 1.000000e+00 : f32
        %broadcast_in_dim3A_939 = vector.broadcast %jit3A_938 : f32 to vector<16xf32>
        %select_n3A_940 = arith.select %eq3A_934, %broadcast_in_dim3A_939, %div3A_937 : vector<16xi1>, vector<16xf32>
        %mul3A_941 = arith.mulf %select_n3A_940, %sub3A_923 : vector<16xf32>
        %mul3A_942 = arith.mulf %select_n3A_940, %sub3A_924 : vector<16xf32>
        %mul3A_943 = arith.mulf %select_n3A_940, %sub3A_925 : vector<16xf32>
        %mul3A_944 = arith.mulf %mul3A_941, %sub3A_923 : vector<16xf32>
        %add3A_945 = arith.addf %add3A_895, %mul3A_944 : vector<16xf32>
        %mul3A_946 = arith.mulf %mul3A_941, %sub3A_924 : vector<16xf32>
        %add3A_947 = arith.addf %add3A_897, %mul3A_946 : vector<16xf32>
        %mul3A_948 = arith.mulf %mul3A_941, %sub3A_925 : vector<16xf32>
        %add3A_949 = arith.addf %add3A_899, %mul3A_948 : vector<16xf32>
        %mul3A_950 = arith.mulf %mul3A_942, %sub3A_924 : vector<16xf32>
        %add3A_951 = arith.addf %add3A_901, %mul3A_950 : vector<16xf32>
        %mul3A_952 = arith.mulf %mul3A_942, %sub3A_925 : vector<16xf32>
        %add3A_953 = arith.addf %add3A_903, %mul3A_952 : vector<16xf32>
        %mul3A_954 = arith.mulf %mul3A_943, %sub3A_925 : vector<16xf32>
        %add3A_955 = arith.addf %add3A_905, %mul3A_954 : vector<16xf32>
        %mul3A_956 = arith.mulf %mul3A_941, %sub3A_926 : vector<16xf32>
        %add3A_957 = arith.addf %add3A_907, %mul3A_956 : vector<16xf32>
        %mul3A_958 = arith.mulf %mul3A_942, %sub3A_926 : vector<16xf32>
        %add3A_959 = arith.addf %add3A_909, %mul3A_958 : vector<16xf32>
        %mul3A_960 = arith.mulf %mul3A_943, %sub3A_926 : vector<16xf32>
        %add3A_961 = arith.addf %add3A_911, %mul3A_960 : vector<16xf32>
        %mul3A_962 = arith.mulf %add3A_951, %add3A_955 : vector<16xf32>
        %mul3A_963 = arith.mulf %add3A_953, %add3A_953 : vector<16xf32>
        %sub3A_964 = arith.subf %mul3A_962, %mul3A_963 : vector<16xf32>
        %mul3A_965 = arith.mulf %add3A_947, %add3A_955 : vector<16xf32>
        %mul3A_966 = arith.mulf %add3A_953, %add3A_949 : vector<16xf32>
        %sub3A_967 = arith.subf %mul3A_965, %mul3A_966 : vector<16xf32>
        %mul3A_968 = arith.mulf %add3A_947, %add3A_953 : vector<16xf32>
        %mul3A_969 = arith.mulf %add3A_951, %add3A_949 : vector<16xf32>
        %sub3A_970 = arith.subf %mul3A_968, %mul3A_969 : vector<16xf32>
        %mul3A_971 = arith.mulf %add3A_945, %add3A_955 : vector<16xf32>
        %mul3A_972 = arith.mulf %add3A_949, %add3A_949 : vector<16xf32>
        %sub3A_973 = arith.subf %mul3A_971, %mul3A_972 : vector<16xf32>
        %mul3A_974 = arith.mulf %add3A_945, %add3A_953 : vector<16xf32>
        %mul3A_975 = arith.mulf %add3A_947, %add3A_949 : vector<16xf32>
        %sub3A_976 = arith.subf %mul3A_974, %mul3A_975 : vector<16xf32>
        %mul3A_977 = arith.mulf %add3A_945, %add3A_951 : vector<16xf32>
        %mul3A_978 = arith.mulf %add3A_947, %add3A_947 : vector<16xf32>
        %sub3A_979 = arith.subf %mul3A_977, %mul3A_978 : vector<16xf32>
        %mul3A_980 = arith.mulf %add3A_945, %sub3A_964 : vector<16xf32>
        %mul3A_981 = arith.mulf %add3A_947, %sub3A_967 : vector<16xf32>
        %sub3A_982 = arith.subf %mul3A_980, %mul3A_981 : vector<16xf32>
        %mul3A_983 = arith.mulf %add3A_949, %sub3A_970 : vector<16xf32>
        %add3A_984 = arith.addf %sub3A_982, %mul3A_983 : vector<16xf32>
        %div3A_985 = arith.constant 1.000000e+00 : f32
        %div3A_986 = vector.broadcast %div3A_985 : f32 to vector<16xf32>
        %div3A_987 = arith.divf %div3A_986, %add3A_984 : vector<16xf32>
        %mul3A_988 = arith.mulf %add3A_957, %sub3A_964 : vector<16xf32>
        %mul3A_989 = arith.mulf %add3A_959, %sub3A_967 : vector<16xf32>
        %sub3A_990 = arith.subf %mul3A_988, %mul3A_989 : vector<16xf32>
        %mul3A_991 = arith.mulf %add3A_961, %sub3A_970 : vector<16xf32>
        %add3A_992 = arith.addf %sub3A_990, %mul3A_991 : vector<16xf32>
        %mul3A_993 = arith.mulf %add3A_992, %div3A_987 : vector<16xf32>
        %mul3A_994 = arith.constant 16 : i32
        %mul3A_995 = arith.muli %scan3A_158, %mul3A_994 : i32
        %add3A_996 = arith.constant 0 : i32
        %add3A_997 = arith.addi %add3A_996, %mul3A_995 : i32
        %swap3A = arith.index_cast %add3A_997 : i32 to index
        %swap3A_998 = tpu.vector_load %arg31[%swap3A] {strides = array<i32>} : memref<672xf32, #tpu.memory_space<vmem>>, vector<16xf32>,
        tpu.vector_store %arg31[%swap3A], %mul3A_993 {strides = array<i32>} : memref<672xf32, #tpu.memory_space<vmem>>, vector<16xf32>,
        %neg3A = arith.constant 0.000000e+00 : f32
        %neg3A_999 = vector.broadcast %neg3A : f32 to vector<16xf32>
        %neg3A_1000 = arith.subf %neg3A_999, %add3A_957 : vector<16xf32>
        %mul3A_1001 = arith.mulf %neg3A_1000, %sub3A_967 : vector<16xf32>
        %mul3A_1002 = arith.mulf %add3A_959, %sub3A_973 : vector<16xf32>
        %add3A_1003 = arith.addf %mul3A_1001, %mul3A_1002 : vector<16xf32>
        %mul3A_1004 = arith.mulf %add3A_961, %sub3A_976 : vector<16xf32>
        %sub3A_1005 = arith.subf %add3A_1003, %mul3A_1004 : vector<16xf32>
        %mul3A_1006 = arith.mulf %sub3A_1005, %div3A_987 : vector<16xf32>
        %mul3A_1007 = arith.constant 16 : i32
        %mul3A_1008 = arith.muli %scan3A_158, %mul3A_1007 : i32
        %add3A_1009 = arith.constant 224 : i32
        %add3A_1010 = arith.addi %add3A_1009, %mul3A_1008 : i32
        %swap3A_1011 = arith.index_cast %add3A_1010 : i32 to index
        %swap3A_1012 = tpu.vector_load %arg31[%swap3A_1011] {strides = array<i32>} : memref<672xf32, #tpu.memory_space<vmem>>, vector<16xf32>,
        tpu.vector_store %arg31[%swap3A_1011], %mul3A_1006 {strides = array<i32>} : memref<672xf32, #tpu.memory_space<vmem>>, vector<16xf32>,
        %mul3A_1013 = arith.mulf %add3A_957, %sub3A_970 : vector<16xf32>
        %mul3A_1014 = arith.mulf %add3A_959, %sub3A_976 : vector<16xf32>
        %sub3A_1015 = arith.subf %mul3A_1013, %mul3A_1014 : vector<16xf32>
        %mul3A_1016 = arith.mulf %add3A_961, %sub3A_979 : vector<16xf32>
        %add3A_1017 = arith.addf %sub3A_1015, %mul3A_1016 : vector<16xf32>
        %mul3A_1018 = arith.mulf %add3A_1017, %div3A_987 : vector<16xf32>
        %mul3A_1019 = arith.constant 16 : i32
        %mul3A_1020 = arith.muli %scan3A_158, %mul3A_1019 : i32
        %add3A_1021 = arith.constant 448 : i32
        %add3A_1022 = arith.addi %add3A_1021, %mul3A_1020 : i32
        %swap3A_1023 = arith.index_cast %add3A_1022 : i32 to index
        %swap3A_1024 = tpu.vector_load %arg31[%swap3A_1023] {strides = array<i32>} : memref<672xf32, #tpu.memory_space<vmem>>, vector<16xf32>,
        tpu.vector_store %arg31[%swap3A_1023], %mul3A_1018 {strides = array<i32>} : memref<672xf32, #tpu.memory_space<vmem>>, vector<16xf32>,
        %scan3A_1025 = arith.constant 0 : i32
        scf.yield %scan3A_1025 : i32
      }
      %scan3A_97 = arith.constant 14 : i32
      %mul3A_98 = arith.constant 3136 : i32
      %mul3A_99 = arith.muli %add3A, %mul3A_98 : i32
      %mul3A_100 = arith.constant 224 : i32
      %mul3A_101 = arith.muli %mul3A_32, %mul3A_100 : i32
      %add3A_102 = arith.addi %mul3A_99, %mul3A_101 : i32
      %min3A_103 = arith.constant 99776 : i32
      %min3A_104 = arith.minsi %add3A_102, %min3A_103 : i32
      "tpu.region"() ({
        %run_scoped3A = tpu.sem_alloc : memref<!tpu.dma_semaphore, #tpu.memory_space<semaphore_mem>>
        %dma_start3A_158 = arith.constant 0 : i32
        %dma_start3A_159 = tpu.memref_slice %arg31[%dma_start3A_158] : memref<672xf32, #tpu.memory_space<vmem>> -> memref<224xf32, #tpu.memory_space<vmem>>
        %dma_start3A_160 = tpu.memref_slice %arg8[%min3A_104] : memref<100000xf32, #tpu.memory_space<hbm>> -> memref<224xf32, #tpu.memory_space<hbm>>
        %dma_start3A_161 = tpu.memref_slice %arg8[%min3A_104] : memref<100000xf32, #tpu.memory_space<hbm>> -> memref<224xf32, #tpu.memory_space<hbm>>
        %dma_start3A_162 = arith.constant 0 : i32
        %dma_start3A_163 = tpu.memref_slice %arg31[%dma_start3A_162] : memref<672xf32, #tpu.memory_space<vmem>> -> memref<224xf32, #tpu.memory_space<vmem>>
        tpu.enqueue_dma source(%dma_start3A_163 : memref<224xf32, #tpu.memory_space<vmem>>) target(%dma_start3A_161 : memref<224xf32, #tpu.memory_space<hbm>>) target_semaphore(%run_scoped3A : memref<!tpu.dma_semaphore, #tpu.memory_space<semaphore_mem>>)
        %dma_wait3A_164 = arith.constant 0 : i32
        %dma_wait3A_165 = tpu.memref_slice %arg31[%dma_wait3A_164] : memref<672xf32, #tpu.memory_space<vmem>> -> memref<224xf32, #tpu.memory_space<vmem>>
        %dma_wait3A_166 = tpu.memref_slice %arg8[%min3A_104] : memref<100000xf32, #tpu.memory_space<hbm>> -> memref<224xf32, #tpu.memory_space<hbm>>
        %dma_wait3A_167 = tpu.memref_slice %arg8[%min3A_104] : memref<100000xf32, #tpu.memory_space<hbm>> -> memref<224xf32, #tpu.memory_space<hbm>>
        %dma_wait3A_168 = arith.constant 0 : i32
        %dma_wait3A_169 = tpu.memref_slice %arg31[%dma_wait3A_168] : memref<672xf32, #tpu.memory_space<vmem>> -> memref<224xf32, #tpu.memory_space<vmem>>
        tpu.wait_dma2 semaphore(%run_scoped3A : memref<!tpu.dma_semaphore, #tpu.memory_space<semaphore_mem>>) src(%dma_wait3A_169 : memref<224xf32, #tpu.memory_space<vmem>>) dst(%dma_wait3A_167 : memref<224xf32, #tpu.memory_space<hbm>>)
        tpu.yield
      }) : () -> ()
      "tpu.region"() ({
        %run_scoped3A = tpu.sem_alloc : memref<!tpu.dma_semaphore, #tpu.memory_space<semaphore_mem>>
        %dma_start3A_158 = arith.constant 224 : i32
        %dma_start3A_159 = tpu.memref_slice %arg31[%dma_start3A_158] : memref<672xf32, #tpu.memory_space<vmem>> -> memref<224xf32, #tpu.memory_space<vmem>>
        %dma_start3A_160 = tpu.memref_slice %arg9[%min3A_104] : memref<100000xf32, #tpu.memory_space<hbm>> -> memref<224xf32, #tpu.memory_space<hbm>>
        %dma_start3A_161 = tpu.memref_slice %arg9[%min3A_104] : memref<100000xf32, #tpu.memory_space<hbm>> -> memref<224xf32, #tpu.memory_space<hbm>>
        %dma_start3A_162 = arith.constant 224 : i32
        %dma_start3A_163 = tpu.memref_slice %arg31[%dma_start3A_162] : memref<672xf32, #tpu.memory_space<vmem>> -> memref<224xf32, #tpu.memory_space<vmem>>
        tpu.enqueue_dma source(%dma_start3A_163 : memref<224xf32, #tpu.memory_space<vmem>>) target(%dma_start3A_161 : memref<224xf32, #tpu.memory_space<hbm>>) target_semaphore(%run_scoped3A : memref<!tpu.dma_semaphore, #tpu.memory_space<semaphore_mem>>)
        %dma_wait3A_164 = arith.constant 224 : i32
        %dma_wait3A_165 = tpu.memref_slice %arg31[%dma_wait3A_164] : memref<672xf32, #tpu.memory_space<vmem>> -> memref<224xf32, #tpu.memory_space<vmem>>
        %dma_wait3A_166 = tpu.memref_slice %arg9[%min3A_104] : memref<100000xf32, #tpu.memory_space<hbm>> -> memref<224xf32, #tpu.memory_space<hbm>>
        %dma_wait3A_167 = tpu.memref_slice %arg9[%min3A_104] : memref<100000xf32, #tpu.memory_space<hbm>> -> memref<224xf32, #tpu.memory_space<hbm>>
        %dma_wait3A_168 = arith.constant 224 : i32
        %dma_wait3A_169 = tpu.memref_slice %arg31[%dma_wait3A_168] : memref<672xf32, #tpu.memory_space<vmem>> -> memref<224xf32, #tpu.memory_space<vmem>>
        tpu.wait_dma2 semaphore(%run_scoped3A : memref<!tpu.dma_semaphore, #tpu.memory_space<semaphore_mem>>) src(%dma_wait3A_169 : memref<224xf32, #tpu.memory_space<vmem>>) dst(%dma_wait3A_167 : memref<224xf32, #tpu.memory_space<hbm>>)
        tpu.yield
      }) : () -> ()
      "tpu.region"() ({
        %run_scoped3A = tpu.sem_alloc : memref<!tpu.dma_semaphore, #tpu.memory_space<semaphore_mem>>
        %dma_start3A_158 = arith.constant 448 : i32
        %dma_start3A_159 = tpu.memref_slice %arg31[%dma_start3A_158] : memref<672xf32, #tpu.memory_space<vmem>> -> memref<224xf32, #tpu.memory_space<vmem>>
        %dma_start3A_160 = tpu.memref_slice %arg10[%min3A_104] : memref<100000xf32, #tpu.memory_space<hbm>> -> memref<224xf32, #tpu.memory_space<hbm>>
        %dma_start3A_161 = tpu.memref_slice %arg10[%min3A_104] : memref<100000xf32, #tpu.memory_space<hbm>> -> memref<224xf32, #tpu.memory_space<hbm>>
        %dma_start3A_162 = arith.constant 448 : i32
        %dma_start3A_163 = tpu.memref_slice %arg31[%dma_start3A_162] : memref<672xf32, #tpu.memory_space<vmem>> -> memref<224xf32, #tpu.memory_space<vmem>>
        tpu.enqueue_dma source(%dma_start3A_163 : memref<224xf32, #tpu.memory_space<vmem>>) target(%dma_start3A_161 : memref<224xf32, #tpu.memory_space<hbm>>) target_semaphore(%run_scoped3A : memref<!tpu.dma_semaphore, #tpu.memory_space<semaphore_mem>>)
        %dma_wait3A_164 = arith.constant 448 : i32
        %dma_wait3A_165 = tpu.memref_slice %arg31[%dma_wait3A_164] : memref<672xf32, #tpu.memory_space<vmem>> -> memref<224xf32, #tpu.memory_space<vmem>>
        %dma_wait3A_166 = tpu.memref_slice %arg10[%min3A_104] : memref<100000xf32, #tpu.memory_space<hbm>> -> memref<224xf32, #tpu.memory_space<hbm>>
        %dma_wait3A_167 = tpu.memref_slice %arg10[%min3A_104] : memref<100000xf32, #tpu.memory_space<hbm>> -> memref<224xf32, #tpu.memory_space<hbm>>
        %dma_wait3A_168 = arith.constant 448 : i32
        %dma_wait3A_169 = tpu.memref_slice %arg31[%dma_wait3A_168] : memref<672xf32, #tpu.memory_space<vmem>> -> memref<224xf32, #tpu.memory_space<vmem>>
        tpu.wait_dma2 semaphore(%run_scoped3A : memref<!tpu.dma_semaphore, #tpu.memory_space<semaphore_mem>>) src(%dma_wait3A_169 : memref<224xf32, #tpu.memory_space<vmem>>) dst(%dma_wait3A_167 : memref<224xf32, #tpu.memory_space<hbm>>)
        tpu.yield
      }) : () -> ()
      %add3A_105 = arith.constant 2 : i32
      %add3A_106 = arith.addi %mul3A_32, %add3A_105 : i32
      %lt3A = arith.constant 14 : i32
      %lt3A_107 = arith.cmpi slt, %add3A_106, %lt3A : i32
      %convert_element_type3A = arith.extui %lt3A_107 : i1 to i32
      %cond3A = arith.constant 0 : i32
      %cond3A_108 = arith.cmpi ne, %convert_element_type3A, %cond3A : i32
      scf.if %cond3A_108 {
        %add3A_158 = arith.constant 2 : i32
        %add3A_159 = arith.addi %mul3A_32, %add3A_158 : i32
        %mul3A_160 = arith.constant 3136 : i32
        %mul3A_161 = arith.muli %add3A, %mul3A_160 : i32
        %mul3A_162 = arith.constant 224 : i32
        %mul3A_163 = arith.muli %add3A_159, %mul3A_162 : i32
        %add3A_164 = arith.addi %mul3A_161, %mul3A_163 : i32
        %min3A_165 = arith.constant 99776 : i32
        %min3A_166 = arith.minsi %add3A_164, %min3A_165 : i32
        %mul3A_167 = arith.constant 16 : i32
        %mul3A_168 = arith.muli %min3A_166, %mul3A_167 : i32
        "tpu.region"() ({
          %run_scoped3A = tpu.sem_alloc : memref<!tpu.dma_semaphore, #tpu.memory_space<semaphore_mem>>
          %dma_start3A_185 = tpu.memref_slice %arg6[%mul3A_168] : memref<1600000xi32, #tpu.memory_space<hbm>> -> memref<3584xi32, #tpu.memory_space<hbm>>
          %dma_start3A_186 = tpu.memref_slice %arg6[%mul3A_168] : memref<1600000xi32, #tpu.memory_space<hbm>> -> memref<3584xi32, #tpu.memory_space<hbm>>
          tpu.enqueue_dma source(%dma_start3A_186 : memref<3584xi32, #tpu.memory_space<hbm>>) target(%arg11 : memref<3584xi32, #tpu.memory_space<vmem>>) target_semaphore(%run_scoped3A : memref<!tpu.dma_semaphore, #tpu.memory_space<semaphore_mem>>)
          %dma_wait3A_187 = tpu.memref_slice %arg6[%mul3A_168] : memref<1600000xi32, #tpu.memory_space<hbm>> -> memref<3584xi32, #tpu.memory_space<hbm>>
          %dma_wait3A_188 = tpu.memref_slice %arg6[%mul3A_168] : memref<1600000xi32, #tpu.memory_space<hbm>> -> memref<3584xi32, #tpu.memory_space<hbm>>
          tpu.wait_dma2 semaphore(%run_scoped3A : memref<!tpu.dma_semaphore, #tpu.memory_space<semaphore_mem>>) src(%dma_wait3A_188 : memref<3584xi32, #tpu.memory_space<hbm>>) dst(%arg11 : memref<3584xi32, #tpu.memory_space<vmem>>)
          tpu.yield
        }) : () -> ()
        "tpu.region"() ({
          %run_scoped3A = tpu.sem_alloc : memref<!tpu.dma_semaphore, #tpu.memory_space<semaphore_mem>>
          %dma_start3A_185 = tpu.memref_slice %arg7[%mul3A_168] : memref<1600000xi32, #tpu.memory_space<hbm>> -> memref<3584xi32, #tpu.memory_space<hbm>>
          %dma_start3A_186 = tpu.memref_slice %arg7[%mul3A_168] : memref<1600000xi32, #tpu.memory_space<hbm>> -> memref<3584xi32, #tpu.memory_space<hbm>>
          tpu.enqueue_dma source(%dma_start3A_186 : memref<3584xi32, #tpu.memory_space<hbm>>) target(%arg12 : memref<3584xi32, #tpu.memory_space<vmem>>) target_semaphore(%run_scoped3A : memref<!tpu.dma_semaphore, #tpu.memory_space<semaphore_mem>>)
          %dma_wait3A_187 = tpu.memref_slice %arg7[%mul3A_168] : memref<1600000xi32, #tpu.memory_space<hbm>> -> memref<3584xi32, #tpu.memory_space<hbm>>
          %dma_wait3A_188 = tpu.memref_slice %arg7[%mul3A_168] : memref<1600000xi32, #tpu.memory_space<hbm>> -> memref<3584xi32, #tpu.memory_space<hbm>>
          tpu.wait_dma2 semaphore(%run_scoped3A : memref<!tpu.dma_semaphore, #tpu.memory_space<semaphore_mem>>) src(%dma_wait3A_188 : memref<3584xi32, #tpu.memory_space<hbm>>) dst(%arg12 : memref<3584xi32, #tpu.memory_space<vmem>>)
          tpu.yield
        }) : () -> ()
        %dma_start3A_169 = arith.constant 0 : i32
        %dma_start3A_170 = tpu.memref_slice %arg2[%dma_start3A_169] : memref<100000xf32, #tpu.memory_space<hbm>> -> memref<100000xf32, #tpu.memory_space<hbm>>
        tpu.enqueue_indirect_dma source(%dma_start3A_170 : memref<100000xf32, #tpu.memory_space<hbm>>) target(%arg13 : memref<3584xf32, #tpu.memory_space<vmem>>) offsets(%arg11 : memref<3584xi32, #tpu.memory_space<vmem>>) semaphore(%arg32 : memref<!tpu.dma_semaphore, #tpu.memory_space<semaphore_mem>>)
        %dma_start3A_171 = arith.constant 0 : i32
        %dma_start3A_172 = tpu.memref_slice %arg3[%dma_start3A_171] : memref<100000xf32, #tpu.memory_space<hbm>> -> memref<100000xf32, #tpu.memory_space<hbm>>
        tpu.enqueue_indirect_dma source(%dma_start3A_172 : memref<100000xf32, #tpu.memory_space<hbm>>) target(%arg14 : memref<3584xf32, #tpu.memory_space<vmem>>) offsets(%arg11 : memref<3584xi32, #tpu.memory_space<vmem>>) semaphore(%arg32 : memref<!tpu.dma_semaphore, #tpu.memory_space<semaphore_mem>>)
        %dma_start3A_173 = arith.constant 0 : i32
        %dma_start3A_174 = tpu.memref_slice %arg4[%dma_start3A_173] : memref<100000xf32, #tpu.memory_space<hbm>> -> memref<100000xf32, #tpu.memory_space<hbm>>
        tpu.enqueue_indirect_dma source(%dma_start3A_174 : memref<100000xf32, #tpu.memory_space<hbm>>) target(%arg15 : memref<3584xf32, #tpu.memory_space<vmem>>) offsets(%arg11 : memref<3584xi32, #tpu.memory_space<vmem>>) semaphore(%arg32 : memref<!tpu.dma_semaphore, #tpu.memory_space<semaphore_mem>>)
        %dma_start3A_175 = arith.constant 0 : i32
        %dma_start3A_176 = tpu.memref_slice %arg5[%dma_start3A_175] : memref<100000xf32, #tpu.memory_space<hbm>> -> memref<100000xf32, #tpu.memory_space<hbm>>
        tpu.enqueue_indirect_dma source(%dma_start3A_176 : memref<100000xf32, #tpu.memory_space<hbm>>) target(%arg16 : memref<3584xf32, #tpu.memory_space<vmem>>) offsets(%arg11 : memref<3584xi32, #tpu.memory_space<vmem>>) semaphore(%arg32 : memref<!tpu.dma_semaphore, #tpu.memory_space<semaphore_mem>>)
        %dma_start3A_177 = arith.constant 0 : i32
        %dma_start3A_178 = tpu.memref_slice %arg2[%dma_start3A_177] : memref<100000xf32, #tpu.memory_space<hbm>> -> memref<100000xf32, #tpu.memory_space<hbm>>
        tpu.enqueue_indirect_dma source(%dma_start3A_178 : memref<100000xf32, #tpu.memory_space<hbm>>) target(%arg17 : memref<3584xf32, #tpu.memory_space<vmem>>) offsets(%arg12 : memref<3584xi32, #tpu.memory_space<vmem>>) semaphore(%arg32 : memref<!tpu.dma_semaphore, #tpu.memory_space<semaphore_mem>>)
        %dma_start3A_179 = arith.constant 0 : i32
        %dma_start3A_180 = tpu.memref_slice %arg3[%dma_start3A_179] : memref<100000xf32, #tpu.memory_space<hbm>> -> memref<100000xf32, #tpu.memory_space<hbm>>
        tpu.enqueue_indirect_dma source(%dma_start3A_180 : memref<100000xf32, #tpu.memory_space<hbm>>) target(%arg18 : memref<3584xf32, #tpu.memory_space<vmem>>) offsets(%arg12 : memref<3584xi32, #tpu.memory_space<vmem>>) semaphore(%arg32 : memref<!tpu.dma_semaphore, #tpu.memory_space<semaphore_mem>>)
        %dma_start3A_181 = arith.constant 0 : i32
        %dma_start3A_182 = tpu.memref_slice %arg4[%dma_start3A_181] : memref<100000xf32, #tpu.memory_space<hbm>> -> memref<100000xf32, #tpu.memory_space<hbm>>
        tpu.enqueue_indirect_dma source(%dma_start3A_182 : memref<100000xf32, #tpu.memory_space<hbm>>) target(%arg19 : memref<3584xf32, #tpu.memory_space<vmem>>) offsets(%arg12 : memref<3584xi32, #tpu.memory_space<vmem>>) semaphore(%arg32 : memref<!tpu.dma_semaphore, #tpu.memory_space<semaphore_mem>>)
        %dma_start3A_183 = arith.constant 0 : i32
        %dma_start3A_184 = tpu.memref_slice %arg5[%dma_start3A_183] : memref<100000xf32, #tpu.memory_space<hbm>> -> memref<100000xf32, #tpu.memory_space<hbm>>
        tpu.enqueue_indirect_dma source(%dma_start3A_184 : memref<100000xf32, #tpu.memory_space<hbm>>) target(%arg20 : memref<3584xf32, #tpu.memory_space<vmem>>) offsets(%arg12 : memref<3584xi32, #tpu.memory_space<vmem>>) semaphore(%arg32 : memref<!tpu.dma_semaphore, #tpu.memory_space<semaphore_mem>>)
      } else {
      }
      %dma_wait3A_109 = arith.constant 0 : i32
      %dma_wait3A_110 = tpu.memref_slice %arg2[%dma_wait3A_109] : memref<100000xf32, #tpu.memory_space<hbm>> -> memref<3584xf32, #tpu.memory_space<hbm>>
      %dma_wait3A_111 = arith.constant 0 : i32
      %dma_wait3A_112 = tpu.memref_slice %arg2[%dma_wait3A_111] : memref<100000xf32, #tpu.memory_space<hbm>> -> memref<3584xf32, #tpu.memory_space<hbm>>
      tpu.wait_dma2 semaphore(%arg33 : memref<!tpu.dma_semaphore, #tpu.memory_space<semaphore_mem>>) src(%dma_wait3A_112 : memref<3584xf32, #tpu.memory_space<hbm>>) dst(%arg23 : memref<3584xf32, #tpu.memory_space<vmem>>)
      %dma_wait3A_113 = arith.constant 0 : i32
      %dma_wait3A_114 = tpu.memref_slice %arg2[%dma_wait3A_113] : memref<100000xf32, #tpu.memory_space<hbm>> -> memref<3584xf32, #tpu.memory_space<hbm>>
      %dma_wait3A_115 = arith.constant 0 : i32
      %dma_wait3A_116 = tpu.memref_slice %arg2[%dma_wait3A_115] : memref<100000xf32, #tpu.memory_space<hbm>> -> memref<3584xf32, #tpu.memory_space<hbm>>
      tpu.wait_dma2 semaphore(%arg33 : memref<!tpu.dma_semaphore, #tpu.memory_space<semaphore_mem>>) src(%dma_wait3A_116 : memref<3584xf32, #tpu.memory_space<hbm>>) dst(%arg24 : memref<3584xf32, #tpu.memory_space<vmem>>)
      %dma_wait3A_117 = arith.constant 0 : i32
      %dma_wait3A_118 = tpu.memref_slice %arg2[%dma_wait3A_117] : memref<100000xf32, #tpu.memory_space<hbm>> -> memref<3584xf32, #tpu.memory_space<hbm>>
      %dma_wait3A_119 = arith.constant 0 : i32
      %dma_wait3A_120 = tpu.memref_slice %arg2[%dma_wait3A_119] : memref<100000xf32, #tpu.memory_space<hbm>> -> memref<3584xf32, #tpu.memory_space<hbm>>
      tpu.wait_dma2 semaphore(%arg33 : memref<!tpu.dma_semaphore, #tpu.memory_space<semaphore_mem>>) src(%dma_wait3A_120 : memref<3584xf32, #tpu.memory_space<hbm>>) dst(%arg25 : memref<3584xf32, #tpu.memory_space<vmem>>)
      %dma_wait3A_121 = arith.constant 0 : i32
      %dma_wait3A_122 = tpu.memref_slice %arg2[%dma_wait3A_121] : memref<100000xf32, #tpu.memory_space<hbm>> -> memref<3584xf32, #tpu.memory_space<hbm>>
      %dma_wait3A_123 = arith.constant 0 : i32
      %dma_wait3A_124 = tpu.memref_slice %arg2[%dma_wait3A_123] : memref<100000xf32, #tpu.memory_space<hbm>> -> memref<3584xf32, #tpu.memory_space<hbm>>
      tpu.wait_dma2 semaphore(%arg33 : memref<!tpu.dma_semaphore, #tpu.memory_space<semaphore_mem>>) src(%dma_wait3A_124 : memref<3584xf32, #tpu.memory_space<hbm>>) dst(%arg26 : memref<3584xf32, #tpu.memory_space<vmem>>)
      %dma_wait3A_125 = arith.constant 0 : i32
      %dma_wait3A_126 = tpu.memref_slice %arg2[%dma_wait3A_125] : memref<100000xf32, #tpu.memory_space<hbm>> -> memref<3584xf32, #tpu.memory_space<hbm>>
      %dma_wait3A_127 = arith.constant 0 : i32
      %dma_wait3A_128 = tpu.memref_slice %arg2[%dma_wait3A_127] : memref<100000xf32, #tpu.memory_space<hbm>> -> memref<3584xf32, #tpu.memory_space<hbm>>
      tpu.wait_dma2 semaphore(%arg33 : memref<!tpu.dma_semaphore, #tpu.memory_space<semaphore_mem>>) src(%dma_wait3A_128 : memref<3584xf32, #tpu.memory_space<hbm>>) dst(%arg27 : memref<3584xf32, #tpu.memory_space<vmem>>)
      %dma_wait3A_129 = arith.constant 0 : i32
      %dma_wait3A_130 = tpu.memref_slice %arg2[%dma_wait3A_129] : memref<100000xf32, #tpu.memory_space<hbm>> -> memref<3584xf32, #tpu.memory_space<hbm>>
      %dma_wait3A_131 = arith.constant 0 : i32
      %dma_wait3A_132 = tpu.memref_slice %arg2[%dma_wait3A_131] : memref<100000xf32, #tpu.memory_space<hbm>> -> memref<3584xf32, #tpu.memory_space<hbm>>
      tpu.wait_dma2 semaphore(%arg33 : memref<!tpu.dma_semaphore, #tpu.memory_space<semaphore_mem>>) src(%dma_wait3A_132 : memref<3584xf32, #tpu.memory_space<hbm>>) dst(%arg28 : memref<3584xf32, #tpu.memory_space<vmem>>)
      %dma_wait3A_133 = arith.constant 0 : i32
      %dma_wait3A_134 = tpu.memref_slice %arg2[%dma_wait3A_133] : memref<100000xf32, #tpu.memory_space<hbm>> -> memref<3584xf32, #tpu.memory_space<hbm>>
      %dma_wait3A_135 = arith.constant 0 : i32
      %dma_wait3A_136 = tpu.memref_slice %arg2[%dma_wait3A_135] : memref<100000xf32, #tpu.memory_space<hbm>> -> memref<3584xf32, #tpu.memory_space<hbm>>
      tpu.wait_dma2 semaphore(%arg33 : memref<!tpu.dma_semaphore, #tpu.memory_space<semaphore_mem>>) src(%dma_wait3A_136 : memref<3584xf32, #tpu.memory_space<hbm>>) dst(%arg29 : memref<3584xf32, #tpu.memory_space<vmem>>)
      %dma_wait3A_137 = arith.constant 0 : i32
      %dma_wait3A_138 = tpu.memref_slice %arg2[%dma_wait3A_137] : memref<100000xf32, #tpu.memory_space<hbm>> -> memref<3584xf32, #tpu.memory_space<hbm>>
      %dma_wait3A_139 = arith.constant 0 : i32
      %dma_wait3A_140 = tpu.memref_slice %arg2[%dma_wait3A_139] : memref<100000xf32, #tpu.memory_space<hbm>> -> memref<3584xf32, #tpu.memory_space<hbm>>
      tpu.wait_dma2 semaphore(%arg33 : memref<!tpu.dma_semaphore, #tpu.memory_space<semaphore_mem>>) src(%dma_wait3A_140 : memref<3584xf32, #tpu.memory_space<hbm>>) dst(%arg30 : memref<3584xf32, #tpu.memory_space<vmem>>)
      %add3A_141 = arith.constant 1 : i32
      %add3A_142 = arith.addi %mul3A_32, %add3A_141 : i32
      %scan3A_143 = arith.constant 0 : i32
      %scan3A_144 = arith.constant 0 : i32
      %scan3A_145 = arith.constant 14 : i32
      %scan3A_146 = arith.addi %scan3A_144, %scan3A_145 : i32
      %scan3A_147 = arith.constant 1 : i32
      %scan3A_148 = scf.for %scan3A_158 = %scan3A_144 to %scan3A_146 step %scan3A_147 iter_args(%scan3A_159 = %scan3A_143) -> (i32)  : i32 {
        %broadcast_in_dim3A = arith.constant 0.000000e+00 : f32
        %broadcast_in_dim3A_160 = vector.broadcast %broadcast_in_dim3A : f32 to vector<16xf32>
        %iota3A = tpu.iota {dimensions = array<i32: 0>} : vector<16xi32>
        %mul3A_161 = arith.constant 16 : i32
        %mul3A_162 = vector.broadcast %mul3A_161 : i32 to vector<16xi32>
        %mul3A_163 = arith.muli %iota3A, %mul3A_162 : vector<16xi32>
        %mul3A_164 = arith.constant 256 : i32
        %mul3A_165 = arith.muli %scan3A_158, %mul3A_164 : i32
        %add3A_166 = vector.broadcast %mul3A_165 : i32 to vector<16xi32>
        %add3A_167 = arith.addi %mul3A_163, %add3A_166 : vector<16xi32>
        %add3A_168 = arith.constant 0 : i32
        %add3A_169 = vector.broadcast %add3A_168 : i32 to vector<16xi32>
        %add3A_170 = arith.addi %add3A_167, %add3A_169 : vector<16xi32>
        %gather3A = tpu.vector_load_idx %arg23[%add3A_170] : memref<3584xf32, #tpu.memory_space<vmem>>[vector<16xi32>], vector<16xf32>,
        %gather3A_171 = tpu.vector_load_idx %arg24[%add3A_170] : memref<3584xf32, #tpu.memory_space<vmem>>[vector<16xi32>], vector<16xf32>,
        %gather3A_172 = tpu.vector_load_idx %arg25[%add3A_170] : memref<3584xf32, #tpu.memory_space<vmem>>[vector<16xi32>], vector<16xf32>,
        %gather3A_173 = tpu.vector_load_idx %arg26[%add3A_170] : memref<3584xf32, #tpu.memory_space<vmem>>[vector<16xi32>], vector<16xf32>,
        %gather3A_174 = tpu.vector_load_idx %arg27[%add3A_170] : memref<3584xf32, #tpu.memory_space<vmem>>[vector<16xi32>], vector<16xf32>,
        %gather3A_175 = tpu.vector_load_idx %arg28[%add3A_170] : memref<3584xf32, #tpu.memory_space<vmem>>[vector<16xi32>], vector<16xf32>,
        %gather3A_176 = tpu.vector_load_idx %arg29[%add3A_170] : memref<3584xf32, #tpu.memory_space<vmem>>[vector<16xi32>], vector<16xf32>,
        %gather3A_177 = tpu.vector_load_idx %arg30[%add3A_170] : memref<3584xf32, #tpu.memory_space<vmem>>[vector<16xi32>], vector<16xf32>,
        %sub3A = arith.subf %gather3A, %gather3A_174 : vector<16xf32>
        %sub3A_178 = arith.subf %gather3A_171, %gather3A_175 : vector<16xf32>
        %sub3A_179 = arith.subf %gather3A_172, %gather3A_176 : vector<16xf32>
        %sub3A_180 = arith.subf %gather3A_173, %gather3A_177 : vector<16xf32>
        %mul3A_181 = arith.mulf %sub3A, %sub3A : vector<16xf32>
        %mul3A_182 = arith.mulf %sub3A_178, %sub3A_178 : vector<16xf32>
        %add3A_183 = arith.addf %mul3A_181, %mul3A_182 : vector<16xf32>
        %mul3A_184 = arith.mulf %sub3A_179, %sub3A_179 : vector<16xf32>
        %add3A_185 = arith.addf %add3A_183, %mul3A_184 : vector<16xf32>
        %eq3A = arith.constant 0.000000e+00 : f32
        %eq3A_186 = vector.broadcast %eq3A : f32 to vector<16xf32>
        %eq3A_187 = arith.cmpf oeq, %add3A_185, %eq3A_186 : vector<16xf32>
        %div3A = arith.constant 1.000000e+00 : f32
        %div3A_188 = vector.broadcast %div3A : f32 to vector<16xf32>
        %div3A_189 = arith.divf %div3A_188, %add3A_185 : vector<16xf32>
        %jit3A = arith.constant 1.000000e+00 : f32
        %broadcast_in_dim3A_190 = vector.broadcast %jit3A : f32 to vector<16xf32>
        %select_n3A = arith.select %eq3A_187, %broadcast_in_dim3A_190, %div3A_189 : vector<16xi1>, vector<16xf32>
        %mul3A_191 = arith.mulf %select_n3A, %sub3A : vector<16xf32>
        %mul3A_192 = arith.mulf %select_n3A, %sub3A_178 : vector<16xf32>
        %mul3A_193 = arith.mulf %select_n3A, %sub3A_179 : vector<16xf32>
        %mul3A_194 = arith.mulf %mul3A_191, %sub3A : vector<16xf32>
        %add3A_195 = arith.addf %broadcast_in_dim3A_160, %mul3A_194 : vector<16xf32>
        %mul3A_196 = arith.mulf %mul3A_191, %sub3A_178 : vector<16xf32>
        %add3A_197 = arith.addf %broadcast_in_dim3A_160, %mul3A_196 : vector<16xf32>
        %mul3A_198 = arith.mulf %mul3A_191, %sub3A_179 : vector<16xf32>
        %add3A_199 = arith.addf %broadcast_in_dim3A_160, %mul3A_198 : vector<16xf32>
        %mul3A_200 = arith.mulf %mul3A_192, %sub3A_178 : vector<16xf32>
        %add3A_201 = arith.addf %broadcast_in_dim3A_160, %mul3A_200 : vector<16xf32>
        %mul3A_202 = arith.mulf %mul3A_192, %sub3A_179 : vector<16xf32>
        %add3A_203 = arith.addf %broadcast_in_dim3A_160, %mul3A_202 : vector<16xf32>
        %mul3A_204 = arith.mulf %mul3A_193, %sub3A_179 : vector<16xf32>
        %add3A_205 = arith.addf %broadcast_in_dim3A_160, %mul3A_204 : vector<16xf32>
        %mul3A_206 = arith.mulf %mul3A_191, %sub3A_180 : vector<16xf32>
        %add3A_207 = arith.addf %broadcast_in_dim3A_160, %mul3A_206 : vector<16xf32>
        %mul3A_208 = arith.mulf %mul3A_192, %sub3A_180 : vector<16xf32>
        %add3A_209 = arith.addf %broadcast_in_dim3A_160, %mul3A_208 : vector<16xf32>
        %mul3A_210 = arith.mulf %mul3A_193, %sub3A_180 : vector<16xf32>
        %add3A_211 = arith.addf %broadcast_in_dim3A_160, %mul3A_210 : vector<16xf32>
        %add3A_212 = arith.constant 1 : i32
        %add3A_213 = vector.broadcast %add3A_212 : i32 to vector<16xi32>
        %add3A_214 = arith.addi %add3A_167, %add3A_213 : vector<16xi32>
        %gather3A_215 = tpu.vector_load_idx %arg23[%add3A_214] : memref<3584xf32, #tpu.memory_space<vmem>>[vector<16xi32>], vector<16xf32>,
        %gather3A_216 = tpu.vector_load_idx %arg24[%add3A_214] : memref<3584xf32, #tpu.memory_space<vmem>>[vector<16xi32>], vector<16xf32>,
        %gather3A_217 = tpu.vector_load_idx %arg25[%add3A_214] : memref<3584xf32, #tpu.memory_space<vmem>>[vector<16xi32>], vector<16xf32>,
        %gather3A_218 = tpu.vector_load_idx %arg26[%add3A_214] : memref<3584xf32, #tpu.memory_space<vmem>>[vector<16xi32>], vector<16xf32>,
        %gather3A_219 = tpu.vector_load_idx %arg27[%add3A_214] : memref<3584xf32, #tpu.memory_space<vmem>>[vector<16xi32>], vector<16xf32>,
        %gather3A_220 = tpu.vector_load_idx %arg28[%add3A_214] : memref<3584xf32, #tpu.memory_space<vmem>>[vector<16xi32>], vector<16xf32>,
        %gather3A_221 = tpu.vector_load_idx %arg29[%add3A_214] : memref<3584xf32, #tpu.memory_space<vmem>>[vector<16xi32>], vector<16xf32>,
        %gather3A_222 = tpu.vector_load_idx %arg30[%add3A_214] : memref<3584xf32, #tpu.memory_space<vmem>>[vector<16xi32>], vector<16xf32>,
        %sub3A_223 = arith.subf %gather3A_215, %gather3A_219 : vector<16xf32>
        %sub3A_224 = arith.subf %gather3A_216, %gather3A_220 : vector<16xf32>
        %sub3A_225 = arith.subf %gather3A_217, %gather3A_221 : vector<16xf32>
        %sub3A_226 = arith.subf %gather3A_218, %gather3A_222 : vector<16xf32>
        %mul3A_227 = arith.mulf %sub3A_223, %sub3A_223 : vector<16xf32>
        %mul3A_228 = arith.mulf %sub3A_224, %sub3A_224 : vector<16xf32>
        %add3A_229 = arith.addf %mul3A_227, %mul3A_228 : vector<16xf32>
        %mul3A_230 = arith.mulf %sub3A_225, %sub3A_225 : vector<16xf32>
        %add3A_231 = arith.addf %add3A_229, %mul3A_230 : vector<16xf32>
        %eq3A_232 = arith.constant 0.000000e+00 : f32
        %eq3A_233 = vector.broadcast %eq3A_232 : f32 to vector<16xf32>
        %eq3A_234 = arith.cmpf oeq, %add3A_231, %eq3A_233 : vector<16xf32>
        %div3A_235 = arith.constant 1.000000e+00 : f32
        %div3A_236 = vector.broadcast %div3A_235 : f32 to vector<16xf32>
        %div3A_237 = arith.divf %div3A_236, %add3A_231 : vector<16xf32>
        %jit3A_238 = arith.constant 1.000000e+00 : f32
        %broadcast_in_dim3A_239 = vector.broadcast %jit3A_238 : f32 to vector<16xf32>
        %select_n3A_240 = arith.select %eq3A_234, %broadcast_in_dim3A_239, %div3A_237 : vector<16xi1>, vector<16xf32>
        %mul3A_241 = arith.mulf %select_n3A_240, %sub3A_223 : vector<16xf32>
        %mul3A_242 = arith.mulf %select_n3A_240, %sub3A_224 : vector<16xf32>
        %mul3A_243 = arith.mulf %select_n3A_240, %sub3A_225 : vector<16xf32>
        %mul3A_244 = arith.mulf %mul3A_241, %sub3A_223 : vector<16xf32>
        %add3A_245 = arith.addf %add3A_195, %mul3A_244 : vector<16xf32>
        %mul3A_246 = arith.mulf %mul3A_241, %sub3A_224 : vector<16xf32>
        %add3A_247 = arith.addf %add3A_197, %mul3A_246 : vector<16xf32>
        %mul3A_248 = arith.mulf %mul3A_241, %sub3A_225 : vector<16xf32>
        %add3A_249 = arith.addf %add3A_199, %mul3A_248 : vector<16xf32>
        %mul3A_250 = arith.mulf %mul3A_242, %sub3A_224 : vector<16xf32>
        %add3A_251 = arith.addf %add3A_201, %mul3A_250 : vector<16xf32>
        %mul3A_252 = arith.mulf %mul3A_242, %sub3A_225 : vector<16xf32>
        %add3A_253 = arith.addf %add3A_203, %mul3A_252 : vector<16xf32>
        %mul3A_254 = arith.mulf %mul3A_243, %sub3A_225 : vector<16xf32>
        %add3A_255 = arith.addf %add3A_205, %mul3A_254 : vector<16xf32>
        %mul3A_256 = arith.mulf %mul3A_241, %sub3A_226 : vector<16xf32>
        %add3A_257 = arith.addf %add3A_207, %mul3A_256 : vector<16xf32>
        %mul3A_258 = arith.mulf %mul3A_242, %sub3A_226 : vector<16xf32>
        %add3A_259 = arith.addf %add3A_209, %mul3A_258 : vector<16xf32>
        %mul3A_260 = arith.mulf %mul3A_243, %sub3A_226 : vector<16xf32>
        %add3A_261 = arith.addf %add3A_211, %mul3A_260 : vector<16xf32>
        %add3A_262 = arith.constant 2 : i32
        %add3A_263 = vector.broadcast %add3A_262 : i32 to vector<16xi32>
        %add3A_264 = arith.addi %add3A_167, %add3A_263 : vector<16xi32>
        %gather3A_265 = tpu.vector_load_idx %arg23[%add3A_264] : memref<3584xf32, #tpu.memory_space<vmem>>[vector<16xi32>], vector<16xf32>,
        %gather3A_266 = tpu.vector_load_idx %arg24[%add3A_264] : memref<3584xf32, #tpu.memory_space<vmem>>[vector<16xi32>], vector<16xf32>,
        %gather3A_267 = tpu.vector_load_idx %arg25[%add3A_264] : memref<3584xf32, #tpu.memory_space<vmem>>[vector<16xi32>], vector<16xf32>,
        %gather3A_268 = tpu.vector_load_idx %arg26[%add3A_264] : memref<3584xf32, #tpu.memory_space<vmem>>[vector<16xi32>], vector<16xf32>,
        %gather3A_269 = tpu.vector_load_idx %arg27[%add3A_264] : memref<3584xf32, #tpu.memory_space<vmem>>[vector<16xi32>], vector<16xf32>,
        %gather3A_270 = tpu.vector_load_idx %arg28[%add3A_264] : memref<3584xf32, #tpu.memory_space<vmem>>[vector<16xi32>], vector<16xf32>,
        %gather3A_271 = tpu.vector_load_idx %arg29[%add3A_264] : memref<3584xf32, #tpu.memory_space<vmem>>[vector<16xi32>], vector<16xf32>,
        %gather3A_272 = tpu.vector_load_idx %arg30[%add3A_264] : memref<3584xf32, #tpu.memory_space<vmem>>[vector<16xi32>], vector<16xf32>,
        %sub3A_273 = arith.subf %gather3A_265, %gather3A_269 : vector<16xf32>
        %sub3A_274 = arith.subf %gather3A_266, %gather3A_270 : vector<16xf32>
        %sub3A_275 = arith.subf %gather3A_267, %gather3A_271 : vector<16xf32>
        %sub3A_276 = arith.subf %gather3A_268, %gather3A_272 : vector<16xf32>
        %mul3A_277 = arith.mulf %sub3A_273, %sub3A_273 : vector<16xf32>
        %mul3A_278 = arith.mulf %sub3A_274, %sub3A_274 : vector<16xf32>
        %add3A_279 = arith.addf %mul3A_277, %mul3A_278 : vector<16xf32>
        %mul3A_280 = arith.mulf %sub3A_275, %sub3A_275 : vector<16xf32>
        %add3A_281 = arith.addf %add3A_279, %mul3A_280 : vector<16xf32>
        %eq3A_282 = arith.constant 0.000000e+00 : f32
        %eq3A_283 = vector.broadcast %eq3A_282 : f32 to vector<16xf32>
        %eq3A_284 = arith.cmpf oeq, %add3A_281, %eq3A_283 : vector<16xf32>
        %div3A_285 = arith.constant 1.000000e+00 : f32
        %div3A_286 = vector.broadcast %div3A_285 : f32 to vector<16xf32>
        %div3A_287 = arith.divf %div3A_286, %add3A_281 : vector<16xf32>
        %jit3A_288 = arith.constant 1.000000e+00 : f32
        %broadcast_in_dim3A_289 = vector.broadcast %jit3A_288 : f32 to vector<16xf32>
        %select_n3A_290 = arith.select %eq3A_284, %broadcast_in_dim3A_289, %div3A_287 : vector<16xi1>, vector<16xf32>
        %mul3A_291 = arith.mulf %select_n3A_290, %sub3A_273 : vector<16xf32>
        %mul3A_292 = arith.mulf %select_n3A_290, %sub3A_274 : vector<16xf32>
        %mul3A_293 = arith.mulf %select_n3A_290, %sub3A_275 : vector<16xf32>
        %mul3A_294 = arith.mulf %mul3A_291, %sub3A_273 : vector<16xf32>
        %add3A_295 = arith.addf %add3A_245, %mul3A_294 : vector<16xf32>
        %mul3A_296 = arith.mulf %mul3A_291, %sub3A_274 : vector<16xf32>
        %add3A_297 = arith.addf %add3A_247, %mul3A_296 : vector<16xf32>
        %mul3A_298 = arith.mulf %mul3A_291, %sub3A_275 : vector<16xf32>
        %add3A_299 = arith.addf %add3A_249, %mul3A_298 : vector<16xf32>
        %mul3A_300 = arith.mulf %mul3A_292, %sub3A_274 : vector<16xf32>
        %add3A_301 = arith.addf %add3A_251, %mul3A_300 : vector<16xf32>
        %mul3A_302 = arith.mulf %mul3A_292, %sub3A_275 : vector<16xf32>
        %add3A_303 = arith.addf %add3A_253, %mul3A_302 : vector<16xf32>
        %mul3A_304 = arith.mulf %mul3A_293, %sub3A_275 : vector<16xf32>
        %add3A_305 = arith.addf %add3A_255, %mul3A_304 : vector<16xf32>
        %mul3A_306 = arith.mulf %mul3A_291, %sub3A_276 : vector<16xf32>
        %add3A_307 = arith.addf %add3A_257, %mul3A_306 : vector<16xf32>
        %mul3A_308 = arith.mulf %mul3A_292, %sub3A_276 : vector<16xf32>
        %add3A_309 = arith.addf %add3A_259, %mul3A_308 : vector<16xf32>
        %mul3A_310 = arith.mulf %mul3A_293, %sub3A_276 : vector<16xf32>
        %add3A_311 = arith.addf %add3A_261, %mul3A_310 : vector<16xf32>
        %add3A_312 = arith.constant 3 : i32
        %add3A_313 = vector.broadcast %add3A_312 : i32 to vector<16xi32>
        %add3A_314 = arith.addi %add3A_167, %add3A_313 : vector<16xi32>
        %gather3A_315 = tpu.vector_load_idx %arg23[%add3A_314] : memref<3584xf32, #tpu.memory_space<vmem>>[vector<16xi32>], vector<16xf32>,
        %gather3A_316 = tpu.vector_load_idx %arg24[%add3A_314] : memref<3584xf32, #tpu.memory_space<vmem>>[vector<16xi32>], vector<16xf32>,
        %gather3A_317 = tpu.vector_load_idx %arg25[%add3A_314] : memref<3584xf32, #tpu.memory_space<vmem>>[vector<16xi32>], vector<16xf32>,
        %gather3A_318 = tpu.vector_load_idx %arg26[%add3A_314] : memref<3584xf32, #tpu.memory_space<vmem>>[vector<16xi32>], vector<16xf32>,
        %gather3A_319 = tpu.vector_load_idx %arg27[%add3A_314] : memref<3584xf32, #tpu.memory_space<vmem>>[vector<16xi32>], vector<16xf32>,
        %gather3A_320 = tpu.vector_load_idx %arg28[%add3A_314] : memref<3584xf32, #tpu.memory_space<vmem>>[vector<16xi32>], vector<16xf32>,
        %gather3A_321 = tpu.vector_load_idx %arg29[%add3A_314] : memref<3584xf32, #tpu.memory_space<vmem>>[vector<16xi32>], vector<16xf32>,
        %gather3A_322 = tpu.vector_load_idx %arg30[%add3A_314] : memref<3584xf32, #tpu.memory_space<vmem>>[vector<16xi32>], vector<16xf32>,
        %sub3A_323 = arith.subf %gather3A_315, %gather3A_319 : vector<16xf32>
        %sub3A_324 = arith.subf %gather3A_316, %gather3A_320 : vector<16xf32>
        %sub3A_325 = arith.subf %gather3A_317, %gather3A_321 : vector<16xf32>
        %sub3A_326 = arith.subf %gather3A_318, %gather3A_322 : vector<16xf32>
        %mul3A_327 = arith.mulf %sub3A_323, %sub3A_323 : vector<16xf32>
        %mul3A_328 = arith.mulf %sub3A_324, %sub3A_324 : vector<16xf32>
        %add3A_329 = arith.addf %mul3A_327, %mul3A_328 : vector<16xf32>
        %mul3A_330 = arith.mulf %sub3A_325, %sub3A_325 : vector<16xf32>
        %add3A_331 = arith.addf %add3A_329, %mul3A_330 : vector<16xf32>
        %eq3A_332 = arith.constant 0.000000e+00 : f32
        %eq3A_333 = vector.broadcast %eq3A_332 : f32 to vector<16xf32>
        %eq3A_334 = arith.cmpf oeq, %add3A_331, %eq3A_333 : vector<16xf32>
        %div3A_335 = arith.constant 1.000000e+00 : f32
        %div3A_336 = vector.broadcast %div3A_335 : f32 to vector<16xf32>
        %div3A_337 = arith.divf %div3A_336, %add3A_331 : vector<16xf32>
        %jit3A_338 = arith.constant 1.000000e+00 : f32
        %broadcast_in_dim3A_339 = vector.broadcast %jit3A_338 : f32 to vector<16xf32>
        %select_n3A_340 = arith.select %eq3A_334, %broadcast_in_dim3A_339, %div3A_337 : vector<16xi1>, vector<16xf32>
        %mul3A_341 = arith.mulf %select_n3A_340, %sub3A_323 : vector<16xf32>
        %mul3A_342 = arith.mulf %select_n3A_340, %sub3A_324 : vector<16xf32>
        %mul3A_343 = arith.mulf %select_n3A_340, %sub3A_325 : vector<16xf32>
        %mul3A_344 = arith.mulf %mul3A_341, %sub3A_323 : vector<16xf32>
        %add3A_345 = arith.addf %add3A_295, %mul3A_344 : vector<16xf32>
        %mul3A_346 = arith.mulf %mul3A_341, %sub3A_324 : vector<16xf32>
        %add3A_347 = arith.addf %add3A_297, %mul3A_346 : vector<16xf32>
        %mul3A_348 = arith.mulf %mul3A_341, %sub3A_325 : vector<16xf32>
        %add3A_349 = arith.addf %add3A_299, %mul3A_348 : vector<16xf32>
        %mul3A_350 = arith.mulf %mul3A_342, %sub3A_324 : vector<16xf32>
        %add3A_351 = arith.addf %add3A_301, %mul3A_350 : vector<16xf32>
        %mul3A_352 = arith.mulf %mul3A_342, %sub3A_325 : vector<16xf32>
        %add3A_353 = arith.addf %add3A_303, %mul3A_352 : vector<16xf32>
        %mul3A_354 = arith.mulf %mul3A_343, %sub3A_325 : vector<16xf32>
        %add3A_355 = arith.addf %add3A_305, %mul3A_354 : vector<16xf32>
        %mul3A_356 = arith.mulf %mul3A_341, %sub3A_326 : vector<16xf32>
        %add3A_357 = arith.addf %add3A_307, %mul3A_356 : vector<16xf32>
        %mul3A_358 = arith.mulf %mul3A_342, %sub3A_326 : vector<16xf32>
        %add3A_359 = arith.addf %add3A_309, %mul3A_358 : vector<16xf32>
        %mul3A_360 = arith.mulf %mul3A_343, %sub3A_326 : vector<16xf32>
        %add3A_361 = arith.addf %add3A_311, %mul3A_360 : vector<16xf32>
        %add3A_362 = arith.constant 4 : i32
        %add3A_363 = vector.broadcast %add3A_362 : i32 to vector<16xi32>
        %add3A_364 = arith.addi %add3A_167, %add3A_363 : vector<16xi32>
        %gather3A_365 = tpu.vector_load_idx %arg23[%add3A_364] : memref<3584xf32, #tpu.memory_space<vmem>>[vector<16xi32>], vector<16xf32>,
        %gather3A_366 = tpu.vector_load_idx %arg24[%add3A_364] : memref<3584xf32, #tpu.memory_space<vmem>>[vector<16xi32>], vector<16xf32>,
        %gather3A_367 = tpu.vector_load_idx %arg25[%add3A_364] : memref<3584xf32, #tpu.memory_space<vmem>>[vector<16xi32>], vector<16xf32>,
        %gather3A_368 = tpu.vector_load_idx %arg26[%add3A_364] : memref<3584xf32, #tpu.memory_space<vmem>>[vector<16xi32>], vector<16xf32>,
        %gather3A_369 = tpu.vector_load_idx %arg27[%add3A_364] : memref<3584xf32, #tpu.memory_space<vmem>>[vector<16xi32>], vector<16xf32>,
        %gather3A_370 = tpu.vector_load_idx %arg28[%add3A_364] : memref<3584xf32, #tpu.memory_space<vmem>>[vector<16xi32>], vector<16xf32>,
        %gather3A_371 = tpu.vector_load_idx %arg29[%add3A_364] : memref<3584xf32, #tpu.memory_space<vmem>>[vector<16xi32>], vector<16xf32>,
        %gather3A_372 = tpu.vector_load_idx %arg30[%add3A_364] : memref<3584xf32, #tpu.memory_space<vmem>>[vector<16xi32>], vector<16xf32>,
        %sub3A_373 = arith.subf %gather3A_365, %gather3A_369 : vector<16xf32>
        %sub3A_374 = arith.subf %gather3A_366, %gather3A_370 : vector<16xf32>
        %sub3A_375 = arith.subf %gather3A_367, %gather3A_371 : vector<16xf32>
        %sub3A_376 = arith.subf %gather3A_368, %gather3A_372 : vector<16xf32>
        %mul3A_377 = arith.mulf %sub3A_373, %sub3A_373 : vector<16xf32>
        %mul3A_378 = arith.mulf %sub3A_374, %sub3A_374 : vector<16xf32>
        %add3A_379 = arith.addf %mul3A_377, %mul3A_378 : vector<16xf32>
        %mul3A_380 = arith.mulf %sub3A_375, %sub3A_375 : vector<16xf32>
        %add3A_381 = arith.addf %add3A_379, %mul3A_380 : vector<16xf32>
        %eq3A_382 = arith.constant 0.000000e+00 : f32
        %eq3A_383 = vector.broadcast %eq3A_382 : f32 to vector<16xf32>
        %eq3A_384 = arith.cmpf oeq, %add3A_381, %eq3A_383 : vector<16xf32>
        %div3A_385 = arith.constant 1.000000e+00 : f32
        %div3A_386 = vector.broadcast %div3A_385 : f32 to vector<16xf32>
        %div3A_387 = arith.divf %div3A_386, %add3A_381 : vector<16xf32>
        %jit3A_388 = arith.constant 1.000000e+00 : f32
        %broadcast_in_dim3A_389 = vector.broadcast %jit3A_388 : f32 to vector<16xf32>
        %select_n3A_390 = arith.select %eq3A_384, %broadcast_in_dim3A_389, %div3A_387 : vector<16xi1>, vector<16xf32>
        %mul3A_391 = arith.mulf %select_n3A_390, %sub3A_373 : vector<16xf32>
        %mul3A_392 = arith.mulf %select_n3A_390, %sub3A_374 : vector<16xf32>
        %mul3A_393 = arith.mulf %select_n3A_390, %sub3A_375 : vector<16xf32>
        %mul3A_394 = arith.mulf %mul3A_391, %sub3A_373 : vector<16xf32>
        %add3A_395 = arith.addf %add3A_345, %mul3A_394 : vector<16xf32>
        %mul3A_396 = arith.mulf %mul3A_391, %sub3A_374 : vector<16xf32>
        %add3A_397 = arith.addf %add3A_347, %mul3A_396 : vector<16xf32>
        %mul3A_398 = arith.mulf %mul3A_391, %sub3A_375 : vector<16xf32>
        %add3A_399 = arith.addf %add3A_349, %mul3A_398 : vector<16xf32>
        %mul3A_400 = arith.mulf %mul3A_392, %sub3A_374 : vector<16xf32>
        %add3A_401 = arith.addf %add3A_351, %mul3A_400 : vector<16xf32>
        %mul3A_402 = arith.mulf %mul3A_392, %sub3A_375 : vector<16xf32>
        %add3A_403 = arith.addf %add3A_353, %mul3A_402 : vector<16xf32>
        %mul3A_404 = arith.mulf %mul3A_393, %sub3A_375 : vector<16xf32>
        %add3A_405 = arith.addf %add3A_355, %mul3A_404 : vector<16xf32>
        %mul3A_406 = arith.mulf %mul3A_391, %sub3A_376 : vector<16xf32>
        %add3A_407 = arith.addf %add3A_357, %mul3A_406 : vector<16xf32>
        %mul3A_408 = arith.mulf %mul3A_392, %sub3A_376 : vector<16xf32>
        %add3A_409 = arith.addf %add3A_359, %mul3A_408 : vector<16xf32>
        %mul3A_410 = arith.mulf %mul3A_393, %sub3A_376 : vector<16xf32>
        %add3A_411 = arith.addf %add3A_361, %mul3A_410 : vector<16xf32>
        %add3A_412 = arith.constant 5 : i32
        %add3A_413 = vector.broadcast %add3A_412 : i32 to vector<16xi32>
        %add3A_414 = arith.addi %add3A_167, %add3A_413 : vector<16xi32>
        %gather3A_415 = tpu.vector_load_idx %arg23[%add3A_414] : memref<3584xf32, #tpu.memory_space<vmem>>[vector<16xi32>], vector<16xf32>,
        %gather3A_416 = tpu.vector_load_idx %arg24[%add3A_414] : memref<3584xf32, #tpu.memory_space<vmem>>[vector<16xi32>], vector<16xf32>,
        %gather3A_417 = tpu.vector_load_idx %arg25[%add3A_414] : memref<3584xf32, #tpu.memory_space<vmem>>[vector<16xi32>], vector<16xf32>,
        %gather3A_418 = tpu.vector_load_idx %arg26[%add3A_414] : memref<3584xf32, #tpu.memory_space<vmem>>[vector<16xi32>], vector<16xf32>,
        %gather3A_419 = tpu.vector_load_idx %arg27[%add3A_414] : memref<3584xf32, #tpu.memory_space<vmem>>[vector<16xi32>], vector<16xf32>,
        %gather3A_420 = tpu.vector_load_idx %arg28[%add3A_414] : memref<3584xf32, #tpu.memory_space<vmem>>[vector<16xi32>], vector<16xf32>,
        %gather3A_421 = tpu.vector_load_idx %arg29[%add3A_414] : memref<3584xf32, #tpu.memory_space<vmem>>[vector<16xi32>], vector<16xf32>,
        %gather3A_422 = tpu.vector_load_idx %arg30[%add3A_414] : memref<3584xf32, #tpu.memory_space<vmem>>[vector<16xi32>], vector<16xf32>,
        %sub3A_423 = arith.subf %gather3A_415, %gather3A_419 : vector<16xf32>
        %sub3A_424 = arith.subf %gather3A_416, %gather3A_420 : vector<16xf32>
        %sub3A_425 = arith.subf %gather3A_417, %gather3A_421 : vector<16xf32>
        %sub3A_426 = arith.subf %gather3A_418, %gather3A_422 : vector<16xf32>
        %mul3A_427 = arith.mulf %sub3A_423, %sub3A_423 : vector<16xf32>
        %mul3A_428 = arith.mulf %sub3A_424, %sub3A_424 : vector<16xf32>
        %add3A_429 = arith.addf %mul3A_427, %mul3A_428 : vector<16xf32>
        %mul3A_430 = arith.mulf %sub3A_425, %sub3A_425 : vector<16xf32>
        %add3A_431 = arith.addf %add3A_429, %mul3A_430 : vector<16xf32>
        %eq3A_432 = arith.constant 0.000000e+00 : f32
        %eq3A_433 = vector.broadcast %eq3A_432 : f32 to vector<16xf32>
        %eq3A_434 = arith.cmpf oeq, %add3A_431, %eq3A_433 : vector<16xf32>
        %div3A_435 = arith.constant 1.000000e+00 : f32
        %div3A_436 = vector.broadcast %div3A_435 : f32 to vector<16xf32>
        %div3A_437 = arith.divf %div3A_436, %add3A_431 : vector<16xf32>
        %jit3A_438 = arith.constant 1.000000e+00 : f32
        %broadcast_in_dim3A_439 = vector.broadcast %jit3A_438 : f32 to vector<16xf32>
        %select_n3A_440 = arith.select %eq3A_434, %broadcast_in_dim3A_439, %div3A_437 : vector<16xi1>, vector<16xf32>
        %mul3A_441 = arith.mulf %select_n3A_440, %sub3A_423 : vector<16xf32>
        %mul3A_442 = arith.mulf %select_n3A_440, %sub3A_424 : vector<16xf32>
        %mul3A_443 = arith.mulf %select_n3A_440, %sub3A_425 : vector<16xf32>
        %mul3A_444 = arith.mulf %mul3A_441, %sub3A_423 : vector<16xf32>
        %add3A_445 = arith.addf %add3A_395, %mul3A_444 : vector<16xf32>
        %mul3A_446 = arith.mulf %mul3A_441, %sub3A_424 : vector<16xf32>
        %add3A_447 = arith.addf %add3A_397, %mul3A_446 : vector<16xf32>
        %mul3A_448 = arith.mulf %mul3A_441, %sub3A_425 : vector<16xf32>
        %add3A_449 = arith.addf %add3A_399, %mul3A_448 : vector<16xf32>
        %mul3A_450 = arith.mulf %mul3A_442, %sub3A_424 : vector<16xf32>
        %add3A_451 = arith.addf %add3A_401, %mul3A_450 : vector<16xf32>
        %mul3A_452 = arith.mulf %mul3A_442, %sub3A_425 : vector<16xf32>
        %add3A_453 = arith.addf %add3A_403, %mul3A_452 : vector<16xf32>
        %mul3A_454 = arith.mulf %mul3A_443, %sub3A_425 : vector<16xf32>
        %add3A_455 = arith.addf %add3A_405, %mul3A_454 : vector<16xf32>
        %mul3A_456 = arith.mulf %mul3A_441, %sub3A_426 : vector<16xf32>
        %add3A_457 = arith.addf %add3A_407, %mul3A_456 : vector<16xf32>
        %mul3A_458 = arith.mulf %mul3A_442, %sub3A_426 : vector<16xf32>
        %add3A_459 = arith.addf %add3A_409, %mul3A_458 : vector<16xf32>
        %mul3A_460 = arith.mulf %mul3A_443, %sub3A_426 : vector<16xf32>
        %add3A_461 = arith.addf %add3A_411, %mul3A_460 : vector<16xf32>
        %add3A_462 = arith.constant 6 : i32
        %add3A_463 = vector.broadcast %add3A_462 : i32 to vector<16xi32>
        %add3A_464 = arith.addi %add3A_167, %add3A_463 : vector<16xi32>
        %gather3A_465 = tpu.vector_load_idx %arg23[%add3A_464] : memref<3584xf32, #tpu.memory_space<vmem>>[vector<16xi32>], vector<16xf32>,
        %gather3A_466 = tpu.vector_load_idx %arg24[%add3A_464] : memref<3584xf32, #tpu.memory_space<vmem>>[vector<16xi32>], vector<16xf32>,
        %gather3A_467 = tpu.vector_load_idx %arg25[%add3A_464] : memref<3584xf32, #tpu.memory_space<vmem>>[vector<16xi32>], vector<16xf32>,
        %gather3A_468 = tpu.vector_load_idx %arg26[%add3A_464] : memref<3584xf32, #tpu.memory_space<vmem>>[vector<16xi32>], vector<16xf32>,
        %gather3A_469 = tpu.vector_load_idx %arg27[%add3A_464] : memref<3584xf32, #tpu.memory_space<vmem>>[vector<16xi32>], vector<16xf32>,
        %gather3A_470 = tpu.vector_load_idx %arg28[%add3A_464] : memref<3584xf32, #tpu.memory_space<vmem>>[vector<16xi32>], vector<16xf32>,
        %gather3A_471 = tpu.vector_load_idx %arg29[%add3A_464] : memref<3584xf32, #tpu.memory_space<vmem>>[vector<16xi32>], vector<16xf32>,
        %gather3A_472 = tpu.vector_load_idx %arg30[%add3A_464] : memref<3584xf32, #tpu.memory_space<vmem>>[vector<16xi32>], vector<16xf32>,
        %sub3A_473 = arith.subf %gather3A_465, %gather3A_469 : vector<16xf32>
        %sub3A_474 = arith.subf %gather3A_466, %gather3A_470 : vector<16xf32>
        %sub3A_475 = arith.subf %gather3A_467, %gather3A_471 : vector<16xf32>
        %sub3A_476 = arith.subf %gather3A_468, %gather3A_472 : vector<16xf32>
        %mul3A_477 = arith.mulf %sub3A_473, %sub3A_473 : vector<16xf32>
        %mul3A_478 = arith.mulf %sub3A_474, %sub3A_474 : vector<16xf32>
        %add3A_479 = arith.addf %mul3A_477, %mul3A_478 : vector<16xf32>
        %mul3A_480 = arith.mulf %sub3A_475, %sub3A_475 : vector<16xf32>
        %add3A_481 = arith.addf %add3A_479, %mul3A_480 : vector<16xf32>
        %eq3A_482 = arith.constant 0.000000e+00 : f32
        %eq3A_483 = vector.broadcast %eq3A_482 : f32 to vector<16xf32>
        %eq3A_484 = arith.cmpf oeq, %add3A_481, %eq3A_483 : vector<16xf32>
        %div3A_485 = arith.constant 1.000000e+00 : f32
        %div3A_486 = vector.broadcast %div3A_485 : f32 to vector<16xf32>
        %div3A_487 = arith.divf %div3A_486, %add3A_481 : vector<16xf32>
        %jit3A_488 = arith.constant 1.000000e+00 : f32
        %broadcast_in_dim3A_489 = vector.broadcast %jit3A_488 : f32 to vector<16xf32>
        %select_n3A_490 = arith.select %eq3A_484, %broadcast_in_dim3A_489, %div3A_487 : vector<16xi1>, vector<16xf32>
        %mul3A_491 = arith.mulf %select_n3A_490, %sub3A_473 : vector<16xf32>
        %mul3A_492 = arith.mulf %select_n3A_490, %sub3A_474 : vector<16xf32>
        %mul3A_493 = arith.mulf %select_n3A_490, %sub3A_475 : vector<16xf32>
        %mul3A_494 = arith.mulf %mul3A_491, %sub3A_473 : vector<16xf32>
        %add3A_495 = arith.addf %add3A_445, %mul3A_494 : vector<16xf32>
        %mul3A_496 = arith.mulf %mul3A_491, %sub3A_474 : vector<16xf32>
        %add3A_497 = arith.addf %add3A_447, %mul3A_496 : vector<16xf32>
        %mul3A_498 = arith.mulf %mul3A_491, %sub3A_475 : vector<16xf32>
        %add3A_499 = arith.addf %add3A_449, %mul3A_498 : vector<16xf32>
        %mul3A_500 = arith.mulf %mul3A_492, %sub3A_474 : vector<16xf32>
        %add3A_501 = arith.addf %add3A_451, %mul3A_500 : vector<16xf32>
        %mul3A_502 = arith.mulf %mul3A_492, %sub3A_475 : vector<16xf32>
        %add3A_503 = arith.addf %add3A_453, %mul3A_502 : vector<16xf32>
        %mul3A_504 = arith.mulf %mul3A_493, %sub3A_475 : vector<16xf32>
        %add3A_505 = arith.addf %add3A_455, %mul3A_504 : vector<16xf32>
        %mul3A_506 = arith.mulf %mul3A_491, %sub3A_476 : vector<16xf32>
        %add3A_507 = arith.addf %add3A_457, %mul3A_506 : vector<16xf32>
        %mul3A_508 = arith.mulf %mul3A_492, %sub3A_476 : vector<16xf32>
        %add3A_509 = arith.addf %add3A_459, %mul3A_508 : vector<16xf32>
        %mul3A_510 = arith.mulf %mul3A_493, %sub3A_476 : vector<16xf32>
        %add3A_511 = arith.addf %add3A_461, %mul3A_510 : vector<16xf32>
        %add3A_512 = arith.constant 7 : i32
        %add3A_513 = vector.broadcast %add3A_512 : i32 to vector<16xi32>
        %add3A_514 = arith.addi %add3A_167, %add3A_513 : vector<16xi32>
        %gather3A_515 = tpu.vector_load_idx %arg23[%add3A_514] : memref<3584xf32, #tpu.memory_space<vmem>>[vector<16xi32>], vector<16xf32>,
        %gather3A_516 = tpu.vector_load_idx %arg24[%add3A_514] : memref<3584xf32, #tpu.memory_space<vmem>>[vector<16xi32>], vector<16xf32>,
        %gather3A_517 = tpu.vector_load_idx %arg25[%add3A_514] : memref<3584xf32, #tpu.memory_space<vmem>>[vector<16xi32>], vector<16xf32>,
        %gather3A_518 = tpu.vector_load_idx %arg26[%add3A_514] : memref<3584xf32, #tpu.memory_space<vmem>>[vector<16xi32>], vector<16xf32>,
        %gather3A_519 = tpu.vector_load_idx %arg27[%add3A_514] : memref<3584xf32, #tpu.memory_space<vmem>>[vector<16xi32>], vector<16xf32>,
        %gather3A_520 = tpu.vector_load_idx %arg28[%add3A_514] : memref<3584xf32, #tpu.memory_space<vmem>>[vector<16xi32>], vector<16xf32>,
        %gather3A_521 = tpu.vector_load_idx %arg29[%add3A_514] : memref<3584xf32, #tpu.memory_space<vmem>>[vector<16xi32>], vector<16xf32>,
        %gather3A_522 = tpu.vector_load_idx %arg30[%add3A_514] : memref<3584xf32, #tpu.memory_space<vmem>>[vector<16xi32>], vector<16xf32>,
        %sub3A_523 = arith.subf %gather3A_515, %gather3A_519 : vector<16xf32>
        %sub3A_524 = arith.subf %gather3A_516, %gather3A_520 : vector<16xf32>
        %sub3A_525 = arith.subf %gather3A_517, %gather3A_521 : vector<16xf32>
        %sub3A_526 = arith.subf %gather3A_518, %gather3A_522 : vector<16xf32>
        %mul3A_527 = arith.mulf %sub3A_523, %sub3A_523 : vector<16xf32>
        %mul3A_528 = arith.mulf %sub3A_524, %sub3A_524 : vector<16xf32>
        %add3A_529 = arith.addf %mul3A_527, %mul3A_528 : vector<16xf32>
        %mul3A_530 = arith.mulf %sub3A_525, %sub3A_525 : vector<16xf32>
        %add3A_531 = arith.addf %add3A_529, %mul3A_530 : vector<16xf32>
        %eq3A_532 = arith.constant 0.000000e+00 : f32
        %eq3A_533 = vector.broadcast %eq3A_532 : f32 to vector<16xf32>
        %eq3A_534 = arith.cmpf oeq, %add3A_531, %eq3A_533 : vector<16xf32>
        %div3A_535 = arith.constant 1.000000e+00 : f32
        %div3A_536 = vector.broadcast %div3A_535 : f32 to vector<16xf32>
        %div3A_537 = arith.divf %div3A_536, %add3A_531 : vector<16xf32>
        %jit3A_538 = arith.constant 1.000000e+00 : f32
        %broadcast_in_dim3A_539 = vector.broadcast %jit3A_538 : f32 to vector<16xf32>
        %select_n3A_540 = arith.select %eq3A_534, %broadcast_in_dim3A_539, %div3A_537 : vector<16xi1>, vector<16xf32>
        %mul3A_541 = arith.mulf %select_n3A_540, %sub3A_523 : vector<16xf32>
        %mul3A_542 = arith.mulf %select_n3A_540, %sub3A_524 : vector<16xf32>
        %mul3A_543 = arith.mulf %select_n3A_540, %sub3A_525 : vector<16xf32>
        %mul3A_544 = arith.mulf %mul3A_541, %sub3A_523 : vector<16xf32>
        %add3A_545 = arith.addf %add3A_495, %mul3A_544 : vector<16xf32>
        %mul3A_546 = arith.mulf %mul3A_541, %sub3A_524 : vector<16xf32>
        %add3A_547 = arith.addf %add3A_497, %mul3A_546 : vector<16xf32>
        %mul3A_548 = arith.mulf %mul3A_541, %sub3A_525 : vector<16xf32>
        %add3A_549 = arith.addf %add3A_499, %mul3A_548 : vector<16xf32>
        %mul3A_550 = arith.mulf %mul3A_542, %sub3A_524 : vector<16xf32>
        %add3A_551 = arith.addf %add3A_501, %mul3A_550 : vector<16xf32>
        %mul3A_552 = arith.mulf %mul3A_542, %sub3A_525 : vector<16xf32>
        %add3A_553 = arith.addf %add3A_503, %mul3A_552 : vector<16xf32>
        %mul3A_554 = arith.mulf %mul3A_543, %sub3A_525 : vector<16xf32>
        %add3A_555 = arith.addf %add3A_505, %mul3A_554 : vector<16xf32>
        %mul3A_556 = arith.mulf %mul3A_541, %sub3A_526 : vector<16xf32>
        %add3A_557 = arith.addf %add3A_507, %mul3A_556 : vector<16xf32>
        %mul3A_558 = arith.mulf %mul3A_542, %sub3A_526 : vector<16xf32>
        %add3A_559 = arith.addf %add3A_509, %mul3A_558 : vector<16xf32>
        %mul3A_560 = arith.mulf %mul3A_543, %sub3A_526 : vector<16xf32>
        %add3A_561 = arith.addf %add3A_511, %mul3A_560 : vector<16xf32>
        %add3A_562 = arith.constant 8 : i32
        %add3A_563 = vector.broadcast %add3A_562 : i32 to vector<16xi32>
        %add3A_564 = arith.addi %add3A_167, %add3A_563 : vector<16xi32>
        %gather3A_565 = tpu.vector_load_idx %arg23[%add3A_564] : memref<3584xf32, #tpu.memory_space<vmem>>[vector<16xi32>], vector<16xf32>,
        %gather3A_566 = tpu.vector_load_idx %arg24[%add3A_564] : memref<3584xf32, #tpu.memory_space<vmem>>[vector<16xi32>], vector<16xf32>,
        %gather3A_567 = tpu.vector_load_idx %arg25[%add3A_564] : memref<3584xf32, #tpu.memory_space<vmem>>[vector<16xi32>], vector<16xf32>,
        %gather3A_568 = tpu.vector_load_idx %arg26[%add3A_564] : memref<3584xf32, #tpu.memory_space<vmem>>[vector<16xi32>], vector<16xf32>,
        %gather3A_569 = tpu.vector_load_idx %arg27[%add3A_564] : memref<3584xf32, #tpu.memory_space<vmem>>[vector<16xi32>], vector<16xf32>,
        %gather3A_570 = tpu.vector_load_idx %arg28[%add3A_564] : memref<3584xf32, #tpu.memory_space<vmem>>[vector<16xi32>], vector<16xf32>,
        %gather3A_571 = tpu.vector_load_idx %arg29[%add3A_564] : memref<3584xf32, #tpu.memory_space<vmem>>[vector<16xi32>], vector<16xf32>,
        %gather3A_572 = tpu.vector_load_idx %arg30[%add3A_564] : memref<3584xf32, #tpu.memory_space<vmem>>[vector<16xi32>], vector<16xf32>,
        %sub3A_573 = arith.subf %gather3A_565, %gather3A_569 : vector<16xf32>
        %sub3A_574 = arith.subf %gather3A_566, %gather3A_570 : vector<16xf32>
        %sub3A_575 = arith.subf %gather3A_567, %gather3A_571 : vector<16xf32>
        %sub3A_576 = arith.subf %gather3A_568, %gather3A_572 : vector<16xf32>
        %mul3A_577 = arith.mulf %sub3A_573, %sub3A_573 : vector<16xf32>
        %mul3A_578 = arith.mulf %sub3A_574, %sub3A_574 : vector<16xf32>
        %add3A_579 = arith.addf %mul3A_577, %mul3A_578 : vector<16xf32>
        %mul3A_580 = arith.mulf %sub3A_575, %sub3A_575 : vector<16xf32>
        %add3A_581 = arith.addf %add3A_579, %mul3A_580 : vector<16xf32>
        %eq3A_582 = arith.constant 0.000000e+00 : f32
        %eq3A_583 = vector.broadcast %eq3A_582 : f32 to vector<16xf32>
        %eq3A_584 = arith.cmpf oeq, %add3A_581, %eq3A_583 : vector<16xf32>
        %div3A_585 = arith.constant 1.000000e+00 : f32
        %div3A_586 = vector.broadcast %div3A_585 : f32 to vector<16xf32>
        %div3A_587 = arith.divf %div3A_586, %add3A_581 : vector<16xf32>
        %jit3A_588 = arith.constant 1.000000e+00 : f32
        %broadcast_in_dim3A_589 = vector.broadcast %jit3A_588 : f32 to vector<16xf32>
        %select_n3A_590 = arith.select %eq3A_584, %broadcast_in_dim3A_589, %div3A_587 : vector<16xi1>, vector<16xf32>
        %mul3A_591 = arith.mulf %select_n3A_590, %sub3A_573 : vector<16xf32>
        %mul3A_592 = arith.mulf %select_n3A_590, %sub3A_574 : vector<16xf32>
        %mul3A_593 = arith.mulf %select_n3A_590, %sub3A_575 : vector<16xf32>
        %mul3A_594 = arith.mulf %mul3A_591, %sub3A_573 : vector<16xf32>
        %add3A_595 = arith.addf %add3A_545, %mul3A_594 : vector<16xf32>
        %mul3A_596 = arith.mulf %mul3A_591, %sub3A_574 : vector<16xf32>
        %add3A_597 = arith.addf %add3A_547, %mul3A_596 : vector<16xf32>
        %mul3A_598 = arith.mulf %mul3A_591, %sub3A_575 : vector<16xf32>
        %add3A_599 = arith.addf %add3A_549, %mul3A_598 : vector<16xf32>
        %mul3A_600 = arith.mulf %mul3A_592, %sub3A_574 : vector<16xf32>
        %add3A_601 = arith.addf %add3A_551, %mul3A_600 : vector<16xf32>
        %mul3A_602 = arith.mulf %mul3A_592, %sub3A_575 : vector<16xf32>
        %add3A_603 = arith.addf %add3A_553, %mul3A_602 : vector<16xf32>
        %mul3A_604 = arith.mulf %mul3A_593, %sub3A_575 : vector<16xf32>
        %add3A_605 = arith.addf %add3A_555, %mul3A_604 : vector<16xf32>
        %mul3A_606 = arith.mulf %mul3A_591, %sub3A_576 : vector<16xf32>
        %add3A_607 = arith.addf %add3A_557, %mul3A_606 : vector<16xf32>
        %mul3A_608 = arith.mulf %mul3A_592, %sub3A_576 : vector<16xf32>
        %add3A_609 = arith.addf %add3A_559, %mul3A_608 : vector<16xf32>
        %mul3A_610 = arith.mulf %mul3A_593, %sub3A_576 : vector<16xf32>
        %add3A_611 = arith.addf %add3A_561, %mul3A_610 : vector<16xf32>
        %add3A_612 = arith.constant 9 : i32
        %add3A_613 = vector.broadcast %add3A_612 : i32 to vector<16xi32>
        %add3A_614 = arith.addi %add3A_167, %add3A_613 : vector<16xi32>
        %gather3A_615 = tpu.vector_load_idx %arg23[%add3A_614] : memref<3584xf32, #tpu.memory_space<vmem>>[vector<16xi32>], vector<16xf32>,
        %gather3A_616 = tpu.vector_load_idx %arg24[%add3A_614] : memref<3584xf32, #tpu.memory_space<vmem>>[vector<16xi32>], vector<16xf32>,
        %gather3A_617 = tpu.vector_load_idx %arg25[%add3A_614] : memref<3584xf32, #tpu.memory_space<vmem>>[vector<16xi32>], vector<16xf32>,
        %gather3A_618 = tpu.vector_load_idx %arg26[%add3A_614] : memref<3584xf32, #tpu.memory_space<vmem>>[vector<16xi32>], vector<16xf32>,
        %gather3A_619 = tpu.vector_load_idx %arg27[%add3A_614] : memref<3584xf32, #tpu.memory_space<vmem>>[vector<16xi32>], vector<16xf32>,
        %gather3A_620 = tpu.vector_load_idx %arg28[%add3A_614] : memref<3584xf32, #tpu.memory_space<vmem>>[vector<16xi32>], vector<16xf32>,
        %gather3A_621 = tpu.vector_load_idx %arg29[%add3A_614] : memref<3584xf32, #tpu.memory_space<vmem>>[vector<16xi32>], vector<16xf32>,
        %gather3A_622 = tpu.vector_load_idx %arg30[%add3A_614] : memref<3584xf32, #tpu.memory_space<vmem>>[vector<16xi32>], vector<16xf32>,
        %sub3A_623 = arith.subf %gather3A_615, %gather3A_619 : vector<16xf32>
        %sub3A_624 = arith.subf %gather3A_616, %gather3A_620 : vector<16xf32>
        %sub3A_625 = arith.subf %gather3A_617, %gather3A_621 : vector<16xf32>
        %sub3A_626 = arith.subf %gather3A_618, %gather3A_622 : vector<16xf32>
        %mul3A_627 = arith.mulf %sub3A_623, %sub3A_623 : vector<16xf32>
        %mul3A_628 = arith.mulf %sub3A_624, %sub3A_624 : vector<16xf32>
        %add3A_629 = arith.addf %mul3A_627, %mul3A_628 : vector<16xf32>
        %mul3A_630 = arith.mulf %sub3A_625, %sub3A_625 : vector<16xf32>
        %add3A_631 = arith.addf %add3A_629, %mul3A_630 : vector<16xf32>
        %eq3A_632 = arith.constant 0.000000e+00 : f32
        %eq3A_633 = vector.broadcast %eq3A_632 : f32 to vector<16xf32>
        %eq3A_634 = arith.cmpf oeq, %add3A_631, %eq3A_633 : vector<16xf32>
        %div3A_635 = arith.constant 1.000000e+00 : f32
        %div3A_636 = vector.broadcast %div3A_635 : f32 to vector<16xf32>
        %div3A_637 = arith.divf %div3A_636, %add3A_631 : vector<16xf32>
        %jit3A_638 = arith.constant 1.000000e+00 : f32
        %broadcast_in_dim3A_639 = vector.broadcast %jit3A_638 : f32 to vector<16xf32>
        %select_n3A_640 = arith.select %eq3A_634, %broadcast_in_dim3A_639, %div3A_637 : vector<16xi1>, vector<16xf32>
        %mul3A_641 = arith.mulf %select_n3A_640, %sub3A_623 : vector<16xf32>
        %mul3A_642 = arith.mulf %select_n3A_640, %sub3A_624 : vector<16xf32>
        %mul3A_643 = arith.mulf %select_n3A_640, %sub3A_625 : vector<16xf32>
        %mul3A_644 = arith.mulf %mul3A_641, %sub3A_623 : vector<16xf32>
        %add3A_645 = arith.addf %add3A_595, %mul3A_644 : vector<16xf32>
        %mul3A_646 = arith.mulf %mul3A_641, %sub3A_624 : vector<16xf32>
        %add3A_647 = arith.addf %add3A_597, %mul3A_646 : vector<16xf32>
        %mul3A_648 = arith.mulf %mul3A_641, %sub3A_625 : vector<16xf32>
        %add3A_649 = arith.addf %add3A_599, %mul3A_648 : vector<16xf32>
        %mul3A_650 = arith.mulf %mul3A_642, %sub3A_624 : vector<16xf32>
        %add3A_651 = arith.addf %add3A_601, %mul3A_650 : vector<16xf32>
        %mul3A_652 = arith.mulf %mul3A_642, %sub3A_625 : vector<16xf32>
        %add3A_653 = arith.addf %add3A_603, %mul3A_652 : vector<16xf32>
        %mul3A_654 = arith.mulf %mul3A_643, %sub3A_625 : vector<16xf32>
        %add3A_655 = arith.addf %add3A_605, %mul3A_654 : vector<16xf32>
        %mul3A_656 = arith.mulf %mul3A_641, %sub3A_626 : vector<16xf32>
        %add3A_657 = arith.addf %add3A_607, %mul3A_656 : vector<16xf32>
        %mul3A_658 = arith.mulf %mul3A_642, %sub3A_626 : vector<16xf32>
        %add3A_659 = arith.addf %add3A_609, %mul3A_658 : vector<16xf32>
        %mul3A_660 = arith.mulf %mul3A_643, %sub3A_626 : vector<16xf32>
        %add3A_661 = arith.addf %add3A_611, %mul3A_660 : vector<16xf32>
        %add3A_662 = arith.constant 10 : i32
        %add3A_663 = vector.broadcast %add3A_662 : i32 to vector<16xi32>
        %add3A_664 = arith.addi %add3A_167, %add3A_663 : vector<16xi32>
        %gather3A_665 = tpu.vector_load_idx %arg23[%add3A_664] : memref<3584xf32, #tpu.memory_space<vmem>>[vector<16xi32>], vector<16xf32>,
        %gather3A_666 = tpu.vector_load_idx %arg24[%add3A_664] : memref<3584xf32, #tpu.memory_space<vmem>>[vector<16xi32>], vector<16xf32>,
        %gather3A_667 = tpu.vector_load_idx %arg25[%add3A_664] : memref<3584xf32, #tpu.memory_space<vmem>>[vector<16xi32>], vector<16xf32>,
        %gather3A_668 = tpu.vector_load_idx %arg26[%add3A_664] : memref<3584xf32, #tpu.memory_space<vmem>>[vector<16xi32>], vector<16xf32>,
        %gather3A_669 = tpu.vector_load_idx %arg27[%add3A_664] : memref<3584xf32, #tpu.memory_space<vmem>>[vector<16xi32>], vector<16xf32>,
        %gather3A_670 = tpu.vector_load_idx %arg28[%add3A_664] : memref<3584xf32, #tpu.memory_space<vmem>>[vector<16xi32>], vector<16xf32>,
        %gather3A_671 = tpu.vector_load_idx %arg29[%add3A_664] : memref<3584xf32, #tpu.memory_space<vmem>>[vector<16xi32>], vector<16xf32>,
        %gather3A_672 = tpu.vector_load_idx %arg30[%add3A_664] : memref<3584xf32, #tpu.memory_space<vmem>>[vector<16xi32>], vector<16xf32>,
        %sub3A_673 = arith.subf %gather3A_665, %gather3A_669 : vector<16xf32>
        %sub3A_674 = arith.subf %gather3A_666, %gather3A_670 : vector<16xf32>
        %sub3A_675 = arith.subf %gather3A_667, %gather3A_671 : vector<16xf32>
        %sub3A_676 = arith.subf %gather3A_668, %gather3A_672 : vector<16xf32>
        %mul3A_677 = arith.mulf %sub3A_673, %sub3A_673 : vector<16xf32>
        %mul3A_678 = arith.mulf %sub3A_674, %sub3A_674 : vector<16xf32>
        %add3A_679 = arith.addf %mul3A_677, %mul3A_678 : vector<16xf32>
        %mul3A_680 = arith.mulf %sub3A_675, %sub3A_675 : vector<16xf32>
        %add3A_681 = arith.addf %add3A_679, %mul3A_680 : vector<16xf32>
        %eq3A_682 = arith.constant 0.000000e+00 : f32
        %eq3A_683 = vector.broadcast %eq3A_682 : f32 to vector<16xf32>
        %eq3A_684 = arith.cmpf oeq, %add3A_681, %eq3A_683 : vector<16xf32>
        %div3A_685 = arith.constant 1.000000e+00 : f32
        %div3A_686 = vector.broadcast %div3A_685 : f32 to vector<16xf32>
        %div3A_687 = arith.divf %div3A_686, %add3A_681 : vector<16xf32>
        %jit3A_688 = arith.constant 1.000000e+00 : f32
        %broadcast_in_dim3A_689 = vector.broadcast %jit3A_688 : f32 to vector<16xf32>
        %select_n3A_690 = arith.select %eq3A_684, %broadcast_in_dim3A_689, %div3A_687 : vector<16xi1>, vector<16xf32>
        %mul3A_691 = arith.mulf %select_n3A_690, %sub3A_673 : vector<16xf32>
        %mul3A_692 = arith.mulf %select_n3A_690, %sub3A_674 : vector<16xf32>
        %mul3A_693 = arith.mulf %select_n3A_690, %sub3A_675 : vector<16xf32>
        %mul3A_694 = arith.mulf %mul3A_691, %sub3A_673 : vector<16xf32>
        %add3A_695 = arith.addf %add3A_645, %mul3A_694 : vector<16xf32>
        %mul3A_696 = arith.mulf %mul3A_691, %sub3A_674 : vector<16xf32>
        %add3A_697 = arith.addf %add3A_647, %mul3A_696 : vector<16xf32>
        %mul3A_698 = arith.mulf %mul3A_691, %sub3A_675 : vector<16xf32>
        %add3A_699 = arith.addf %add3A_649, %mul3A_698 : vector<16xf32>
        %mul3A_700 = arith.mulf %mul3A_692, %sub3A_674 : vector<16xf32>
        %add3A_701 = arith.addf %add3A_651, %mul3A_700 : vector<16xf32>
        %mul3A_702 = arith.mulf %mul3A_692, %sub3A_675 : vector<16xf32>
        %add3A_703 = arith.addf %add3A_653, %mul3A_702 : vector<16xf32>
        %mul3A_704 = arith.mulf %mul3A_693, %sub3A_675 : vector<16xf32>
        %add3A_705 = arith.addf %add3A_655, %mul3A_704 : vector<16xf32>
        %mul3A_706 = arith.mulf %mul3A_691, %sub3A_676 : vector<16xf32>
        %add3A_707 = arith.addf %add3A_657, %mul3A_706 : vector<16xf32>
        %mul3A_708 = arith.mulf %mul3A_692, %sub3A_676 : vector<16xf32>
        %add3A_709 = arith.addf %add3A_659, %mul3A_708 : vector<16xf32>
        %mul3A_710 = arith.mulf %mul3A_693, %sub3A_676 : vector<16xf32>
        %add3A_711 = arith.addf %add3A_661, %mul3A_710 : vector<16xf32>
        %add3A_712 = arith.constant 11 : i32
        %add3A_713 = vector.broadcast %add3A_712 : i32 to vector<16xi32>
        %add3A_714 = arith.addi %add3A_167, %add3A_713 : vector<16xi32>
        %gather3A_715 = tpu.vector_load_idx %arg23[%add3A_714] : memref<3584xf32, #tpu.memory_space<vmem>>[vector<16xi32>], vector<16xf32>,
        %gather3A_716 = tpu.vector_load_idx %arg24[%add3A_714] : memref<3584xf32, #tpu.memory_space<vmem>>[vector<16xi32>], vector<16xf32>,
        %gather3A_717 = tpu.vector_load_idx %arg25[%add3A_714] : memref<3584xf32, #tpu.memory_space<vmem>>[vector<16xi32>], vector<16xf32>,
        %gather3A_718 = tpu.vector_load_idx %arg26[%add3A_714] : memref<3584xf32, #tpu.memory_space<vmem>>[vector<16xi32>], vector<16xf32>,
        %gather3A_719 = tpu.vector_load_idx %arg27[%add3A_714] : memref<3584xf32, #tpu.memory_space<vmem>>[vector<16xi32>], vector<16xf32>,
        %gather3A_720 = tpu.vector_load_idx %arg28[%add3A_714] : memref<3584xf32, #tpu.memory_space<vmem>>[vector<16xi32>], vector<16xf32>,
        %gather3A_721 = tpu.vector_load_idx %arg29[%add3A_714] : memref<3584xf32, #tpu.memory_space<vmem>>[vector<16xi32>], vector<16xf32>,
        %gather3A_722 = tpu.vector_load_idx %arg30[%add3A_714] : memref<3584xf32, #tpu.memory_space<vmem>>[vector<16xi32>], vector<16xf32>,
        %sub3A_723 = arith.subf %gather3A_715, %gather3A_719 : vector<16xf32>
        %sub3A_724 = arith.subf %gather3A_716, %gather3A_720 : vector<16xf32>
        %sub3A_725 = arith.subf %gather3A_717, %gather3A_721 : vector<16xf32>
        %sub3A_726 = arith.subf %gather3A_718, %gather3A_722 : vector<16xf32>
        %mul3A_727 = arith.mulf %sub3A_723, %sub3A_723 : vector<16xf32>
        %mul3A_728 = arith.mulf %sub3A_724, %sub3A_724 : vector<16xf32>
        %add3A_729 = arith.addf %mul3A_727, %mul3A_728 : vector<16xf32>
        %mul3A_730 = arith.mulf %sub3A_725, %sub3A_725 : vector<16xf32>
        %add3A_731 = arith.addf %add3A_729, %mul3A_730 : vector<16xf32>
        %eq3A_732 = arith.constant 0.000000e+00 : f32
        %eq3A_733 = vector.broadcast %eq3A_732 : f32 to vector<16xf32>
        %eq3A_734 = arith.cmpf oeq, %add3A_731, %eq3A_733 : vector<16xf32>
        %div3A_735 = arith.constant 1.000000e+00 : f32
        %div3A_736 = vector.broadcast %div3A_735 : f32 to vector<16xf32>
        %div3A_737 = arith.divf %div3A_736, %add3A_731 : vector<16xf32>
        %jit3A_738 = arith.constant 1.000000e+00 : f32
        %broadcast_in_dim3A_739 = vector.broadcast %jit3A_738 : f32 to vector<16xf32>
        %select_n3A_740 = arith.select %eq3A_734, %broadcast_in_dim3A_739, %div3A_737 : vector<16xi1>, vector<16xf32>
        %mul3A_741 = arith.mulf %select_n3A_740, %sub3A_723 : vector<16xf32>
        %mul3A_742 = arith.mulf %select_n3A_740, %sub3A_724 : vector<16xf32>
        %mul3A_743 = arith.mulf %select_n3A_740, %sub3A_725 : vector<16xf32>
        %mul3A_744 = arith.mulf %mul3A_741, %sub3A_723 : vector<16xf32>
        %add3A_745 = arith.addf %add3A_695, %mul3A_744 : vector<16xf32>
        %mul3A_746 = arith.mulf %mul3A_741, %sub3A_724 : vector<16xf32>
        %add3A_747 = arith.addf %add3A_697, %mul3A_746 : vector<16xf32>
        %mul3A_748 = arith.mulf %mul3A_741, %sub3A_725 : vector<16xf32>
        %add3A_749 = arith.addf %add3A_699, %mul3A_748 : vector<16xf32>
        %mul3A_750 = arith.mulf %mul3A_742, %sub3A_724 : vector<16xf32>
        %add3A_751 = arith.addf %add3A_701, %mul3A_750 : vector<16xf32>
        %mul3A_752 = arith.mulf %mul3A_742, %sub3A_725 : vector<16xf32>
        %add3A_753 = arith.addf %add3A_703, %mul3A_752 : vector<16xf32>
        %mul3A_754 = arith.mulf %mul3A_743, %sub3A_725 : vector<16xf32>
        %add3A_755 = arith.addf %add3A_705, %mul3A_754 : vector<16xf32>
        %mul3A_756 = arith.mulf %mul3A_741, %sub3A_726 : vector<16xf32>
        %add3A_757 = arith.addf %add3A_707, %mul3A_756 : vector<16xf32>
        %mul3A_758 = arith.mulf %mul3A_742, %sub3A_726 : vector<16xf32>
        %add3A_759 = arith.addf %add3A_709, %mul3A_758 : vector<16xf32>
        %mul3A_760 = arith.mulf %mul3A_743, %sub3A_726 : vector<16xf32>
        %add3A_761 = arith.addf %add3A_711, %mul3A_760 : vector<16xf32>
        %add3A_762 = arith.constant 12 : i32
        %add3A_763 = vector.broadcast %add3A_762 : i32 to vector<16xi32>
        %add3A_764 = arith.addi %add3A_167, %add3A_763 : vector<16xi32>
        %gather3A_765 = tpu.vector_load_idx %arg23[%add3A_764] : memref<3584xf32, #tpu.memory_space<vmem>>[vector<16xi32>], vector<16xf32>,
        %gather3A_766 = tpu.vector_load_idx %arg24[%add3A_764] : memref<3584xf32, #tpu.memory_space<vmem>>[vector<16xi32>], vector<16xf32>,
        %gather3A_767 = tpu.vector_load_idx %arg25[%add3A_764] : memref<3584xf32, #tpu.memory_space<vmem>>[vector<16xi32>], vector<16xf32>,
        %gather3A_768 = tpu.vector_load_idx %arg26[%add3A_764] : memref<3584xf32, #tpu.memory_space<vmem>>[vector<16xi32>], vector<16xf32>,
        %gather3A_769 = tpu.vector_load_idx %arg27[%add3A_764] : memref<3584xf32, #tpu.memory_space<vmem>>[vector<16xi32>], vector<16xf32>,
        %gather3A_770 = tpu.vector_load_idx %arg28[%add3A_764] : memref<3584xf32, #tpu.memory_space<vmem>>[vector<16xi32>], vector<16xf32>,
        %gather3A_771 = tpu.vector_load_idx %arg29[%add3A_764] : memref<3584xf32, #tpu.memory_space<vmem>>[vector<16xi32>], vector<16xf32>,
        %gather3A_772 = tpu.vector_load_idx %arg30[%add3A_764] : memref<3584xf32, #tpu.memory_space<vmem>>[vector<16xi32>], vector<16xf32>,
        %sub3A_773 = arith.subf %gather3A_765, %gather3A_769 : vector<16xf32>
        %sub3A_774 = arith.subf %gather3A_766, %gather3A_770 : vector<16xf32>
        %sub3A_775 = arith.subf %gather3A_767, %gather3A_771 : vector<16xf32>
        %sub3A_776 = arith.subf %gather3A_768, %gather3A_772 : vector<16xf32>
        %mul3A_777 = arith.mulf %sub3A_773, %sub3A_773 : vector<16xf32>
        %mul3A_778 = arith.mulf %sub3A_774, %sub3A_774 : vector<16xf32>
        %add3A_779 = arith.addf %mul3A_777, %mul3A_778 : vector<16xf32>
        %mul3A_780 = arith.mulf %sub3A_775, %sub3A_775 : vector<16xf32>
        %add3A_781 = arith.addf %add3A_779, %mul3A_780 : vector<16xf32>
        %eq3A_782 = arith.constant 0.000000e+00 : f32
        %eq3A_783 = vector.broadcast %eq3A_782 : f32 to vector<16xf32>
        %eq3A_784 = arith.cmpf oeq, %add3A_781, %eq3A_783 : vector<16xf32>
        %div3A_785 = arith.constant 1.000000e+00 : f32
        %div3A_786 = vector.broadcast %div3A_785 : f32 to vector<16xf32>
        %div3A_787 = arith.divf %div3A_786, %add3A_781 : vector<16xf32>
        %jit3A_788 = arith.constant 1.000000e+00 : f32
        %broadcast_in_dim3A_789 = vector.broadcast %jit3A_788 : f32 to vector<16xf32>
        %select_n3A_790 = arith.select %eq3A_784, %broadcast_in_dim3A_789, %div3A_787 : vector<16xi1>, vector<16xf32>
        %mul3A_791 = arith.mulf %select_n3A_790, %sub3A_773 : vector<16xf32>
        %mul3A_792 = arith.mulf %select_n3A_790, %sub3A_774 : vector<16xf32>
        %mul3A_793 = arith.mulf %select_n3A_790, %sub3A_775 : vector<16xf32>
        %mul3A_794 = arith.mulf %mul3A_791, %sub3A_773 : vector<16xf32>
        %add3A_795 = arith.addf %add3A_745, %mul3A_794 : vector<16xf32>
        %mul3A_796 = arith.mulf %mul3A_791, %sub3A_774 : vector<16xf32>
        %add3A_797 = arith.addf %add3A_747, %mul3A_796 : vector<16xf32>
        %mul3A_798 = arith.mulf %mul3A_791, %sub3A_775 : vector<16xf32>
        %add3A_799 = arith.addf %add3A_749, %mul3A_798 : vector<16xf32>
        %mul3A_800 = arith.mulf %mul3A_792, %sub3A_774 : vector<16xf32>
        %add3A_801 = arith.addf %add3A_751, %mul3A_800 : vector<16xf32>
        %mul3A_802 = arith.mulf %mul3A_792, %sub3A_775 : vector<16xf32>
        %add3A_803 = arith.addf %add3A_753, %mul3A_802 : vector<16xf32>
        %mul3A_804 = arith.mulf %mul3A_793, %sub3A_775 : vector<16xf32>
        %add3A_805 = arith.addf %add3A_755, %mul3A_804 : vector<16xf32>
        %mul3A_806 = arith.mulf %mul3A_791, %sub3A_776 : vector<16xf32>
        %add3A_807 = arith.addf %add3A_757, %mul3A_806 : vector<16xf32>
        %mul3A_808 = arith.mulf %mul3A_792, %sub3A_776 : vector<16xf32>
        %add3A_809 = arith.addf %add3A_759, %mul3A_808 : vector<16xf32>
        %mul3A_810 = arith.mulf %mul3A_793, %sub3A_776 : vector<16xf32>
        %add3A_811 = arith.addf %add3A_761, %mul3A_810 : vector<16xf32>
        %add3A_812 = arith.constant 13 : i32
        %add3A_813 = vector.broadcast %add3A_812 : i32 to vector<16xi32>
        %add3A_814 = arith.addi %add3A_167, %add3A_813 : vector<16xi32>
        %gather3A_815 = tpu.vector_load_idx %arg23[%add3A_814] : memref<3584xf32, #tpu.memory_space<vmem>>[vector<16xi32>], vector<16xf32>,
        %gather3A_816 = tpu.vector_load_idx %arg24[%add3A_814] : memref<3584xf32, #tpu.memory_space<vmem>>[vector<16xi32>], vector<16xf32>,
        %gather3A_817 = tpu.vector_load_idx %arg25[%add3A_814] : memref<3584xf32, #tpu.memory_space<vmem>>[vector<16xi32>], vector<16xf32>,
        %gather3A_818 = tpu.vector_load_idx %arg26[%add3A_814] : memref<3584xf32, #tpu.memory_space<vmem>>[vector<16xi32>], vector<16xf32>,
        %gather3A_819 = tpu.vector_load_idx %arg27[%add3A_814] : memref<3584xf32, #tpu.memory_space<vmem>>[vector<16xi32>], vector<16xf32>,
        %gather3A_820 = tpu.vector_load_idx %arg28[%add3A_814] : memref<3584xf32, #tpu.memory_space<vmem>>[vector<16xi32>], vector<16xf32>,
        %gather3A_821 = tpu.vector_load_idx %arg29[%add3A_814] : memref<3584xf32, #tpu.memory_space<vmem>>[vector<16xi32>], vector<16xf32>,
        %gather3A_822 = tpu.vector_load_idx %arg30[%add3A_814] : memref<3584xf32, #tpu.memory_space<vmem>>[vector<16xi32>], vector<16xf32>,
        %sub3A_823 = arith.subf %gather3A_815, %gather3A_819 : vector<16xf32>
        %sub3A_824 = arith.subf %gather3A_816, %gather3A_820 : vector<16xf32>
        %sub3A_825 = arith.subf %gather3A_817, %gather3A_821 : vector<16xf32>
        %sub3A_826 = arith.subf %gather3A_818, %gather3A_822 : vector<16xf32>
        %mul3A_827 = arith.mulf %sub3A_823, %sub3A_823 : vector<16xf32>
        %mul3A_828 = arith.mulf %sub3A_824, %sub3A_824 : vector<16xf32>
        %add3A_829 = arith.addf %mul3A_827, %mul3A_828 : vector<16xf32>
        %mul3A_830 = arith.mulf %sub3A_825, %sub3A_825 : vector<16xf32>
        %add3A_831 = arith.addf %add3A_829, %mul3A_830 : vector<16xf32>
        %eq3A_832 = arith.constant 0.000000e+00 : f32
        %eq3A_833 = vector.broadcast %eq3A_832 : f32 to vector<16xf32>
        %eq3A_834 = arith.cmpf oeq, %add3A_831, %eq3A_833 : vector<16xf32>
        %div3A_835 = arith.constant 1.000000e+00 : f32
        %div3A_836 = vector.broadcast %div3A_835 : f32 to vector<16xf32>
        %div3A_837 = arith.divf %div3A_836, %add3A_831 : vector<16xf32>
        %jit3A_838 = arith.constant 1.000000e+00 : f32
        %broadcast_in_dim3A_839 = vector.broadcast %jit3A_838 : f32 to vector<16xf32>
        %select_n3A_840 = arith.select %eq3A_834, %broadcast_in_dim3A_839, %div3A_837 : vector<16xi1>, vector<16xf32>
        %mul3A_841 = arith.mulf %select_n3A_840, %sub3A_823 : vector<16xf32>
        %mul3A_842 = arith.mulf %select_n3A_840, %sub3A_824 : vector<16xf32>
        %mul3A_843 = arith.mulf %select_n3A_840, %sub3A_825 : vector<16xf32>
        %mul3A_844 = arith.mulf %mul3A_841, %sub3A_823 : vector<16xf32>
        %add3A_845 = arith.addf %add3A_795, %mul3A_844 : vector<16xf32>
        %mul3A_846 = arith.mulf %mul3A_841, %sub3A_824 : vector<16xf32>
        %add3A_847 = arith.addf %add3A_797, %mul3A_846 : vector<16xf32>
        %mul3A_848 = arith.mulf %mul3A_841, %sub3A_825 : vector<16xf32>
        %add3A_849 = arith.addf %add3A_799, %mul3A_848 : vector<16xf32>
        %mul3A_850 = arith.mulf %mul3A_842, %sub3A_824 : vector<16xf32>
        %add3A_851 = arith.addf %add3A_801, %mul3A_850 : vector<16xf32>
        %mul3A_852 = arith.mulf %mul3A_842, %sub3A_825 : vector<16xf32>
        %add3A_853 = arith.addf %add3A_803, %mul3A_852 : vector<16xf32>
        %mul3A_854 = arith.mulf %mul3A_843, %sub3A_825 : vector<16xf32>
        %add3A_855 = arith.addf %add3A_805, %mul3A_854 : vector<16xf32>
        %mul3A_856 = arith.mulf %mul3A_841, %sub3A_826 : vector<16xf32>
        %add3A_857 = arith.addf %add3A_807, %mul3A_856 : vector<16xf32>
        %mul3A_858 = arith.mulf %mul3A_842, %sub3A_826 : vector<16xf32>
        %add3A_859 = arith.addf %add3A_809, %mul3A_858 : vector<16xf32>
        %mul3A_860 = arith.mulf %mul3A_843, %sub3A_826 : vector<16xf32>
        %add3A_861 = arith.addf %add3A_811, %mul3A_860 : vector<16xf32>
        %add3A_862 = arith.constant 14 : i32
        %add3A_863 = vector.broadcast %add3A_862 : i32 to vector<16xi32>
        %add3A_864 = arith.addi %add3A_167, %add3A_863 : vector<16xi32>
        %gather3A_865 = tpu.vector_load_idx %arg23[%add3A_864] : memref<3584xf32, #tpu.memory_space<vmem>>[vector<16xi32>], vector<16xf32>,
        %gather3A_866 = tpu.vector_load_idx %arg24[%add3A_864] : memref<3584xf32, #tpu.memory_space<vmem>>[vector<16xi32>], vector<16xf32>,
        %gather3A_867 = tpu.vector_load_idx %arg25[%add3A_864] : memref<3584xf32, #tpu.memory_space<vmem>>[vector<16xi32>], vector<16xf32>,
        %gather3A_868 = tpu.vector_load_idx %arg26[%add3A_864] : memref<3584xf32, #tpu.memory_space<vmem>>[vector<16xi32>], vector<16xf32>,
        %gather3A_869 = tpu.vector_load_idx %arg27[%add3A_864] : memref<3584xf32, #tpu.memory_space<vmem>>[vector<16xi32>], vector<16xf32>,
        %gather3A_870 = tpu.vector_load_idx %arg28[%add3A_864] : memref<3584xf32, #tpu.memory_space<vmem>>[vector<16xi32>], vector<16xf32>,
        %gather3A_871 = tpu.vector_load_idx %arg29[%add3A_864] : memref<3584xf32, #tpu.memory_space<vmem>>[vector<16xi32>], vector<16xf32>,
        %gather3A_872 = tpu.vector_load_idx %arg30[%add3A_864] : memref<3584xf32, #tpu.memory_space<vmem>>[vector<16xi32>], vector<16xf32>,
        %sub3A_873 = arith.subf %gather3A_865, %gather3A_869 : vector<16xf32>
        %sub3A_874 = arith.subf %gather3A_866, %gather3A_870 : vector<16xf32>
        %sub3A_875 = arith.subf %gather3A_867, %gather3A_871 : vector<16xf32>
        %sub3A_876 = arith.subf %gather3A_868, %gather3A_872 : vector<16xf32>
        %mul3A_877 = arith.mulf %sub3A_873, %sub3A_873 : vector<16xf32>
        %mul3A_878 = arith.mulf %sub3A_874, %sub3A_874 : vector<16xf32>
        %add3A_879 = arith.addf %mul3A_877, %mul3A_878 : vector<16xf32>
        %mul3A_880 = arith.mulf %sub3A_875, %sub3A_875 : vector<16xf32>
        %add3A_881 = arith.addf %add3A_879, %mul3A_880 : vector<16xf32>
        %eq3A_882 = arith.constant 0.000000e+00 : f32
        %eq3A_883 = vector.broadcast %eq3A_882 : f32 to vector<16xf32>
        %eq3A_884 = arith.cmpf oeq, %add3A_881, %eq3A_883 : vector<16xf32>
        %div3A_885 = arith.constant 1.000000e+00 : f32
        %div3A_886 = vector.broadcast %div3A_885 : f32 to vector<16xf32>
        %div3A_887 = arith.divf %div3A_886, %add3A_881 : vector<16xf32>
        %jit3A_888 = arith.constant 1.000000e+00 : f32
        %broadcast_in_dim3A_889 = vector.broadcast %jit3A_888 : f32 to vector<16xf32>
        %select_n3A_890 = arith.select %eq3A_884, %broadcast_in_dim3A_889, %div3A_887 : vector<16xi1>, vector<16xf32>
        %mul3A_891 = arith.mulf %select_n3A_890, %sub3A_873 : vector<16xf32>
        %mul3A_892 = arith.mulf %select_n3A_890, %sub3A_874 : vector<16xf32>
        %mul3A_893 = arith.mulf %select_n3A_890, %sub3A_875 : vector<16xf32>
        %mul3A_894 = arith.mulf %mul3A_891, %sub3A_873 : vector<16xf32>
        %add3A_895 = arith.addf %add3A_845, %mul3A_894 : vector<16xf32>
        %mul3A_896 = arith.mulf %mul3A_891, %sub3A_874 : vector<16xf32>
        %add3A_897 = arith.addf %add3A_847, %mul3A_896 : vector<16xf32>
        %mul3A_898 = arith.mulf %mul3A_891, %sub3A_875 : vector<16xf32>
        %add3A_899 = arith.addf %add3A_849, %mul3A_898 : vector<16xf32>
        %mul3A_900 = arith.mulf %mul3A_892, %sub3A_874 : vector<16xf32>
        %add3A_901 = arith.addf %add3A_851, %mul3A_900 : vector<16xf32>
        %mul3A_902 = arith.mulf %mul3A_892, %sub3A_875 : vector<16xf32>
        %add3A_903 = arith.addf %add3A_853, %mul3A_902 : vector<16xf32>
        %mul3A_904 = arith.mulf %mul3A_893, %sub3A_875 : vector<16xf32>
        %add3A_905 = arith.addf %add3A_855, %mul3A_904 : vector<16xf32>
        %mul3A_906 = arith.mulf %mul3A_891, %sub3A_876 : vector<16xf32>
        %add3A_907 = arith.addf %add3A_857, %mul3A_906 : vector<16xf32>
        %mul3A_908 = arith.mulf %mul3A_892, %sub3A_876 : vector<16xf32>
        %add3A_909 = arith.addf %add3A_859, %mul3A_908 : vector<16xf32>
        %mul3A_910 = arith.mulf %mul3A_893, %sub3A_876 : vector<16xf32>
        %add3A_911 = arith.addf %add3A_861, %mul3A_910 : vector<16xf32>
        %add3A_912 = arith.constant 15 : i32
        %add3A_913 = vector.broadcast %add3A_912 : i32 to vector<16xi32>
        %add3A_914 = arith.addi %add3A_167, %add3A_913 : vector<16xi32>
        %gather3A_915 = tpu.vector_load_idx %arg23[%add3A_914] : memref<3584xf32, #tpu.memory_space<vmem>>[vector<16xi32>], vector<16xf32>,
        %gather3A_916 = tpu.vector_load_idx %arg24[%add3A_914] : memref<3584xf32, #tpu.memory_space<vmem>>[vector<16xi32>], vector<16xf32>,
        %gather3A_917 = tpu.vector_load_idx %arg25[%add3A_914] : memref<3584xf32, #tpu.memory_space<vmem>>[vector<16xi32>], vector<16xf32>,
        %gather3A_918 = tpu.vector_load_idx %arg26[%add3A_914] : memref<3584xf32, #tpu.memory_space<vmem>>[vector<16xi32>], vector<16xf32>,
        %gather3A_919 = tpu.vector_load_idx %arg27[%add3A_914] : memref<3584xf32, #tpu.memory_space<vmem>>[vector<16xi32>], vector<16xf32>,
        %gather3A_920 = tpu.vector_load_idx %arg28[%add3A_914] : memref<3584xf32, #tpu.memory_space<vmem>>[vector<16xi32>], vector<16xf32>,
        %gather3A_921 = tpu.vector_load_idx %arg29[%add3A_914] : memref<3584xf32, #tpu.memory_space<vmem>>[vector<16xi32>], vector<16xf32>,
        %gather3A_922 = tpu.vector_load_idx %arg30[%add3A_914] : memref<3584xf32, #tpu.memory_space<vmem>>[vector<16xi32>], vector<16xf32>,
        %sub3A_923 = arith.subf %gather3A_915, %gather3A_919 : vector<16xf32>
        %sub3A_924 = arith.subf %gather3A_916, %gather3A_920 : vector<16xf32>
        %sub3A_925 = arith.subf %gather3A_917, %gather3A_921 : vector<16xf32>
        %sub3A_926 = arith.subf %gather3A_918, %gather3A_922 : vector<16xf32>
        %mul3A_927 = arith.mulf %sub3A_923, %sub3A_923 : vector<16xf32>
        %mul3A_928 = arith.mulf %sub3A_924, %sub3A_924 : vector<16xf32>
        %add3A_929 = arith.addf %mul3A_927, %mul3A_928 : vector<16xf32>
        %mul3A_930 = arith.mulf %sub3A_925, %sub3A_925 : vector<16xf32>
        %add3A_931 = arith.addf %add3A_929, %mul3A_930 : vector<16xf32>
        %eq3A_932 = arith.constant 0.000000e+00 : f32
        %eq3A_933 = vector.broadcast %eq3A_932 : f32 to vector<16xf32>
        %eq3A_934 = arith.cmpf oeq, %add3A_931, %eq3A_933 : vector<16xf32>
        %div3A_935 = arith.constant 1.000000e+00 : f32
        %div3A_936 = vector.broadcast %div3A_935 : f32 to vector<16xf32>
        %div3A_937 = arith.divf %div3A_936, %add3A_931 : vector<16xf32>
        %jit3A_938 = arith.constant 1.000000e+00 : f32
        %broadcast_in_dim3A_939 = vector.broadcast %jit3A_938 : f32 to vector<16xf32>
        %select_n3A_940 = arith.select %eq3A_934, %broadcast_in_dim3A_939, %div3A_937 : vector<16xi1>, vector<16xf32>
        %mul3A_941 = arith.mulf %select_n3A_940, %sub3A_923 : vector<16xf32>
        %mul3A_942 = arith.mulf %select_n3A_940, %sub3A_924 : vector<16xf32>
        %mul3A_943 = arith.mulf %select_n3A_940, %sub3A_925 : vector<16xf32>
        %mul3A_944 = arith.mulf %mul3A_941, %sub3A_923 : vector<16xf32>
        %add3A_945 = arith.addf %add3A_895, %mul3A_944 : vector<16xf32>
        %mul3A_946 = arith.mulf %mul3A_941, %sub3A_924 : vector<16xf32>
        %add3A_947 = arith.addf %add3A_897, %mul3A_946 : vector<16xf32>
        %mul3A_948 = arith.mulf %mul3A_941, %sub3A_925 : vector<16xf32>
        %add3A_949 = arith.addf %add3A_899, %mul3A_948 : vector<16xf32>
        %mul3A_950 = arith.mulf %mul3A_942, %sub3A_924 : vector<16xf32>
        %add3A_951 = arith.addf %add3A_901, %mul3A_950 : vector<16xf32>
        %mul3A_952 = arith.mulf %mul3A_942, %sub3A_925 : vector<16xf32>
        %add3A_953 = arith.addf %add3A_903, %mul3A_952 : vector<16xf32>
        %mul3A_954 = arith.mulf %mul3A_943, %sub3A_925 : vector<16xf32>
        %add3A_955 = arith.addf %add3A_905, %mul3A_954 : vector<16xf32>
        %mul3A_956 = arith.mulf %mul3A_941, %sub3A_926 : vector<16xf32>
        %add3A_957 = arith.addf %add3A_907, %mul3A_956 : vector<16xf32>
        %mul3A_958 = arith.mulf %mul3A_942, %sub3A_926 : vector<16xf32>
        %add3A_959 = arith.addf %add3A_909, %mul3A_958 : vector<16xf32>
        %mul3A_960 = arith.mulf %mul3A_943, %sub3A_926 : vector<16xf32>
        %add3A_961 = arith.addf %add3A_911, %mul3A_960 : vector<16xf32>
        %mul3A_962 = arith.mulf %add3A_951, %add3A_955 : vector<16xf32>
        %mul3A_963 = arith.mulf %add3A_953, %add3A_953 : vector<16xf32>
        %sub3A_964 = arith.subf %mul3A_962, %mul3A_963 : vector<16xf32>
        %mul3A_965 = arith.mulf %add3A_947, %add3A_955 : vector<16xf32>
        %mul3A_966 = arith.mulf %add3A_953, %add3A_949 : vector<16xf32>
        %sub3A_967 = arith.subf %mul3A_965, %mul3A_966 : vector<16xf32>
        %mul3A_968 = arith.mulf %add3A_947, %add3A_953 : vector<16xf32>
        %mul3A_969 = arith.mulf %add3A_951, %add3A_949 : vector<16xf32>
        %sub3A_970 = arith.subf %mul3A_968, %mul3A_969 : vector<16xf32>
        %mul3A_971 = arith.mulf %add3A_945, %add3A_955 : vector<16xf32>
        %mul3A_972 = arith.mulf %add3A_949, %add3A_949 : vector<16xf32>
        %sub3A_973 = arith.subf %mul3A_971, %mul3A_972 : vector<16xf32>
        %mul3A_974 = arith.mulf %add3A_945, %add3A_953 : vector<16xf32>
        %mul3A_975 = arith.mulf %add3A_947, %add3A_949 : vector<16xf32>
        %sub3A_976 = arith.subf %mul3A_974, %mul3A_975 : vector<16xf32>
        %mul3A_977 = arith.mulf %add3A_945, %add3A_951 : vector<16xf32>
        %mul3A_978 = arith.mulf %add3A_947, %add3A_947 : vector<16xf32>
        %sub3A_979 = arith.subf %mul3A_977, %mul3A_978 : vector<16xf32>
        %mul3A_980 = arith.mulf %add3A_945, %sub3A_964 : vector<16xf32>
        %mul3A_981 = arith.mulf %add3A_947, %sub3A_967 : vector<16xf32>
        %sub3A_982 = arith.subf %mul3A_980, %mul3A_981 : vector<16xf32>
        %mul3A_983 = arith.mulf %add3A_949, %sub3A_970 : vector<16xf32>
        %add3A_984 = arith.addf %sub3A_982, %mul3A_983 : vector<16xf32>
        %div3A_985 = arith.constant 1.000000e+00 : f32
        %div3A_986 = vector.broadcast %div3A_985 : f32 to vector<16xf32>
        %div3A_987 = arith.divf %div3A_986, %add3A_984 : vector<16xf32>
        %mul3A_988 = arith.mulf %add3A_957, %sub3A_964 : vector<16xf32>
        %mul3A_989 = arith.mulf %add3A_959, %sub3A_967 : vector<16xf32>
        %sub3A_990 = arith.subf %mul3A_988, %mul3A_989 : vector<16xf32>
        %mul3A_991 = arith.mulf %add3A_961, %sub3A_970 : vector<16xf32>
        %add3A_992 = arith.addf %sub3A_990, %mul3A_991 : vector<16xf32>
        %mul3A_993 = arith.mulf %add3A_992, %div3A_987 : vector<16xf32>
        %mul3A_994 = arith.constant 16 : i32
        %mul3A_995 = arith.muli %scan3A_158, %mul3A_994 : i32
        %add3A_996 = arith.constant 0 : i32
        %add3A_997 = arith.addi %add3A_996, %mul3A_995 : i32
        %swap3A = arith.index_cast %add3A_997 : i32 to index
        %swap3A_998 = tpu.vector_load %arg31[%swap3A] {strides = array<i32>} : memref<672xf32, #tpu.memory_space<vmem>>, vector<16xf32>,
        tpu.vector_store %arg31[%swap3A], %mul3A_993 {strides = array<i32>} : memref<672xf32, #tpu.memory_space<vmem>>, vector<16xf32>,
        %neg3A = arith.constant 0.000000e+00 : f32
        %neg3A_999 = vector.broadcast %neg3A : f32 to vector<16xf32>
        %neg3A_1000 = arith.subf %neg3A_999, %add3A_957 : vector<16xf32>
        %mul3A_1001 = arith.mulf %neg3A_1000, %sub3A_967 : vector<16xf32>
        %mul3A_1002 = arith.mulf %add3A_959, %sub3A_973 : vector<16xf32>
        %add3A_1003 = arith.addf %mul3A_1001, %mul3A_1002 : vector<16xf32>
        %mul3A_1004 = arith.mulf %add3A_961, %sub3A_976 : vector<16xf32>
        %sub3A_1005 = arith.subf %add3A_1003, %mul3A_1004 : vector<16xf32>
        %mul3A_1006 = arith.mulf %sub3A_1005, %div3A_987 : vector<16xf32>
        %mul3A_1007 = arith.constant 16 : i32
        %mul3A_1008 = arith.muli %scan3A_158, %mul3A_1007 : i32
        %add3A_1009 = arith.constant 224 : i32
        %add3A_1010 = arith.addi %add3A_1009, %mul3A_1008 : i32
        %swap3A_1011 = arith.index_cast %add3A_1010 : i32 to index
        %swap3A_1012 = tpu.vector_load %arg31[%swap3A_1011] {strides = array<i32>} : memref<672xf32, #tpu.memory_space<vmem>>, vector<16xf32>,
        tpu.vector_store %arg31[%swap3A_1011], %mul3A_1006 {strides = array<i32>} : memref<672xf32, #tpu.memory_space<vmem>>, vector<16xf32>,
        %mul3A_1013 = arith.mulf %add3A_957, %sub3A_970 : vector<16xf32>
        %mul3A_1014 = arith.mulf %add3A_959, %sub3A_976 : vector<16xf32>
        %sub3A_1015 = arith.subf %mul3A_1013, %mul3A_1014 : vector<16xf32>
        %mul3A_1016 = arith.mulf %add3A_961, %sub3A_979 : vector<16xf32>
        %add3A_1017 = arith.addf %sub3A_1015, %mul3A_1016 : vector<16xf32>
        %mul3A_1018 = arith.mulf %add3A_1017, %div3A_987 : vector<16xf32>
        %mul3A_1019 = arith.constant 16 : i32
        %mul3A_1020 = arith.muli %scan3A_158, %mul3A_1019 : i32
        %add3A_1021 = arith.constant 448 : i32
        %add3A_1022 = arith.addi %add3A_1021, %mul3A_1020 : i32
        %swap3A_1023 = arith.index_cast %add3A_1022 : i32 to index
        %swap3A_1024 = tpu.vector_load %arg31[%swap3A_1023] {strides = array<i32>} : memref<672xf32, #tpu.memory_space<vmem>>, vector<16xf32>,
        tpu.vector_store %arg31[%swap3A_1023], %mul3A_1018 {strides = array<i32>} : memref<672xf32, #tpu.memory_space<vmem>>, vector<16xf32>,
        %scan3A_1025 = arith.constant 0 : i32
        scf.yield %scan3A_1025 : i32
      }
      %scan3A_149 = arith.constant 14 : i32
      %mul3A_150 = arith.constant 3136 : i32
      %mul3A_151 = arith.muli %add3A, %mul3A_150 : i32
      %mul3A_152 = arith.constant 224 : i32
      %mul3A_153 = arith.muli %add3A_142, %mul3A_152 : i32
      %add3A_154 = arith.addi %mul3A_151, %mul3A_153 : i32
      %min3A_155 = arith.constant 99776 : i32
      %min3A_156 = arith.minsi %add3A_154, %min3A_155 : i32
      "tpu.region"() ({
        %run_scoped3A = tpu.sem_alloc : memref<!tpu.dma_semaphore, #tpu.memory_space<semaphore_mem>>
        %dma_start3A_158 = arith.constant 0 : i32
        %dma_start3A_159 = tpu.memref_slice %arg31[%dma_start3A_158] : memref<672xf32, #tpu.memory_space<vmem>> -> memref<224xf32, #tpu.memory_space<vmem>>
        %dma_start3A_160 = tpu.memref_slice %arg8[%min3A_156] : memref<100000xf32, #tpu.memory_space<hbm>> -> memref<224xf32, #tpu.memory_space<hbm>>
        %dma_start3A_161 = tpu.memref_slice %arg8[%min3A_156] : memref<100000xf32, #tpu.memory_space<hbm>> -> memref<224xf32, #tpu.memory_space<hbm>>
        %dma_start3A_162 = arith.constant 0 : i32
        %dma_start3A_163 = tpu.memref_slice %arg31[%dma_start3A_162] : memref<672xf32, #tpu.memory_space<vmem>> -> memref<224xf32, #tpu.memory_space<vmem>>
        tpu.enqueue_dma source(%dma_start3A_163 : memref<224xf32, #tpu.memory_space<vmem>>) target(%dma_start3A_161 : memref<224xf32, #tpu.memory_space<hbm>>) target_semaphore(%run_scoped3A : memref<!tpu.dma_semaphore, #tpu.memory_space<semaphore_mem>>)
        %dma_wait3A_164 = arith.constant 0 : i32
        %dma_wait3A_165 = tpu.memref_slice %arg31[%dma_wait3A_164] : memref<672xf32, #tpu.memory_space<vmem>> -> memref<224xf32, #tpu.memory_space<vmem>>
        %dma_wait3A_166 = tpu.memref_slice %arg8[%min3A_156] : memref<100000xf32, #tpu.memory_space<hbm>> -> memref<224xf32, #tpu.memory_space<hbm>>
        %dma_wait3A_167 = tpu.memref_slice %arg8[%min3A_156] : memref<100000xf32, #tpu.memory_space<hbm>> -> memref<224xf32, #tpu.memory_space<hbm>>
        %dma_wait3A_168 = arith.constant 0 : i32
        %dma_wait3A_169 = tpu.memref_slice %arg31[%dma_wait3A_168] : memref<672xf32, #tpu.memory_space<vmem>> -> memref<224xf32, #tpu.memory_space<vmem>>
        tpu.wait_dma2 semaphore(%run_scoped3A : memref<!tpu.dma_semaphore, #tpu.memory_space<semaphore_mem>>) src(%dma_wait3A_169 : memref<224xf32, #tpu.memory_space<vmem>>) dst(%dma_wait3A_167 : memref<224xf32, #tpu.memory_space<hbm>>)
        tpu.yield
      }) : () -> ()
      "tpu.region"() ({
        %run_scoped3A = tpu.sem_alloc : memref<!tpu.dma_semaphore, #tpu.memory_space<semaphore_mem>>
        %dma_start3A_158 = arith.constant 224 : i32
        %dma_start3A_159 = tpu.memref_slice %arg31[%dma_start3A_158] : memref<672xf32, #tpu.memory_space<vmem>> -> memref<224xf32, #tpu.memory_space<vmem>>
        %dma_start3A_160 = tpu.memref_slice %arg9[%min3A_156] : memref<100000xf32, #tpu.memory_space<hbm>> -> memref<224xf32, #tpu.memory_space<hbm>>
        %dma_start3A_161 = tpu.memref_slice %arg9[%min3A_156] : memref<100000xf32, #tpu.memory_space<hbm>> -> memref<224xf32, #tpu.memory_space<hbm>>
        %dma_start3A_162 = arith.constant 224 : i32
        %dma_start3A_163 = tpu.memref_slice %arg31[%dma_start3A_162] : memref<672xf32, #tpu.memory_space<vmem>> -> memref<224xf32, #tpu.memory_space<vmem>>
        tpu.enqueue_dma source(%dma_start3A_163 : memref<224xf32, #tpu.memory_space<vmem>>) target(%dma_start3A_161 : memref<224xf32, #tpu.memory_space<hbm>>) target_semaphore(%run_scoped3A : memref<!tpu.dma_semaphore, #tpu.memory_space<semaphore_mem>>)
        %dma_wait3A_164 = arith.constant 224 : i32
        %dma_wait3A_165 = tpu.memref_slice %arg31[%dma_wait3A_164] : memref<672xf32, #tpu.memory_space<vmem>> -> memref<224xf32, #tpu.memory_space<vmem>>
        %dma_wait3A_166 = tpu.memref_slice %arg9[%min3A_156] : memref<100000xf32, #tpu.memory_space<hbm>> -> memref<224xf32, #tpu.memory_space<hbm>>
        %dma_wait3A_167 = tpu.memref_slice %arg9[%min3A_156] : memref<100000xf32, #tpu.memory_space<hbm>> -> memref<224xf32, #tpu.memory_space<hbm>>
        %dma_wait3A_168 = arith.constant 224 : i32
        %dma_wait3A_169 = tpu.memref_slice %arg31[%dma_wait3A_168] : memref<672xf32, #tpu.memory_space<vmem>> -> memref<224xf32, #tpu.memory_space<vmem>>
        tpu.wait_dma2 semaphore(%run_scoped3A : memref<!tpu.dma_semaphore, #tpu.memory_space<semaphore_mem>>) src(%dma_wait3A_169 : memref<224xf32, #tpu.memory_space<vmem>>) dst(%dma_wait3A_167 : memref<224xf32, #tpu.memory_space<hbm>>)
        tpu.yield
      }) : () -> ()
      "tpu.region"() ({
        %run_scoped3A = tpu.sem_alloc : memref<!tpu.dma_semaphore, #tpu.memory_space<semaphore_mem>>
        %dma_start3A_158 = arith.constant 448 : i32
        %dma_start3A_159 = tpu.memref_slice %arg31[%dma_start3A_158] : memref<672xf32, #tpu.memory_space<vmem>> -> memref<224xf32, #tpu.memory_space<vmem>>
        %dma_start3A_160 = tpu.memref_slice %arg10[%min3A_156] : memref<100000xf32, #tpu.memory_space<hbm>> -> memref<224xf32, #tpu.memory_space<hbm>>
        %dma_start3A_161 = tpu.memref_slice %arg10[%min3A_156] : memref<100000xf32, #tpu.memory_space<hbm>> -> memref<224xf32, #tpu.memory_space<hbm>>
        %dma_start3A_162 = arith.constant 448 : i32
        %dma_start3A_163 = tpu.memref_slice %arg31[%dma_start3A_162] : memref<672xf32, #tpu.memory_space<vmem>> -> memref<224xf32, #tpu.memory_space<vmem>>
        tpu.enqueue_dma source(%dma_start3A_163 : memref<224xf32, #tpu.memory_space<vmem>>) target(%dma_start3A_161 : memref<224xf32, #tpu.memory_space<hbm>>) target_semaphore(%run_scoped3A : memref<!tpu.dma_semaphore, #tpu.memory_space<semaphore_mem>>)
        %dma_wait3A_164 = arith.constant 448 : i32
        %dma_wait3A_165 = tpu.memref_slice %arg31[%dma_wait3A_164] : memref<672xf32, #tpu.memory_space<vmem>> -> memref<224xf32, #tpu.memory_space<vmem>>
        %dma_wait3A_166 = tpu.memref_slice %arg10[%min3A_156] : memref<100000xf32, #tpu.memory_space<hbm>> -> memref<224xf32, #tpu.memory_space<hbm>>
        %dma_wait3A_167 = tpu.memref_slice %arg10[%min3A_156] : memref<100000xf32, #tpu.memory_space<hbm>> -> memref<224xf32, #tpu.memory_space<hbm>>
        %dma_wait3A_168 = arith.constant 448 : i32
        %dma_wait3A_169 = tpu.memref_slice %arg31[%dma_wait3A_168] : memref<672xf32, #tpu.memory_space<vmem>> -> memref<224xf32, #tpu.memory_space<vmem>>
        tpu.wait_dma2 semaphore(%run_scoped3A : memref<!tpu.dma_semaphore, #tpu.memory_space<semaphore_mem>>) src(%dma_wait3A_169 : memref<224xf32, #tpu.memory_space<vmem>>) dst(%dma_wait3A_167 : memref<224xf32, #tpu.memory_space<hbm>>)
        tpu.yield
      }) : () -> ()
      %scan3A_157 = arith.constant 0 : i32
      scf.yield %scan3A_157 : i32
    }
    %scan3A_28 = arith.constant 7 : i32
    return
  }
}

</mosaic_0001>

<sc_bundles>
// kernel: _run.3.cloned.1.call-start
scs
__scs_entry_jumppad:
0x0: {  	(pc) =	sbr.rel $0x88, $3  }
0x1: {  	(tag) =	ssettag $0x0;
	lr =	simm.s32 $0x1  }
0x2: {  	[smem:$0x3F9B] =	sst lr;
	_ =	strace $0xD0000000  }
0x3: {  	_ = 	snop  }
0x4: {  	_ = 	snop  }
0x5: {  	_ = 	snop  }
0x6: {  	_ = 	snop  }
0x7: {  	_ = 	snop  }
__scs_overlays_trampoline_lowered:
0x8: {  	[smem:$0x3FAA] =	sst s0  }
0x9: {  	[smem:$0x3FAB] =	sst s1  }
0xa: {  	[smem:$0x3FAC] =	sst s2  }
0xb: {  	[smem:$0x3FAD] =	sst s3  }
0xc: {  	[smem:$0x3FAE] =	sst s4  }
0xd: {  	[smem:$0x3FAF] =	sst s5  }
0xe: {  	[smem:$0x3FB0] =	sst s6  }
0xf: {  	[smem:$0x3FB1] =	sst s7  }
0x10: {  	[smem:$0x3FB2] =	sst s8  }
0x11: {  	[smem:$0x3FB3] =	sst s9;
	s0 =	simm.s32 @!p0 $0x0  }
0x12: {  	s1 =	sld [smem:$0x3F99];
	s0 =	simm.s32 @p0 $0x1  }
0x13: {  	[smem:$0x3FB4] =	sst s0;
	s0 =	simm.s32 @!p1 $0x0  }
0x14: {  	s2 =	sld [smem:$0x3F98];
	s0 =	simm.s32 @p1 $0x1  }
0x15: {  	[smem:$0x3FB5] =	sst s0;
	s0 =	simm.s32 @!p2 $0x0  }
0x16: {  	s3 =	sld [smem:$0x3FDB];
	s0 =	simm.s32 @p2 $0x1  }
0x17: {  	s4 =	simm.s32 $0x1BF5;
	[smem:$0x3FB7] =	sst s0  }
0x18: {  	s0 =	sld [smem:$0x3F9A];
	_ =	swait.ge [sflag:s4], $0x0  }
0x19: {  	s7 =	sld [smem:$0x3F9B]  }
0x1a: {  	s8 =	sadd.s32 $0xFFFFE003, lr  }
0x1b: {  	s9 =	sadd.s32 $0xFFFFFEF7, lr;
	s5 =	simm.s32 $0xFFFFFFFF;
	p2 =	slt.u32 s8, $0xFFFFF086  }
0x1c: {  	p1 =	slt.u32 s9, $0xF7A;
	s5 =	simm.s32 @!p2 $0x0  }
0x1d: {  	s5 =	simm.s32 @p1 $0x1;
	p0 =	seq.s32 s7, s2  }
0x1e: {  	s7 =	smul.u32 @!p0 $0xF7A, s2;
	p2 =	seq.s32 @!p0 s5, $0x0  }
0x1f: {  	s9 =	smul.u32 $0xF7A, s1;
	s8 =	simm.s32 @!p0 $0x1BF5;
	p2 =	por !p2, p0  }
0x20: {  	[sflag:s8] =	ssyncset.s32 @!p0 $0xFFFFF086;
	s6 =	sadd.s32 @!p0 s3, s7;
	s7 =	simm.s32 @!p0 $0x108  }
0x21: {  	s3 =	sadd.s32 s3, s9;
	s6 =	sadd.s32 @!p0 $0x88, s6;
	s7 =	simm.s32 @p2 $0x1082  }
0x22: {  	[simem:s7], [sflag:s8] =	dma.local @!p0 [hbm:s6], $0xF7A  }
0x23: {  	s9 =	sor.u32 $0xD0000000, s2;
	s6 =	simm.s32 $0x108;
	_ =	swait.ge @!p0 [sflag:s8], $0x0  }
0x24: {  	s3 =	sadd.s32 $0x88, s3;
	s6 =	simm.s32 @!p1 $0x1082;
	[sflag:s4] =	ssyncset.s32 $0xFFFFF086  }
0x25: {  	[simem:s6], [sflag:s4] =	dma.local [hbm:s3], $0xF7A  }
0x26: {  	[smem:$0x3F9B] =	sst s1;
	(tag) =	ssettag s2;
	_ =	strace s9  }
0x27: {  	s1 =	sld [smem:$0x3FAB]  }
0x28: {  	s2 =	sld [smem:$0x3FAC]  }
0x29: {  	s4 =	sld [smem:$0x3FAE]  }
0x2a: {  	p0 =	seq.s32 s5, $0x0;
	s5 =	sld [smem:$0x3FAF]  }
0x2b: {  	s6 =	sld [smem:$0x3FB0]  }
0x2c: {  	s7 =	sld [smem:$0x3FB1]  }
0x2d: {  	s3 =	simm.s32 $0x108;
	s8 =	sld [smem:$0x3FB2]  }
0x2e: {  	s3 =	simm.s32 @!p0 $0x1082;
	s9 =	sld [smem:$0x3FB3]  }
0x2f: {  	lr =	sadd.s32 s0, s3;
	s0 =	sld [smem:$0x3FAA]  }
0x30: {  	s3 =	sld [smem:$0x3FAD]  }
0x31: {  	[smem:$0x3FB6] =	sst s10  }
0x32: {  	s10 =	sld [smem:$0x3FB4];
	_ =	sdelay $0x3  }
0x33: {  	p0 =	seq.s32 s10, $0x1;
	s10 =	sld [smem:$0x3FB6];
	_ =	sdelay $0x3  }
0x34: {  	[smem:$0x3FB6] =	sst s10  }
0x35: {  	s10 =	sld [smem:$0x3FB5];
	_ =	sdelay $0x3  }
0x36: {  	p1 =	seq.s32 s10, $0x1;
	s10 =	sld [smem:$0x3FB6];
	_ =	sdelay $0x3  }
0x37: {  	[smem:$0x3FB6] =	sst s10  }
0x38: {  	s10 =	sld [smem:$0x3FB7]  }
0x39: {  	_ = 	snop;
	(pc) =	sbr.ind lr, $3  }
0x3a: {  	_ = 	snop  }
0x3b: {  	_ = 	snop  }
0x3c: {  	p2 =	seq.s32 s10, $0x1;
	s10 =	sld [smem:$0x3FB6]  }
0x3d: {  	_ =	shalt  }
0x3e: {  	_ =	shalt  }
0x3f: {  	_ =	shalt  }
0x40: {  	_ =	shalt  }
0x41: {  	_ =	shalt  }
0x42: {  	_ =	shalt  }
0x43: {  	_ =	shalt  }
0x44: {  	_ =	shalt  }
0x45: {  	_ =	shalt  }
0x46: {  	_ =	shalt  }
0x47: {  	_ =	shalt  }
0x48: {  	_ =	shalt  }
0x49: {  	_ =	shalt  }
0x4a: {  	_ =	shalt  }
0x4b: {  	_ =	shalt  }
0x4c: {  	_ =	shalt  }
0x4d: {  	_ =	shalt  }
0x4e: {  	_ =	shalt  }
0x4f: {  	_ =	shalt  }
0x50: {  	_ =	shalt  }
0x51: {  	_ =	shalt  }
0x52: {  	_ =	shalt  }
0x53: {  	_ =	shalt  }
0x54: {  	_ =	shalt  }
0x55: {  	_ =	shalt  }
0x56: {  	_ =	shalt  }
0x57: {  	_ =	shalt  }
0x58: {  	_ =	shalt  }
0x59: {  	_ =	shalt  }
0x5a: {  	_ =	shalt  }
0x5b: {  	_ =	shalt  }
0x5c: {  	_ =	shalt  }
0x5d: {  	_ =	shalt  }
0x5e: {  	_ =	shalt  }
0x5f: {  	_ =	shalt  }
0x60: {  	_ =	shalt  }
0x61: {  	_ =	shalt  }
0x62: {  	_ =	shalt  }
0x63: {  	_ =	shalt  }
0x64: {  	_ =	shalt  }
0x65: {  	_ =	shalt  }
0x66: {  	_ =	shalt  }
0x67: {  	_ =	shalt  }
0x68: {  	_ =	shalt  }
0x69: {  	_ =	shalt  }
0x6a: {  	_ =	shalt  }
0x6b: {  	_ =	shalt  }
0x6c: {  	_ =	shalt  }
0x6d: {  	_ =	shalt  }
0x6e: {  	_ =	shalt  }
0x6f: {  	_ =	shalt  }
0x70: {  	_ =	shalt  }
0x71: {  	_ =	shalt  }
0x72: {  	_ =	shalt  }
0x73: {  	_ =	shalt  }
0x74: {  	_ =	shalt  }
0x75: {  	_ =	shalt  }
0x76: {  	_ =	shalt  }
0x77: {  	_ =	shalt  }
0x78: {  	_ =	shalt  }
0x79: {  	_ =	shalt  }
0x7a: {  	_ =	shalt  }
0x7b: {  	_ =	shalt  }
0x7c: {  	_ =	shalt  }
0x7d: {  	_ =	shalt  }
0x7e: {  	_ =	shalt  }
0x7f: {  	_ =	shalt  }
0x80: {  	_ =	shalt  }
0x81: {  	_ =	shalt  }
0x82: {  	_ =	shalt  }
0x83: {  	_ =	shalt  }
0x84: {  	_ =	shalt  }
0x85: {  	_ =	shalt  }
0x86: {  	_ =	shalt  }
0x87: {  	_ =	shalt  }
.Lfunc_end0:
.L_simem_size_0:
called_computation_lowered:
.L_overlay_start_0:
0x88: {  	s2 =	sld [smem:$0x3FD9]  }
0x89: {  	s3 =	sld [smem:$0x3FFE];
	_ =	sdelay $0x1  }
0x8a: {  	s1 =	srdreg.scid  }
0x8b: {  	s0 =	sand.u32 $0x1, s1  }
0x8c: {  	s15 =	sshll.u32 s0, $0xA;
	s2 =	sadd.s32 s3, s2  }
0x8d: {  	s2 =	sadd.s32 s2, s15  }
0x8e: {  	[smem:$0x3FC2] =	sst s2  }
0x8f: {  	_ = 	snop  }
0x90: {  	s2 =	sld [smem:$0x3FC9]  }
0x91: {  	s16 =	sld [smem:$0x3FC8]  }
0x92: {  	s4 =	sld [smem:$0x3FC7]  }
0x93: {  	s5 =	sld [smem:$0x3FD0]  }
0x94: {  	s6 =	sld [smem:$0x3FC6]  }
0x95: {  	s7 =	sld [smem:$0x3FC5]  }
0x96: {  	s9 =	simm.s32 $0xA;
	s10 =	simm.s32 $0x10;
	s8 =	sld [smem:$0x3FC4]  }
0x97: {  	[smem:s10], [sflag:s9] =	dma.local [hbm:s5], $0x1  }
0x98: {  	_ =	swait.eq [sflag:s9], $0x1  }
0x99: {  	s17 =	sld [smem:$0x10];
	[sflag:s9] =	ssyncset.done $0x0  }
0x9a: {  	s18 =	sld [smem:$0x11];
	[sflag:s9] =	ssyncadd.s32 $0xFFFFFFFF  }
0x9b: {  	s19 =	sld [smem:$0x12];
	(tm) =	ssettm $0x1  }
0x9c: {  	s11 =	sld [smem:$0x3FFB];
	_ =	sdelay $0x3  }
0x9d: {  	_ =	strace s11  }
0x9e: {  	s11 =	sld [smem:$0x3FFC];
	_ =	sdelay $0x3  }
0x9f: {  	_ =	strace s11  }
0xa0: {  	s11 =	sld [smem:$0x3FFD];
	_ =	sdelay $0x3  }
0xa1: {  	_ =	strace s11  }
0xa2: {  	_ =	strace $0x8FFFFFFF  }
0xa3: {  	s20 =	sld [smem:$0x3FDB];
	_ =	sdelay $0x1  }
0xa4: {  	s12 =	simm.s32 $_scs_section_size  }
0xa5: {  	s13 =	simm.s32 $_size__tile_overlayer_lowered;
	s14 =	simm.s32 $_tile_overlayer_lowered  }
0xa6: {  	s23 =	simm.s32 $0x1BFF;
	s22 =	sshll.u32 s14, $0x1;
	s11 =	sadd.s32 s12, s20  }
0xa7: {  	s21 =	sshll.u32 s13, $0x1;
	s15 =	simm.s32 $0x0;
	s13 =	sadd.s32 s22, s11  }
0xa8: {  	[timem:s15], [sflag:s23] =	dma.local [hbm:s13], s21  }
0xa9: {  	_ =	swait.ge [sflag:s23], s21  }
0xaa: {  	s12 =	ssub.s32 $0x0, s21;
	[sflag:s23] =	ssyncset.done $0x0  }
0xab: {  	[sflag:s23] =	ssyncadd.s32 s12;
	_ =	sdelay $0x1  }
0xac: {  	s24 =	simm.s32 $0x1B8B  }
0xad: {  	_ =	swait.ge [sflag:s24], $0x1  }
0xae: {  	[sflag:s24] =	ssyncset.done $0x0  }
0xaf: {  	s25 =	simm.s32 $0x1B8E;
	[sflag:s24] =	ssyncadd.s32 $0xFFFFFFFF  }
0xb0: {  	s26 =	simm.s32 $execute0_lowered;
	[smem:$0x3FD2] =	sst s25  }
0xb1: {  	s12 =	sshll.u32 s26, $0x1;
	_ =	strace $0x80000046;
	[dreg:$0x1] =	wrdreg $0xFFFFFFFF  }
0xb2: {  	s28 =	simm.s32 $_size_execute0_lowered;
	s11 =	sadd.s32 s11, s12;
	[dreg:$0x0] =	wrdreg $0x0  }
0xb3: {  	s12 =	sshll.u32 s28, $0x1;
	[dreg:$0x2] =	wrdreg s11  }
0xb4: {  	[dreg:$0x3] =	wrdreg s12  }
0xb5: {  	[dreg:$0x4] =	wrdreg $0xC0  }
0xb6: {  	_ =	task [dreg:s15], $0x5FFFF  }
0xb7: {  	[dreg:$0x1] =	wrdreg $0xFFFFFFFF  }
0xb8: {  	[dreg:$0x0] =	wrdreg $0x60  }
0xb9: {  	[dreg:$0x2] =	wrdreg s2  }
0xba: {  	[dreg:$0x3] =	wrdreg s16  }
0xbb: {  	[dreg:$0x4] =	wrdreg s4  }
0xbc: {  	[dreg:$0x5] =	wrdreg s6  }
0xbd: {  	[dreg:$0x6] =	wrdreg s7  }
0xbe: {  	[dreg:$0x7] =	wrdreg s8  }
0xbf: {  	[dreg:$0x8] =	wrdreg s17  }
0xc0: {  	[dreg:$0x9] =	wrdreg s18  }
0xc1: {  	[dreg:$0xa] =	wrdreg s19  }
0xc2: {  	[dreg:$0xb] =	wrdreg $0x9  }
0xc3: {  	_ =	task.clear_ibuf [dreg:s15], $0xCFFFF;
	_ =	strace $0x90000046  }
0xc4: {  	s29 =	simm.s32 $0x9;
	_ =	strace $0x80000048  }
0xc5: {  	_ =	swait.ge [sflag:s29], $0x1  }
0xc6: {  	[sflag:s29] =	ssyncadd.s32 $0xFFFFFFFF  }
0xc7: {  	_ =	strace $0x90000048  }
0xc8: {  	_ =	sfence  }
0xc9: {  	s30 =	sld [smem:$0x0];
	_ =	sdelay $0x2  }
0xca: {  	s31 =	sshll.u32 s1, $0xD;
	s1 =	sshrl.u32 s1, $0x2  }
0xcb: {  	s3 =	sand.u32 $0x4000, s31;
	s1 =	sadd.s32 s1, s30  }
0xcc: {  	s0 =	sor.u32 s3, s0;
	s1 =	sshll.u32 s1, $0x11  }
0xcd: {  	s0 =	sor.u32 s1, s0  }
0xce: {  	s0 =	sadd.s32 $0x8F2B, s0  }
0xcf: {  	[sflag:s0] =	ssyncadd.remote.s32 $0x1  }
0xd0: {  	_ =	sfence.sel $0xFFFF  }
0xd1: {  	[dreg:$0x0] =	wrdreg $0xFFFFFFFF;
	(pc) =	sbr.abs _section_cstart, $3  }
0xd2: {  	[dreg:$0x1] =	wrdreg $0xFFFFFFFF  }
0xd3: {  	_ =	task.clear_ibuf [dreg:s15], $0x2FFFF;
	_ =	strace $0x9FFFFFFF  }
0xd4: {  	(tm) =	ssettm $0x7FFFFFFF  }
0xd5: {  	_ =	shalt  }
tec
execute0_lowered:
.L_overlay_start_1:
0x0: {  	(tag) =	ssettag $0x1  }
0x1: {  	s29 =	rddreg [dreg:$0x4]  }
0x2: {  	s2 =	rddreg [dreg:$0x5]  }
0x3: {  	s0 =	srdreg.scid;
	s1 =	stileid.u32;
	s11 =	simm.s32 $0x0  }
0x4: {  	s18 =	simm.s32 $0x3;
	s19 =	simm.s32 $0xE00;
	s20 =	simm.s32 $0x1C00  }
0x5: {  	s21 =	simm.s32 $0x2A00;
	s22 =	simm.s32 $0x3800;
	s23 =	simm.s32 $0x4600  }
0x6: {  	s24 =	simm.s32 $0x5400;
	s25 =	simm.s32 $0x6200;
	s28 =	simm.s32 $0x7E00  }
0x7: {  	s31 =	simm.s32 $0xA800;
	s0 =	sand.u32 $0x1, s0;
	s4 =	sshll.u32 s1, $0x1  }
0x8: {  	s8 =	simm.s32 $0xB600;
	s13 =	simm.s32 $0xD200;
	s4 =	sor.u32 s0, s4  }
0x9: {  	v0 =	vlaneseq.u32;
	s14 =	simm.s32 $0xE000;
	s17 =	simm.s32 $0xEE00;
	s5 =	smul.u32 $0x1880, s4  }
0xa: {  	s7 =	simm.s32 $0x1;
	[smem:$0x7FF] =	sst s11;
	v1 =	vand.u32 $0x7, v0;
	v0 =	vmul.u32 $0x10, v0;
	s26 =	smul.u32 $0xC40, s4  }
0xb: {  	s15 =	simm.s32 $0x2;
	s0 =	ssub.s32 $0x2, s0;
	_ =	strace $0x80000047  }
0xc: {  	v1 =	vmul.u32 $0x10, v1;
	s6 =	sshrl.u32 s0, $0x1;
	v2 =	vor.u32 $0x1, v0;
	s3 =	sadd.s32 s29, s5;
	[dreg:$0xa] =	wrdreg s26  }
0xd: {  	v3 =	vor.u32 $0x2, v0;
	v4 =	vor.u32 $0x3, v0;
	v5 =	vor.u32 $0x4, v0;
	s4 =	simm.s32 $0xFC00;
	s2 =	sadd.s32 s2, s5;
	[dreg:$0xb] =	wrdreg s3  }
0xe: {  	v6 =	vor.u32 $0x5, v0;
	v7 =	vor.u32 $0x6, v0;
	v8 =	vor.u32 $0x7, v0;
	s0 =	ssub.s32 s0, s6;
	s30 =	sadd.s32 $0xE0, s26;
	[dreg:$0xc] =	wrdreg s2  }
0xf: {  	v9 =	vor.u32 $0x8, v0;
	v10 =	vor.u32 $0x9, v0;
	v11 =	vor.u32 $0xA, v0;
	s6 =	simm.s32 $0x10A00;
	s1 =	sadd.s32 $0x1C0, s26;
	[dreg:$0xd] =	wrdreg s30  }
0x10: {  	v12 =	vor.u32 $0xB, v0;
	v13 =	vor.u32 $0xC, v0;
	v14 =	vor.u32 $0xD, v0;
	s0 =	smax.u32 s0, $0x1;
	s26 =	simm.s32 $0x7000;
	[dreg:$0xe] =	wrdreg s1  }
0x11: {  	v15 =	vor.u32 $0xE, v0;
	v16 =	vor.u32 $0xF, v0;
	v1 =	vor.u32 $0xFFFFFF80, v1;
	s5 =	simm.s32 $0xC400;
	[dreg:$0xf] =	wrdreg s0;
	s1 =	simm.s32 $0x0  }
.LBB2_1:
0x12: {  	[dreg:$0x10] =	wrdreg s1  }
0x13: {  	s0 =	rddreg [dreg:$0xb]  }
0x14: {  	[tilespmem:s11], [sflag:$0x3] =	stream.linear.gather [hbm4b:s0+s11], $0xE00, $0x38;
	[tilespmem:$0x11B00] =	vst v63  }
0x15: {  	_ =	swait.ge [sflag:s18], $0xE00  }
0x16: {  	[sflag:s18] =	ssyncset.done $0x0  }
0x17: {  	s12 =	rddreg [dreg:$0xc];
	[sflag:s18] =	ssyncadd.s32 $0xFFFFF200  }
0x18: {  	[tilespmem:s19], [sflag:$0x3] =	stream.linear.gather [hbm4b:s12+s11], $0xE00, $0x38;
	[tilespmem:$0x11B00] =	vst v63  }
0x19: {  	_ =	swait.ge [sflag:s18], $0xE00  }
0x1a: {  	[sflag:s18] =	ssyncset.done $0x0  }
0x1b: {  	[sflag:s18] =	ssyncadd.s32 $0xFFFFF200  }
0x1c: {  	s16 =	rddreg [dreg:$0x0]  }
0x1d: {  	[tilespmem:s20], [sflag:$0x1] =	stream.indirect.gather [hbm4b:s16+s19], $0x1, s11, s19, $0xb8;
	[tilespmem:$0x11B00] =	vst v63  }
0x1e: {  	s30 =	rddreg [dreg:$0x1]  }
0x1f: {  	[tilespmem:s21], [sflag:$0x1] =	stream.indirect.gather [hbm4b:s30+s19], $0x1, s11, s19, $0xb8;
	[tilespmem:$0x11B00] =	vst v63  }
0x20: {  	s2 =	rddreg [dreg:$0x2]  }
0x21: {  	[tilespmem:s22], [sflag:$0x1] =	stream.indirect.gather [hbm4b:s2+s19], $0x1, s11, s19, $0xb8;
	[tilespmem:$0x11B00] =	vst v63  }
0x22: {  	s3 =	rddreg [dreg:$0x3]  }
0x23: {  	[tilespmem:s23], [sflag:$0x1] =	stream.indirect.gather [hbm4b:s3+s19], $0x1, s11, s19, $0xb8;
	[tilespmem:$0x11B00] =	vst v63  }
0x24: {  	_ = 	snop  }
0x25: {  	[tilespmem:s24], [sflag:$0x1] =	stream.indirect.gather [hbm4b:s16+s19], $0x1, s19, s19, $0xb8;
	[tilespmem:$0x11B00] =	vst v63  }
0x26: {  	_ = 	snop  }
0x27: {  	[tilespmem:s25], [sflag:$0x1] =	stream.indirect.gather [hbm4b:s30+s19], $0x1, s19, s19, $0xb8;
	[tilespmem:$0x11B00] =	vst v63  }
0x28: {  	_ = 	snop  }
0x29: {  	[tilespmem:s26], [sflag:$0x1] =	stream.indirect.gather [hbm4b:s2+s19], $0x1, s19, s19, $0xb8;
	[tilespmem:$0x11B00] =	vst v63  }
0x2a: {  	s16 =	simm.s32 $0x0  }
0x2b: {  	[tilespmem:s28], [sflag:$0x1] =	stream.indirect.gather [hbm4b:s3+s19], $0x1, s19, s19, $0xb8;
	[tilespmem:$0x11B00] =	vst v63  }
.LBB2_2:
0x2c: {  	s10 =	smul.u32 $0x1C0, s16  }
0x2d: {  	s0 =	rddreg [dreg:$0xd]  }
0x2e: {  	s9 =	sadd.s32 s10, s0  }
0x2f: {  	p0 =	slt.s32 s9, $0x185C0  }
0x30: {  	s9 =	simm.s32 @!p0 $0x185C0  }
0x31: {  	s3 =	sshll.u32 s9, $0x1  }
0x32: {  	s12 =	simm.s32 $0x0;
	s30 =	simm.s32 $0x8C00;
	s1 =	sadd.s32 s29, s3  }
0x33: {  	[tilespmem:s30], [sflag:$0x3] =	stream.linear.gather [hbm4b:s1+s12], $0xE00, $0x38;
	[tilespmem:$0x11B00] =	vst v63  }
0x34: {  	_ =	swait.ge [sflag:s18], $0xE00  }
0x35: {  	[sflag:s18] =	ssyncset.done $0x0  }
0x36: {  	[sflag:s18] =	ssyncadd.s32 $0xFFFFF200  }
0x37: {  	s11 =	rddreg [dreg:$0x5]  }
0x38: {  	s0 =	sadd.s32 s11, s3;
	s11 =	simm.s32 $0x9A00  }
0x39: {  	[tilespmem:s11], [sflag:$0x3] =	stream.linear.gather [hbm4b:s0+s12], $0xE00, $0x38;
	[tilespmem:$0x11B00] =	vst v63  }
0x3a: {  	_ =	swait.ge [sflag:s18], $0xE00  }
0x3b: {  	[sflag:s18] =	ssyncset.done $0x0  }
0x3c: {  	[sflag:s18] =	ssyncadd.s32 $0xFFFFF200  }
0x3d: {  	s0 =	rddreg [dreg:$0x0]  }
0x3e: {  	[tilespmem:s31], [sflag:$0x2] =	stream.indirect.gather [hbm4b:s0+s19], $0x1, s30, s19, $0xb8;
	[tilespmem:$0x11B00] =	vst v63  }
0x3f: {  	s1 =	rddreg [dreg:$0x1]  }
0x40: {  	[tilespmem:s8], [sflag:$0x2] =	stream.indirect.gather [hbm4b:s1+s19], $0x1, s30, s19, $0xb8;
	[tilespmem:$0x11B00] =	vst v63  }
0x41: {  	s2 =	rddreg [dreg:$0x2]  }
0x42: {  	[tilespmem:s5], [sflag:$0x2] =	stream.indirect.gather [hbm4b:s2+s19], $0x1, s30, s19, $0xb8;
	[tilespmem:$0x11B00] =	vst v63  }
0x43: {  	s3 =	rddreg [dreg:$0x3]  }
0x44: {  	[tilespmem:s13], [sflag:$0x2] =	stream.indirect.gather [hbm4b:s3+s19], $0x1, s30, s19, $0xb8;
	[tilespmem:$0x11B00] =	vst v63  }
0x45: {  	_ = 	snop  }
0x46: {  	[tilespmem:s14], [sflag:$0x2] =	stream.indirect.gather [hbm4b:s0+s19], $0x1, s11, s19, $0xb8;
	[tilespmem:$0x11B00] =	vst v63  }
0x47: {  	_ = 	snop  }
0x48: {  	[tilespmem:s17], [sflag:$0x2] =	stream.indirect.gather [hbm4b:s1+s19], $0x1, s11, s19, $0xb8;
	[tilespmem:$0x11B00] =	vst v63  }
0x49: {  	_ = 	snop  }
0x4a: {  	[tilespmem:s4], [sflag:$0x2] =	stream.indirect.gather [hbm4b:s2+s19], $0x1, s11, s19, $0xb8;
	[tilespmem:$0x11B00] =	vst v63  }
0x4b: {  	_ = 	snop  }
0x4c: {  	[tilespmem:s6], [sflag:$0x2] =	stream.indirect.gather [hbm4b:s3+s19], $0x1, s11, s19, $0xb8;
	[tilespmem:$0x11B00] =	vst v63  }
0x4d: {  	_ =	swait.ge [sflag:s7], $0xE00  }
0x4e: {  	[sflag:s7] =	ssyncset.done $0x0  }
0x4f: {  	[sflag:s7] =	ssyncadd.s32 $0xFFFFF200  }
0x50: {  	_ =	swait.ge [sflag:s7], $0xE00  }
0x51: {  	[sflag:s7] =	ssyncset.done $0x0  }
0x52: {  	[sflag:s7] =	ssyncadd.s32 $0xFFFFF200  }
0x53: {  	_ =	swait.ge [sflag:s7], $0xE00  }
0x54: {  	[sflag:s7] =	ssyncset.done $0x0  }
0x55: {  	[sflag:s7] =	ssyncadd.s32 $0xFFFFF200  }
0x56: {  	_ =	swait.ge [sflag:s7], $0xE00  }
0x57: {  	[sflag:s7] =	ssyncset.done $0x0  }
0x58: {  	[sflag:s7] =	ssyncadd.s32 $0xFFFFF200  }
0x59: {  	_ =	swait.ge [sflag:s7], $0xE00  }
0x5a: {  	[sflag:s7] =	ssyncset.done $0x0  }
0x5b: {  	[sflag:s7] =	ssyncadd.s32 $0xFFFFF200  }
0x5c: {  	_ =	swait.ge [sflag:s7], $0xE00  }
0x5d: {  	[sflag:s7] =	ssyncset.done $0x0  }
0x5e: {  	[sflag:s7] =	ssyncadd.s32 $0xFFFFF200  }
0x5f: {  	_ =	swait.ge [sflag:s7], $0xE00  }
0x60: {  	[sflag:s7] =	ssyncset.done $0x0  }
0x61: {  	[sflag:s7] =	ssyncadd.s32 $0xFFFFF200  }
0x62: {  	_ =	swait.ge [sflag:s7], $0xE00  }
0x63: {  	[sflag:s7] =	ssyncset.done $0x0  }
0x64: {  	s0 =	simm.s32 $0x118E0;
	[sflag:s7] =	ssyncadd.s32 $0xFFFFF200  }
.LBB2_3:
0x65: {  	v24 =	vor.u32 s12, v2;
	_ =	sdelay $0x1  }
0x66: {  	v29 =	vor.u32 s12, v3;
	_ =	sdelay $0x2  }
0x67: {  	v17 =	vor.u32 s12, v0;
	v27 =	vld.idx.msk [tilespmem:v24+s22+$0x0], $0xffff  }
0x68: {  	v17 =	vand.u32 v1, v17;
	v28 =	vld.idx.msk [tilespmem:v24+s26+$0x0], $0xffff  }
0x69: {  	v30 =	vld.idx.msk [tilespmem:v29+s20+$0x0], $0xffff  }
0x6a: {  	v31 =	vld.idx.msk [tilespmem:v29+s21+$0x0], $0xffff  }
0x6b: {  	v61 =	vld.idx.msk [tilespmem:v29+s24+$0x0], $0xffff  }
0x6c: {  	v33 =	vld.idx.msk [tilespmem:v29+s25+$0x0], $0xffff  }
0x6d: {  	v18 =	vld.idx.msk [tilespmem:v17+s20+$0x0], $0xffff  }
0x6e: {  	v19 =	vld.idx.msk [tilespmem:v17+s21+$0x0], $0xffff  }
0x6f: {  	v20 =	vld.idx.msk [tilespmem:v17+s24+$0x0], $0xffff  }
0x70: {  	v21 =	vld.idx.msk [tilespmem:v17+s25+$0x0], $0xffff  }
0x71: {  	v22 =	vld.idx.msk [tilespmem:v17+s22+$0x0], $0xffff  }
0x72: {  	v23 =	vld.idx.msk [tilespmem:v17+s26+$0x0], $0xffff;
	_ =	sdelay $0x1  }
0x73: {  	v52 =	vld.idx.msk [tilespmem:v24+s20+$0x0], $0xffff;
	v56 =	vsub.f32 v27, v28  }
0x74: {  	v25 =	vld.idx.msk [tilespmem:v24+s21+$0x0], $0xffff;
	v18 =	vsub.f32 v18, v20;
	v19 =	vsub.f32 v19, v21  }
0x75: {  	v53 =	vld.idx.msk [tilespmem:v24+s24+$0x0], $0xffff;
	v28 =	vsub.f32 v30, v61;
	v30 =	vsub.f32 v31, v33;
	v31 =	vor.u32 s12, v4  }
0x76: {  	v26 =	vld.idx.msk [tilespmem:v24+s25+$0x0], $0xffff;
	v48 =	vsub.f32 v22, v23;
	v49 =	vmul.f32 v18, v18;
	v50 =	vmul.f32 v19, v19;
	_ =	sdelay $0x1  }
0x77: {  	v51 =	vmul.f32 v48, v48;
	v21 =	vadd.f32 v50, v49  }
0x78: {  	v34 =	vld.idx.msk [tilespmem:v29+s22+$0x0], $0xffff  }
0x79: {  	v35 =	vld.idx.msk [tilespmem:v29+s26+$0x0], $0xffff;
	v21 =	vadd.f32 v51, v21  }
0x7a: {  	v54 =	vsub.f32 v25, v26;
	v22 =	vsub.f32 v52, v53;
	v40 =	vld.idx.msk [tilespmem:v31+s20+$0x0], $0xffff  }
0x7b: {  	v49 =	vld.idx.msk [tilespmem:v31+s21+$0x0], $0xffff;
	(erf) = vrcp.f32 v21  }
0x7c: {  	v58 =	vmul.f32 v54, v54;
	v57 =	vmul.f32 v22, v22;
	v41 =	vld.idx.msk [tilespmem:v31+s24+$0x0], $0xffff  }
0x7d: {  	v46 =	vmul.f32 v28, v28;
	v38 =	vmul.f32 v30, v30;
	v42 =	vld.idx.msk [tilespmem:v31+s25+$0x0], $0xffff  }
0x7e: {  	v59 =	vmul.f32 v56, v56;
	v27 =	vadd.f32 v58, v57;
	v44 =	vld.idx.msk [tilespmem:v31+s22+$0x0], $0xffff  }
0x7f: {  	v34 =	vsub.f32 v34, v35;
	v35 =	vadd.f32 v38, v46;
	v46 =	vld.idx.msk [tilespmem:v31+s26+$0x0], $0xffff  }
0x80: {  	v27 =	vadd.f32 v59, v27  }
0x81: {  	v39 =	vld.idx.msk [tilespmem:v24+s23+$0x0], $0xffff  }
0x82: {  	v24 =	vld.idx.msk [tilespmem:v24+s28+$0x0], $0xffff;
	(erf) = vrcp.f32 v27  }
0x83: {  	v55 =	vld.idx.msk [tilespmem:v17+s23+$0x0], $0xffff;
	v40 =	vsub.f32 v40, v41  }
0x84: {  	v17 =	vld.idx.msk [tilespmem:v17+s28+$0x0], $0xffff;
	vm0 =	veq.f32 v21, $0.0e+00;
	v38 =	vsub.f32 v49, v42;
	v42 =	vsub.f32 v44, v46;
	v60 =	vpop (erf)  }
0x85: {  	v47 =	vmul.f32 v34, v34;
	v53 =	vmul.f32 v40, v40;
	v21 =	vsel vm0, $0x3F800000, v60  }
0x86: {  	v58 =	vmul.f32 v42, v42;
	v32 =	vmul.f32 v21, v18  }
0x87: {  	v24 =	vsub.f32 v39, v24;
	v62 =	vmul.f32 v21, v19;
	v21 =	vmul.f32 v21, v48  }
0x88: {  	v35 =	vadd.f32 v47, v35;
	v18 =	vmul.f32 v32, v18;
	v36 =	vmul.f32 v32, v19  }
0x89: {  	v17 =	vsub.f32 v55, v17;
	v37 =	vmul.f32 v32, v48;
	v19 =	vmul.f32 v62, v19  }
0x8a: {  	vm14 =	veq.f32 v35, $0.0e+00;
	v45 =	vmul.f32 v62, v48;
	v20 =	vmul.f32 v21, v48  }
0x8b: {  	vm13 =	veq.f32 v27, $0.0e+00;
	v32 =	vmul.f32 v32, v17;
	v48 =	vpop (erf);
	v25 =	vmul.f32 v62, v17  }
0x8c: {  	v17 =	vmul.f32 v21, v17;
	(erf) = vrcp.f32 v35;
	v27 =	vsel vm13, $0x3F800000, v48  }
0x8d: {  	v18 =	vadd.f32 $0.0e+00, v18;
	v63 =	vadd.f32 $0.0e+00, v36;
	v50 =	vmul.f32 v27, v22  }
0x8e: {  	v55 =	vld.idx.msk [tilespmem:v29+s28+$0x0], $0xffff;
	v37 =	vadd.f32 $0.0e+00, v37;
	v19 =	vadd.f32 $0.0e+00, v19;
	v51 =	vmul.f32 v27, v54  }
0x8f: {  	v41 =	vld.idx.msk [tilespmem:v29+s23+$0x0], $0xffff;
	v36 =	vadd.f32 $0.0e+00, v45;
	v27 =	vmul.f32 v27, v56;
	v45 =	vmul.f32 v50, v56  }
0x90: {  	v20 =	vadd.f32 $0.0e+00, v20;
	v32 =	vadd.f32 $0.0e+00, v32;
	v43 =	vmul.f32 v50, v54  }
0x91: {  	v26 =	vmul.f32 v27, v56;
	v33 =	vadd.f32 v45, v37;
	v37 =	vor.u32 s12, v5  }
0x92: {  	v25 =	vadd.f32 $0.0e+00, v25;
	v23 =	vmul.f32 v51, v54;
	v54 =	vmul.f32 v38, v38  }
0x93: {  	v17 =	vadd.f32 $0.0e+00, v17;
	v22 =	vmul.f32 v50, v22;
	v20 =	vadd.f32 v26, v20  }
0x94: {  	v48 =	vor.u32 s12, v6;
	v57 =	vadd.f32 v54, v53;
	v26 =	vsub.f32 v41, v55;
	v55 =	vld.idx.msk [tilespmem:v31+s23+$0x0], $0xffff  }
0x95: {  	v52 =	vmul.f32 v51, v56;
	v21 =	vmul.f32 v50, v24;
	v18 =	vadd.f32 v22, v18;
	v31 =	vld.idx.msk [tilespmem:v31+s28+$0x0], $0xffff  }
0x96: {  	v39 =	vmul.f32 v51, v24;
	v22 =	vadd.f32 v43, v63;
	v35 =	vadd.f32 v58, v57;
	v59 =	vld.idx.msk [tilespmem:v37+s20+$0x0], $0xffff  }
0x97: {  	v24 =	vmul.f32 v27, v24;
	v19 =	vadd.f32 v23, v19;
	v23 =	vadd.f32 v52, v36;
	v56 =	vpop (erf);
	v60 =	vld.idx.msk [tilespmem:v37+s21+$0x0], $0xffff  }
0x98: {  	v21 =	vadd.f32 v21, v32;
	v29 =	vsel vm14, $0x3F800000, v56;
	(erf) = vrcp.f32 v35;
	v61 =	vld.idx.msk [tilespmem:v37+s24+$0x0], $0xffff  }
0x99: {  	v25 =	vadd.f32 v39, v25;
	v17 =	vadd.f32 v24, v17;
	v27 =	vmul.f32 v29, v28;
	v62 =	vld.idx.msk [tilespmem:v37+s25+$0x0], $0xffff  }
0x9a: {  	v45 =	vor.u32 s12, v7;
	v32 =	vmul.f32 v29, v30;
	v52 =	vld.idx.msk [tilespmem:v37+s22+$0x0], $0xffff;
	v29 =	vmul.f32 v29, v34  }
0x9b: {  	vm15 =	veq.f32 v35, $0.0e+00;
	v47 =	vld.idx.msk [tilespmem:v37+s26+$0x0], $0xffff;
	v63 =	vmul.f32 v27, v28;
	v53 =	vmul.f32 v27, v30  }
0x9c: {  	v31 =	vsub.f32 v55, v31;
	v54 =	vmul.f32 v27, v34;
	v30 =	vmul.f32 v32, v30  }
0x9d: {  	v50 =	vld.idx.msk [tilespmem:v48+s25+$0x0], $0xffff;
	v56 =	vmul.f32 v32, v34;
	v34 =	vmul.f32 v29, v34;
	v18 =	vadd.f32 v63, v18  }
0x9e: {  	v27 =	vmul.f32 v27, v26;
	v63 =	vld.idx.msk [tilespmem:v48+s24+$0x0], $0xffff;
	v36 =	vsub.f32 v59, v61;
	v39 =	vsub.f32 v60, v62  }
0x9f: {  	v32 =	vmul.f32 v32, v26;
	v22 =	vadd.f32 v53, v22;
	v24 =	vadd.f32 v54, v33;
	v59 =	vld.idx.msk [tilespmem:v48+s20+$0x0], $0xffff  }
0xa0: {  	v28 =	vsub.f32 v52, v47;
	v60 =	vld.idx.msk [tilespmem:v48+s21+$0x0], $0xffff;
	v57 =	vmul.f32 v36, v36;
	v58 =	vmul.f32 v39, v39  }
0xa1: {  	v26 =	vmul.f32 v29, v26;
	v19 =	vadd.f32 v30, v19;
	v23 =	vadd.f32 v56, v23;
	v54 =	vld.idx.msk [tilespmem:v48+s26+$0x0], $0xffff;
	v49 =	vpop (erf)  }
0xa2: {  	v52 =	vld.idx.msk [tilespmem:v48+s22+$0x0], $0xffff;
	v62 =	vmul.f32 v28, v28;
	v61 =	vadd.f32 v58, v57;
	v51 =	vsel vm15, $0x3F800000, v49  }
0xa3: {  	v21 =	vadd.f32 v27, v21;
	v53 =	vmul.f32 v51, v40;
	v55 =	vmul.f32 v51, v38  }
0xa4: {  	v27 =	vmul.f32 v51, v42;
	v43 =	vsub.f32 v59, v63;
	v29 =	vadd.f32 v62, v61  }
0xa5: {  	v30 =	vsub.f32 v60, v50;
	v40 =	vmul.f32 v53, v40;
	v56 =	vmul.f32 v53, v38  }
0xa6: {  	v25 =	vadd.f32 v32, v25;
	v49 =	vld.idx.msk [tilespmem:v45+s20+$0x0], $0xffff;
	v57 =	vmul.f32 v53, v42;
	(erf) = vrcp.f32 v29  }
0xa7: {  	v32 =	vsub.f32 v52, v54;
	v50 =	vld.idx.msk [tilespmem:v45+s21+$0x0], $0xffff;
	v59 =	vmul.f32 v43, v43;
	v60 =	vmul.f32 v30, v30  }
0xa8: {  	v20 =	vadd.f32 v34, v20;
	v51 =	vld.idx.msk [tilespmem:v45+s24+$0x0], $0xffff;
	v61 =	vmul.f32 v55, v38;
	v62 =	vmul.f32 v55, v42  }
0xa9: {  	v17 =	vadd.f32 v26, v17;
	v54 =	vld.idx.msk [tilespmem:v45+s22+$0x0], $0xffff;
	v42 =	vmul.f32 v27, v42;
	v63 =	vmul.f32 v32, v32  }
0xaa: {  	v26 =	vmul.f32 v53, v31;
	v53 =	vld.idx.msk [tilespmem:v45+s25+$0x0], $0xffff;
	v18 =	vadd.f32 v40, v18;
	v22 =	vadd.f32 v56, v22  }
0xab: {  	v24 =	vadd.f32 v57, v24;
	v34 =	vadd.f32 v60, v59;
	v56 =	vld.idx.msk [tilespmem:v45+s26+$0x0], $0xffff;
	v40 =	vor.u32 s12, v8  }
0xac: {  	v58 =	vld.idx.msk [tilespmem:v37+s23+$0x0], $0xffff;
	v33 =	vmul.f32 v55, v31;
	v19 =	vadd.f32 v61, v19;
	v23 =	vadd.f32 v62, v23  }
0xad: {  	v37 =	vld.idx.msk [tilespmem:v37+s28+$0x0], $0xffff;
	v27 =	vmul.f32 v27, v31;
	v20 =	vadd.f32 v42, v20;
	v38 =	vsub.f32 v49, v51  }
0xae: {  	vm4 =	veq.f32 v29, $0.0e+00;
	v21 =	vadd.f32 v26, v21;
	v34 =	vadd.f32 v63, v34  }
0xaf: {  	v25 =	vadd.f32 v33, v25;
	v35 =	vsub.f32 v50, v53;
	v62 =	vmul.f32 v38, v38;
	v52 =	vpop (erf)  }
0xb0: {  	v31 =	vsub.f32 v54, v56;
	v53 =	vld.idx.msk [tilespmem:v40+s21+$0x0], $0xffff;
	(erf) = vrcp.f32 v34;
	v29 =	vsel vm4, $0x3F800000, v52  }
0xb1: {  	v17 =	vadd.f32 v27, v17;
	v63 =	vmul.f32 v35, v35;
	v56 =	vld.idx.msk [tilespmem:v40+s25+$0x0], $0xffff;
	v55 =	vmul.f32 v29, v36  }
0xb2: {  	v57 =	vsub.f32 v58, v37;
	v49 =	vmul.f32 v31, v31;
	v58 =	vmul.f32 v29, v39  }
0xb3: {  	v33 =	vadd.f32 v63, v62;
	v29 =	vmul.f32 v29, v28;
	v36 =	vmul.f32 v55, v36  }
0xb4: {  	v42 =	vor.u32 s12, v9;
	v50 =	vld.idx.msk [tilespmem:v40+s20+$0x0], $0xffff;
	v59 =	vmul.f32 v55, v39;
	v60 =	vmul.f32 v55, v28  }
0xb5: {  	v54 =	vld.idx.msk [tilespmem:v40+s24+$0x0], $0xffff;
	v33 =	vadd.f32 v49, v33;
	v39 =	vmul.f32 v58, v39;
	v51 =	vmul.f32 v58, v28  }
0xb6: {  	v61 =	vld.idx.msk [tilespmem:v48+s23+$0x0], $0xffff;
	v41 =	vsub.f32 v53, v56;
	v28 =	vmul.f32 v29, v28;
	v26 =	vmul.f32 v55, v57  }
0xb7: {  	v48 =	vld.idx.msk [tilespmem:v48+s28+$0x0], $0xffff;
	v37 =	vmul.f32 v58, v57;
	v18 =	vadd.f32 v36, v18;
	v22 =	vadd.f32 v59, v22  }
0xb8: {  	v27 =	vmul.f32 v29, v57;
	v57 =	vld.idx.msk [tilespmem:v40+s22+$0x0], $0xffff;
	v24 =	vadd.f32 v60, v24;
	v19 =	vadd.f32 v39, v19  }
0xb9: {  	vm5 =	veq.f32 v34, $0.0e+00;
	v23 =	vadd.f32 v51, v23;
	v20 =	vadd.f32 v28, v20;
	v59 =	vld.idx.msk [tilespmem:v40+s26+$0x0], $0xffff;
	v52 =	vpop (erf)  }
0xba: {  	v39 =	vsub.f32 v50, v54;
	v51 =	vmul.f32 v41, v41;
	v34 =	vsel vm5, $0x3F800000, v52  }
0xbb: {  	v21 =	vadd.f32 v26, v21;
	(erf) = vrcp.f32 v33;
	v55 =	vmul.f32 v34, v43  }
0xbc: {  	v60 =	vsub.f32 v61, v48;
	v50 =	vmul.f32 v39, v39;
	v61 =	vmul.f32 v34, v30  }
0xbd: {  	v25 =	vadd.f32 v37, v25;
	v34 =	vmul.f32 v34, v32;
	v58 =	vmul.f32 v55, v43  }
0xbe: {  	v28 =	vsub.f32 v57, v59;
	v62 =	vmul.f32 v55, v30;
	v63 =	vmul.f32 v55, v32  }
0xbf: {  	v53 =	vld.idx.msk [tilespmem:v45+s28+$0x0], $0xffff;
	v17 =	vadd.f32 v27, v17;
	v48 =	vmul.f32 v61, v30;
	v49 =	vmul.f32 v61, v32  }
0xc0: {  	v52 =	vld.idx.msk [tilespmem:v45+s23+$0x0], $0xffff;
	v29 =	vadd.f32 v51, v50;
	v54 =	vmul.f32 v28, v28;
	v32 =	vmul.f32 v34, v32  }
0xc1: {  	v57 =	vld.idx.msk [tilespmem:v42+s20+$0x0], $0xffff;
	v55 =	vmul.f32 v55, v60;
	v36 =	vmul.f32 v61, v60;
	v18 =	vadd.f32 v58, v18  }
0xc2: {  	v27 =	vmul.f32 v34, v60;
	v60 =	vld.idx.msk [tilespmem:v42+s24+$0x0], $0xffff;
	v22 =	vadd.f32 v62, v22;
	v24 =	vadd.f32 v63, v24  }
0xc3: {  	v19 =	vadd.f32 v48, v19;
	v29 =	vadd.f32 v54, v29  }
0xc4: {  	vm6 =	veq.f32 v33, $0.0e+00;
	v61 =	vld.idx.msk [tilespmem:v42+s25+$0x0], $0xffff;
	v23 =	vadd.f32 v49, v23;
	v20 =	vadd.f32 v32, v20;
	v56 =	vpop (erf)  }
0xc5: {  	v58 =	vld.idx.msk [tilespmem:v42+s21+$0x0], $0xffff;
	v21 =	vadd.f32 v55, v21;
	(erf) = vrcp.f32 v29;
	v33 =	vsel vm6, $0x3F800000, v56  }
0xc6: {  	v25 =	vadd.f32 v36, v25;
	v48 =	vld.idx.msk [tilespmem:v42+s22+$0x0], $0xffff;
	v59 =	vmul.f32 v33, v38;
	v49 =	vmul.f32 v33, v35  }
0xc7: {  	v45 =	vor.u32 s12, v12;
	v26 =	vsub.f32 v52, v53;
	v53 =	vld.idx.msk [tilespmem:v42+s26+$0x0], $0xffff;
	v34 =	vsub.f32 v57, v60  }
0xc8: {  	v63 =	vmul.f32 v59, v35;
	v54 =	vmul.f32 v49, v35;
	v35 =	vor.u32 s12, v10  }
0xc9: {  	v17 =	vadd.f32 v27, v17;
	v33 =	vmul.f32 v33, v31;
	v56 =	vmul.f32 v34, v34  }
0xca: {  	v36 =	vsub.f32 v58, v61;
	v62 =	vmul.f32 v59, v38;
	v52 =	vmul.f32 v59, v31  }
0xcb: {  	v37 =	vld.idx.msk [tilespmem:v40+s23+$0x0], $0xffff;
	vm7 =	veq.f32 v29, $0.0e+00;
	v55 =	vmul.f32 v49, v31;
	v31 =	vmul.f32 v33, v31  }
0xcc: {  	v58 =	vld.idx.msk [tilespmem:v40+s28+$0x0], $0xffff;
	v38 =	vsub.f32 v48, v53;
	v57 =	vmul.f32 v36, v36;
	v32 =	vmul.f32 v59, v26  }
0xcd: {  	v30 =	vmul.f32 v49, v26;
	v26 =	vmul.f32 v33, v26;
	v18 =	vadd.f32 v62, v18;
	v53 =	vld.idx.msk [tilespmem:v35+s20+$0x0], $0xffff  }
0xce: {  	v24 =	vadd.f32 v52, v24;
	v51 =	vadd.f32 v57, v56;
	v52 =	vmul.f32 v38, v38;
	v59 =	vld.idx.msk [tilespmem:v35+s21+$0x0], $0xffff  }
0xcf: {  	v48 =	vor.u32 s12, v11;
	v22 =	vadd.f32 v63, v22;
	v19 =	vadd.f32 v54, v19;
	v50 =	vpop (erf);
	v61 =	vld.idx.msk [tilespmem:v35+s24+$0x0], $0xffff  }
0xd0: {  	v20 =	vadd.f32 v31, v20;
	v31 =	vadd.f32 v52, v51;
	v62 =	vld.idx.msk [tilespmem:v35+s25+$0x0], $0xffff;
	v29 =	vsel vm7, $0x3F800000, v50  }
0xd1: {  	v23 =	vadd.f32 v55, v23;
	v21 =	vadd.f32 v32, v21;
	v52 =	vld.idx.msk [tilespmem:v35+s22+$0x0], $0xffff;
	v60 =	vmul.f32 v29, v39  }
0xd2: {  	v25 =	vadd.f32 v30, v25;
	v56 =	vld.idx.msk [tilespmem:v35+s26+$0x0], $0xffff;
	(erf) = vrcp.f32 v31;
	v30 =	vmul.f32 v29, v41  }
0xd3: {  	v27 =	vsub.f32 v37, v58;
	v29 =	vmul.f32 v29, v28;
	v63 =	vmul.f32 v60, v39  }
0xd4: {  	v17 =	vadd.f32 v26, v17;
	v51 =	vld.idx.msk [tilespmem:v48+s22+$0x0], $0xffff;
	v54 =	vmul.f32 v60, v41;
	v55 =	vmul.f32 v60, v28  }
0xd5: {  	vm8 =	veq.f32 v31, $0.0e+00;
	v50 =	vld.idx.msk [tilespmem:v48+s25+$0x0], $0xffff;
	v57 =	vmul.f32 v30, v41;
	v60 =	vmul.f32 v60, v27  }
0xd6: {  	v40 =	vsub.f32 v53, v61;
	v32 =	vsub.f32 v59, v62;
	v53 =	vmul.f32 v30, v28;
	v59 =	vld.idx.msk [tilespmem:v48+s21+$0x0], $0xffff  }
0xd7: {  	v28 =	vmul.f32 v29, v28;
	v39 =	vsub.f32 v52, v56;
	v52 =	vld.idx.msk [tilespmem:v48+s26+$0x0], $0xffff;
	v18 =	vadd.f32 v63, v18  }
0xd8: {  	v30 =	vmul.f32 v30, v27;
	v22 =	vadd.f32 v54, v22;
	v19 =	vadd.f32 v57, v19;
	v57 =	vld.idx.msk [tilespmem:v48+s20+$0x0], $0xffff  }
0xd9: {  	v24 =	vadd.f32 v55, v24;
	v63 =	vld.idx.msk [tilespmem:v48+s24+$0x0], $0xffff;
	v55 =	vmul.f32 v40, v40;
	v56 =	vmul.f32 v32, v32  }
0xda: {  	v27 =	vmul.f32 v29, v27;
	v23 =	vadd.f32 v53, v23;
	v20 =	vadd.f32 v28, v20  }
0xdb: {  	v58 =	vld.idx.msk [tilespmem:v42+s23+$0x0], $0xffff;
	v62 =	vmul.f32 v39, v39;
	v25 =	vadd.f32 v30, v25;
	v61 =	vadd.f32 v56, v55;
	v49 =	vpop (erf)  }
0xdc: {  	v54 =	vld.idx.msk [tilespmem:v42+s28+$0x0], $0xffff;
	v26 =	vsub.f32 v59, v50;
	v30 =	vsub.f32 v51, v52;
	v29 =	vsel vm8, $0x3F800000, v49  }
0xdd: {  	v33 =	vadd.f32 v62, v61;
	v28 =	vmul.f32 v29, v34;
	v53 =	vmul.f32 v29, v36  }
0xde: {  	v56 =	vld.idx.msk [tilespmem:v45+s22+$0x0], $0xffff;
	v43 =	vsub.f32 v57, v63;
	v29 =	vmul.f32 v29, v38;
	v62 =	vmul.f32 v26, v26  }
0xdf: {  	v51 =	vld.idx.msk [tilespmem:v45+s26+$0x0], $0xffff;
	v57 =	vmul.f32 v30, v30;
	(erf) = vrcp.f32 v33  }
0xe0: {  	v21 =	vadd.f32 v60, v21;
	v61 =	vmul.f32 v43, v43;
	v34 =	vmul.f32 v28, v34  }
0xe1: {  	v60 =	vld.idx.msk [tilespmem:v45+s20+$0x0], $0xffff;
	v37 =	vsub.f32 v58, v54;
	v58 =	vmul.f32 v28, v36;
	v59 =	vmul.f32 v28, v38  }
0xe2: {  	v17 =	vadd.f32 v27, v17;
	v63 =	vld.idx.msk [tilespmem:v45+s21+$0x0], $0xffff;
	v54 =	vmul.f32 v53, v36;
	v55 =	vmul.f32 v53, v38  }
0xe3: {  	v49 =	vld.idx.msk [tilespmem:v45+s24+$0x0], $0xffff;
	v28 =	vmul.f32 v28, v37;
	v27 =	vmul.f32 v53, v37;
	v41 =	vadd.f32 v62, v61  }
0xe4: {  	v52 =	vmul.f32 v29, v37;
	v37 =	vsub.f32 v56, v51;
	v22 =	vadd.f32 v58, v22;
	v58 =	vld.idx.msk [tilespmem:v45+s25+$0x0], $0xffff  }
0xe5: {  	v38 =	vmul.f32 v29, v38;
	v18 =	vadd.f32 v34, v18;
	v24 =	vadd.f32 v59, v24  }
0xe6: {  	v46 =	vld.idx.msk [tilespmem:v35+s23+$0x0], $0xffff;
	v19 =	vadd.f32 v54, v19;
	v23 =	vadd.f32 v55, v23  }
0xe7: {  	v35 =	vld.idx.msk [tilespmem:v35+s28+$0x0], $0xffff;
	vm9 =	veq.f32 v33, $0.0e+00;
	v20 =	vadd.f32 v38, v20;
	v59 =	vadd.f32 v57, v41  }
0xe8: {  	v33 =	vsub.f32 v60, v49;
	v41 =	vor.u32 s12, v13;
	v49 =	vmul.f32 v37, v37;
	v53 =	vpop (erf)  }
0xe9: {  	v31 =	vsub.f32 v63, v58;
	(erf) = vrcp.f32 v59;
	v54 =	vsel vm9, $0x3F800000, v53  }
0xea: {  	v21 =	vadd.f32 v28, v21;
	v62 =	vmul.f32 v33, v33;
	v29 =	vmul.f32 v54, v40  }
0xeb: {  	v25 =	vadd.f32 v27, v25;
	v63 =	vmul.f32 v31, v31;
	v60 =	vmul.f32 v54, v32  }
0xec: {  	v55 =	vsub.f32 v46, v35;
	v27 =	vmul.f32 v54, v39;
	v61 =	vmul.f32 v29, v40  }
0xed: {  	vm10 =	veq.f32 v59, $0.0e+00;
	v58 =	vld.idx.msk [tilespmem:v41+s20+$0x0], $0xffff;
	v46 =	vmul.f32 v29, v32;
	v47 =	vmul.f32 v29, v39  }
0xee: {  	v59 =	vld.idx.msk [tilespmem:v41+s21+$0x0], $0xffff;
	v38 =	vadd.f32 v63, v62;
	v32 =	vmul.f32 v60, v32;
	v56 =	vmul.f32 v60, v39  }
0xef: {  	v17 =	vadd.f32 v52, v17;
	v53 =	vld.idx.msk [tilespmem:v41+s22+$0x0], $0xffff;
	v39 =	vmul.f32 v27, v39;
	v29 =	vmul.f32 v29, v55  }
0xf0: {  	v62 =	vld.idx.msk [tilespmem:v41+s25+$0x0], $0xffff;
	v34 =	vmul.f32 v60, v55;
	v38 =	vadd.f32 v49, v38;
	v18 =	vadd.f32 v61, v18  }
0xf1: {  	v27 =	vmul.f32 v27, v55;
	v55 =	vld.idx.msk [tilespmem:v41+s26+$0x0], $0xffff;
	v22 =	vadd.f32 v46, v22;
	v24 =	vadd.f32 v47, v24  }
0xf2: {  	v19 =	vadd.f32 v32, v19;
	v23 =	vadd.f32 v56, v23;
	v61 =	vld.idx.msk [tilespmem:v41+s24+$0x0], $0xffff;
	v57 =	vpop (erf)  }
0xf3: {  	v50 =	vld.idx.msk [tilespmem:v48+s23+$0x0], $0xffff;
	v20 =	vadd.f32 v39, v20;
	(erf) = vrcp.f32 v38;
	v36 =	vsel vm10, $0x3F800000, v57  }
0xf4: {  	v51 =	vld.idx.msk [tilespmem:v48+s28+$0x0], $0xffff;
	v25 =	vadd.f32 v34, v25;
	v27 =	vadd.f32 v27, v17;
	v60 =	vmul.f32 v36, v43  }
0xf5: {  	v34 =	vor.u32 s12, v14;
	vm11 =	veq.f32 v38, $0.0e+00;
	v28 =	vsub.f32 v59, v62  }
0xf6: {  	v39 =	vsub.f32 v53, v55;
	v63 =	vmul.f32 v36, v26;
	v17 =	vmul.f32 v60, v26  }
0xf7: {  	v59 =	vmul.f32 v28, v28;
	v56 =	vmul.f32 v36, v30;
	v42 =	vsub.f32 v58, v61  }
0xf8: {  	v38 =	vld.idx.msk [tilespmem:v41+s23+$0x0], $0xffff;
	v61 =	vmul.f32 v39, v39;
	v22 =	vadd.f32 v17, v22;
	v17 =	vmul.f32 v63, v26  }
0xf9: {  	v32 =	vsub.f32 v50, v51;
	v41 =	vld.idx.msk [tilespmem:v41+s28+$0x0], $0xffff;
	v52 =	vmul.f32 v60, v43;
	v54 =	vmul.f32 v60, v30  }
0xfa: {  	v21 =	vadd.f32 v29, v21;
	v62 =	vld.idx.msk [tilespmem:v34+s21+$0x0], $0xffff;
	v57 =	vmul.f32 v63, v30;
	v58 =	vmul.f32 v42, v42  }
0xfb: {  	v53 =	vld.idx.msk [tilespmem:v34+s25+$0x0], $0xffff;
	v30 =	vmul.f32 v56, v30;
	v40 =	vmul.f32 v60, v32;
	v18 =	vadd.f32 v52, v18  }
0xfc: {  	v60 =	vld.idx.msk [tilespmem:v34+s20+$0x0], $0xffff;
	v29 =	vmul.f32 v63, v32;
	v24 =	vadd.f32 v54, v24;
	v19 =	vadd.f32 v17, v19;
	v17 =	vpop (erf)  }
0xfd: {  	v44 =	vadd.f32 v59, v58;
	v63 =	vld.idx.msk [tilespmem:v34+s24+$0x0], $0xffff;
	v46 =	vsel vm11, $0x3F800000, v17;
	v17 =	vor.u32 s12, v15  }
0xfe: {  	v36 =	vld.idx.msk [tilespmem:v45+s28+$0x0], $0xffff;
	v23 =	vadd.f32 v57, v23;
	v20 =	vadd.f32 v30, v20;
	v52 =	vmul.f32 v56, v32  }
0xff: {  	v55 =	vld.idx.msk [tilespmem:v34+s22+$0x0], $0xffff;
	v21 =	vadd.f32 v40, v21;
	v32 =	vadd.f32 v61, v44;
	v43 =	vmul.f32 v46, v33  }
0x100: {  	v26 =	vld.idx.msk [tilespmem:v45+s23+$0x0], $0xffff;
	v25 =	vadd.f32 v29, v25;
	v35 =	vsub.f32 v62, v53  }
0x101: {  	v57 =	vld.idx.msk [tilespmem:v34+s26+$0x0], $0xffff;
	v27 =	vadd.f32 v52, v27;
	(erf) = vrcp.f32 v32;
	v54 =	vmul.f32 v43, v33  }
0x102: {  	v50 =	vmul.f32 v35, v35;
	v47 =	vsub.f32 v60, v63;
	v58 =	vmul.f32 v46, v31;
	v44 =	vld.idx.msk [tilespmem:v17+s20+$0x0], $0xffff  }
0x103: {  	v46 =	vmul.f32 v46, v37;
	v29 =	vadd.f32 v54, v18;
	v45 =	vld.idx.msk [tilespmem:v17+s21+$0x0], $0xffff;
	v18 =	vor.u32 s12, v16  }
0x104: {  	vm12 =	veq.f32 v32, $0.0e+00;
	v63 =	vmul.f32 v47, v47;
	v56 =	vmul.f32 v43, v31;
	v48 =	vld.idx.msk [tilespmem:v17+s22+$0x0], $0xffff  }
0x105: {  	v26 =	vsub.f32 v26, v36;
	v59 =	vmul.f32 v43, v37;
	v60 =	vmul.f32 v58, v31;
	v62 =	vld.idx.msk [tilespmem:v17+s24+$0x0], $0xffff  }
0x106: {  	v61 =	vmul.f32 v58, v37;
	v33 =	vsub.f32 v55, v57;
	v52 =	vmul.f32 v46, v37;
	v51 =	vld.idx.msk [tilespmem:v17+s25+$0x0], $0xffff  }
0x107: {  	v53 =	vmul.f32 v43, v26;
	v55 =	vadd.f32 v50, v63;
	v22 =	vadd.f32 v56, v22;
	v54 =	vld.idx.msk [tilespmem:v17+s26+$0x0], $0xffff  }
0x108: {  	v57 =	vmul.f32 v58, v26;
	v24 =	vadd.f32 v59, v24;
	v19 =	vadd.f32 v60, v19;
	v50 =	vld.idx.msk [tilespmem:v18+s20+$0x0], $0xffff  }
0x109: {  	v23 =	vadd.f32 v61, v23;
	v56 =	vmul.f32 v33, v33;
	v20 =	vadd.f32 v52, v20;
	v36 =	vld.idx.msk [tilespmem:v18+s21+$0x0], $0xffff  }
0x10a: {  	v26 =	vmul.f32 v46, v26;
	v21 =	vadd.f32 v53, v21;
	v25 =	vadd.f32 v57, v25;
	v58 =	vpop (erf);
	v59 =	vld.idx.msk [tilespmem:v18+s24+$0x0], $0xffff  }
0x10b: {  	v31 =	vadd.f32 v56, v55;
	v32 =	vsel vm12, $0x3F800000, v58;
	v40 =	vsub.f32 v44, v62;
	v60 =	vld.idx.msk [tilespmem:v18+s25+$0x0], $0xffff  }
0x10c: {  	v26 =	vadd.f32 v26, v27;
	v44 =	vsub.f32 v45, v51;
	v30 =	vmul.f32 v32, v42;
	v61 =	vld.idx.msk [tilespmem:v18+s22+$0x0], $0xffff  }
0x10d: {  	(erf) = vrcp.f32 v31;
	v43 =	vsub.f32 v48, v54;
	v54 =	vld.idx.msk [tilespmem:v18+s26+$0x0], $0xffff;
	v62 =	vmul.f32 v40, v40  }
0x10e: {  	v27 =	vsub.f32 v38, v41;
	v63 =	vmul.f32 v44, v44;
	v55 =	vmul.f32 v30, v42  }
0x10f: {  	vm13 =	veq.f32 v31, $0.0e+00;
	v58 =	vmul.f32 v32, v28;
	v32 =	vmul.f32 v32, v39  }
0x110: {  	v57 =	vmul.f32 v43, v43;
	v56 =	vadd.f32 v63, v62;
	v29 =	vadd.f32 v55, v29  }
0x111: {  	v51 =	vmul.f32 v58, v39;
	v37 =	vsub.f32 v50, v59;
	v36 =	vsub.f32 v36, v60  }
0x112: {  	v62 =	vmul.f32 v30, v39;
	v39 =	vmul.f32 v32, v39;
	v42 =	vsub.f32 v61, v54  }
0x113: {  	v41 =	vadd.f32 v57, v56;
	v60 =	vmul.f32 v37, v37;
	v61 =	vmul.f32 v36, v36  }
0x114: {  	v23 =	vadd.f32 v51, v23;
	v59 =	vmul.f32 v30, v28;
	v28 =	vmul.f32 v58, v28  }
0x115: {  	v63 =	vmul.f32 v42, v42;
	(erf) = vrcp.f32 v41;
	v46 =	vadd.f32 v61, v60  }
0x116: {  	v50 =	vld.idx.msk [tilespmem:v34+s23+$0x0], $0xffff;
	v30 =	vmul.f32 v30, v27;
	v54 =	vmul.f32 v58, v27;
	v24 =	vadd.f32 v62, v24  }
0x117: {  	v34 =	vld.idx.msk [tilespmem:v34+s28+$0x0], $0xffff;
	v27 =	vmul.f32 v32, v27;
	v20 =	vadd.f32 v39, v20;
	v53 =	vpop (erf);
	v52 =	vadd.f32 v63, v46  }
0x118: {  	v22 =	vadd.f32 v59, v22;
	v19 =	vadd.f32 v28, v19;
	v46 =	vsel vm13, $0x3F800000, v53  }
0x119: {  	v21 =	vadd.f32 v30, v21;
	v55 =	vmul.f32 v46, v47;
	(erf) = vrcp.f32 v52  }
0x11a: {  	v25 =	vadd.f32 v54, v25;
	v31 =	vmul.f32 v46, v35;
	v32 =	vmul.f32 v46, v33  }
0x11b: {  	v26 =	vadd.f32 v27, v26;
	v56 =	vmul.f32 v55, v47;
	v57 =	vmul.f32 v55, v35  }
0x11c: {  	v27 =	vsub.f32 v50, v34;
	v59 =	vmul.f32 v55, v33;
	v60 =	vmul.f32 v31, v35  }
0x11d: {  	vm14 =	veq.f32 v41, $0.0e+00;
	v61 =	vmul.f32 v31, v33;
	v62 =	vmul.f32 v32, v33  }
0x11e: {  	vm15 =	veq.f32 v52, $0.0e+00;
	v63 =	vmul.f32 v55, v27;
	v31 =	vmul.f32 v31, v27;
	v58 =	vpop (erf)  }
0x11f: {  	v29 =	vadd.f32 v56, v29;
	v22 =	vadd.f32 v57, v22;
	v30 =	vsel vm14, $0x3F800000, v58  }
0x120: {  	v24 =	vadd.f32 v59, v24;
	v19 =	vadd.f32 v60, v19;
	v33 =	vmul.f32 v30, v40  }
0x121: {  	v23 =	vadd.f32 v61, v23;
	v28 =	vmul.f32 v30, v44;
	v30 =	vmul.f32 v30, v43  }
0x122: {  	v20 =	vadd.f32 v62, v20;
	v47 =	vmul.f32 v33, v44;
	v48 =	vmul.f32 v33, v43;
	v49 =	vpop (erf)  }
0x123: {  	v50 =	vmul.f32 v28, v44;
	v51 =	vmul.f32 v28, v43;
	v38 =	vsel vm15, $0x3F800000, v49  }
0x124: {  	v52 =	vmul.f32 v30, v43;
	v22 =	vadd.f32 v47, v22;
	v41 =	vmul.f32 v38, v36  }
0x125: {  	v24 =	vadd.f32 v48, v24;
	v19 =	vadd.f32 v50, v19;
	v43 =	vmul.f32 v38, v42  }
0x126: {  	v23 =	vadd.f32 v51, v23;
	v38 =	vmul.f32 v38, v37;
	v53 =	vmul.f32 v41, v36  }
0x127: {  	v20 =	vadd.f32 v52, v20;
	v54 =	vmul.f32 v41, v42;
	v55 =	vmul.f32 v43, v42  }
0x128: {  	v36 =	vmul.f32 v38, v36;
	v56 =	vmul.f32 v38, v42;
	v19 =	vadd.f32 v53, v19  }
0x129: {  	v57 =	vld.idx.msk [tilespmem:v17+s23+$0x0], $0xffff;
	v40 =	vmul.f32 v33, v40;
	v23 =	vadd.f32 v54, v23;
	v20 =	vadd.f32 v55, v20  }
0x12a: {  	v17 =	vld.idx.msk [tilespmem:v17+s28+$0x0], $0xffff;
	v37 =	vmul.f32 v38, v37;
	v22 =	vadd.f32 v36, v22;
	v24 =	vadd.f32 v56, v24  }
0x12b: {  	v29 =	vadd.f32 v40, v29;
	v58 =	vmul.f32 v20, v19;
	v59 =	vmul.f32 v23, v23  }
0x12c: {  	v60 =	vld.idx.msk [tilespmem:v18+s23+$0x0], $0xffff;
	v61 =	vmul.f32 v20, v22;
	v62 =	vmul.f32 v24, v23  }
0x12d: {  	v21 =	vadd.f32 v63, v21;
	v18 =	vld.idx.msk [tilespmem:v18+s28+$0x0], $0xffff;
	v29 =	vadd.f32 v37, v29;
	v44 =	vmul.f32 v23, v22  }
0x12e: {  	v45 =	vmul.f32 v24, v19;
	v36 =	vsub.f32 v58, v59;
	v63 =	vsub.f32 v61, v62  }
0x12f: {  	v27 =	vmul.f32 v32, v27;
	v25 =	vadd.f32 v31, v25;
	v17 =	vsub.f32 v57, v17  }
0x130: {  	v46 =	vsub.f32 v44, v45;
	v47 =	vmul.f32 v36, v29;
	v48 =	vmul.f32 v63, v22  }
0x131: {  	v26 =	vadd.f32 v27, v26;
	v49 =	vmul.f32 v33, v17;
	v28 =	vmul.f32 v28, v17  }
0x132: {  	v18 =	vsub.f32 v60, v18;
	v50 =	vmul.f32 v46, v24;
	v32 =	vsub.f32 v47, v48  }
0x133: {  	v17 =	vmul.f32 v30, v17;
	v21 =	vadd.f32 v49, v21;
	v25 =	vadd.f32 v28, v25  }
0x134: {  	v52 =	vmul.f32 v38, v18;
	v53 =	vmul.f32 v41, v18;
	v51 =	vadd.f32 v32, v50  }
0x135: {  	v17 =	vadd.f32 v17, v26;
	v18 =	vmul.f32 v43, v18;
	v20 =	vmul.f32 v20, v29  }
0x136: {  	v21 =	vadd.f32 v52, v21;
	v54 =	vmul.f32 v24, v24;
	(erf) = vrcp.f32 v51  }
0x137: {  	v25 =	vadd.f32 v53, v25;
	v17 =	vadd.f32 v18, v17;
	v18 =	vmul.f32 v23, v29  }
0x138: {  	v55 =	vmul.f32 v24, v22;
	v19 =	vmul.f32 v19, v29;
	v57 =	vsub.f32 $0.0e+00, v21  }
0x139: {  	v20 =	vsub.f32 v20, v54;
	v22 =	vmul.f32 v22, v22;
	v56 =	vmul.f32 v36, v21  }
0x13a: {  	v18 =	vsub.f32 v18, v55;
	v58 =	vmul.f32 v63, v25;
	v59 =	vmul.f32 v46, v17  }
0x13b: {  	v60 =	vmul.f32 v63, v57;
	v20 =	vmul.f32 v20, v25;
	v19 =	vsub.f32 v19, v22  }
0x13c: {  	v21 =	vmul.f32 v46, v21;
	v61 =	vmul.f32 v18, v25;
	v23 =	vsub.f32 v56, v58  }
0x13d: {  	v18 =	vmul.f32 v18, v17;
	v20 =	vadd.f32 v20, v60  }
0x13e: {  	v21 =	vsub.f32 v21, v61;
	v62 =	vadd.f32 v23, v59;
	v17 =	vmul.f32 v19, v17  }
0x13f: {  	p0 =	sne.s32 s12, $0xD00;
	v18 =	vsub.f32 v20, v18;
	v19 =	vpop (erf)  }
.Ltmp0:
0x140: {  	v17 =	vadd.f32 v21, v17;
	v63 =	vmul.f32 v19, v62;
	(pc) =	sbr.rel @p0 .LBB2_3-.Ltmp0, $4  }
0x141: {  	v18 =	vmul.f32 v19, v18  }
0x142: {  	v17 =	vmul.f32 v19, v17;
	[tilespmem:s0+$0xFFFFFF20] =	vst v63  }
0x143: {  	[tilespmem:s0+$0x0] =	vst v18  }
0x144: {  	s12 =	sadd.s32 $0x100, s12;
	[tilespmem:s0+$0xE0] =	vst v17;
	s0 =	sadd.s32 $0x10, s0  }
0x145: {  	s0 =	rddreg [dreg:$0xa]  }
0x146: {  	s0 =	sadd.s32 s0, s10  }
0x147: {  	p0 =	slt.s32 s0, $0x185C0  }
0x148: {  	s0 =	simm.s32 @!p0 $0x185C0  }
0x149: {  	s1 =	rddreg [dreg:$0x6];
	s0 =	sshrl.u32 s0, $0x3  }
0x14a: {  	s11 =	simm.s32 $0x0;
	s2 =	simm.s32 $0x11800;
	s1 =	sadd.s32 s1, s0  }
0x14b: {  	[hbm4b:s1+s11] =	stream.linear.scatter [tilespmem:s2], [sflag:$0x3], $0xE0, $0x38;
	[tilespmem:$0x11B00] =	vst v63  }
0x14c: {  	_ =	swait.ge [sflag:s18], $0xE0  }
0x14d: {  	[sflag:s18] =	ssyncset.done $0x0  }
0x14e: {  	[sflag:s18] =	ssyncadd.s32 $0xFFFFFF20  }
0x14f: {  	s3 =	rddreg [dreg:$0x7]  }
0x150: {  	s12 =	simm.s32 $0x118E0;
	s1 =	sadd.s32 s3, s0  }
0x151: {  	[hbm4b:s1+s11] =	stream.linear.scatter [tilespmem:s12], [sflag:$0x3], $0xE0, $0x38;
	[tilespmem:$0x11B00] =	vst v63  }
0x152: {  	_ =	swait.ge [sflag:s18], $0xE0  }
0x153: {  	[sflag:s18] =	ssyncset.done $0x0  }
0x154: {  	[sflag:s18] =	ssyncadd.s32 $0xFFFFFF20  }
0x155: {  	s3 =	rddreg [dreg:$0x8]  }
0x156: {  	s12 =	simm.s32 $0x119C0;
	s0 =	sadd.s32 s3, s0  }
0x157: {  	[hbm4b:s0+s11] =	stream.linear.scatter [tilespmem:s12], [sflag:$0x3], $0xE0, $0x38;
	[tilespmem:$0x11B00] =	vst v63  }
0x158: {  	p0 =	seq.s32 s16, $0x6;
	s0 =	rddreg [dreg:$0xe]  }
0x159: {  	s0 =	sadd.s32 @!p0 s10, s0  }
0x15a: {  	p1 =	slt.s32 @!p0 s0, $0x185C0  }
0x15b: {  	p1 =	por !p1, p0  }
0x15c: {  	_ =	swait.ge [sflag:s18], $0xE0;
	s0 =	simm.s32 @p1 $0x185C0  }
0x15d: {  	[sflag:s18] =	ssyncset.done $0x0;
	s0 =	sshll.u32 @!p0 s0, $0x1  }
0x15e: {  	s10 =	simm.s32 @!p0 $0x0;
	[sflag:s18] =	ssyncadd.s32 $0xFFFFFF20;
	s1 =	sadd.s32 @!p0 s29, s0  }
0x15f: {  	[tilespmem:s10], [sflag:$0x3] =	stream.linear.gather @!p0 [hbm4b:s1+s10], $0xE00, $0x38;
	[tilespmem:$0x11B00] =	vst v63  }
0x160: {  	s1 =	simm.s32 @!p0 $0x3  }
0x161: {  	_ =	swait.ge @!p0 [sflag:s1], $0xE00  }
0x162: {  	[sflag:s1] =	ssyncset.done @!p0 $0x0  }
0x163: {  	[sflag:s1] =	ssyncadd.s32 @!p0 $0xFFFFF200  }
0x164: {  	s2 =	rddreg [dreg:$0x5]  }
0x165: {  	s12 =	simm.s32 @!p0 $0xE00;
	s0 =	sadd.s32 @!p0 s2, s0  }
0x166: {  	[tilespmem:s12], [sflag:$0x3] =	stream.linear.gather @!p0 [hbm4b:s0+s10], $0xE00, $0x38;
	[tilespmem:$0x11B00] =	vst v63  }
0x167: {  	_ =	swait.ge @!p0 [sflag:s1], $0xE00  }
0x168: {  	[sflag:s1] =	ssyncset.done @!p0 $0x0  }
0x169: {  	[sflag:s1] =	ssyncadd.s32 @!p0 $0xFFFFF200  }
0x16a: {  	s0 =	simm.s32 @!p0 $0x1C00;
	s1 =	rddreg [dreg:$0x0]  }
0x16b: {  	[tilespmem:s0], [sflag:$0x1] =	stream.indirect.gather @!p0 [hbm4b:s1+s12], $0x1, s10, s12, $0xb8;
	[tilespmem:$0x11B00] =	vst v63  }
0x16c: {  	s2 =	rddreg [dreg:$0x1];
	s0 =	simm.s32 @!p0 $0x2A00  }
0x16d: {  	[tilespmem:s0], [sflag:$0x1] =	stream.indirect.gather @!p0 [hbm4b:s2+s12], $0x1, s10, s12, $0xb8;
	[tilespmem:$0x11B00] =	vst v63  }
0x16e: {  	s3 =	rddreg [dreg:$0x2];
	s0 =	simm.s32 @!p0 $0x3800  }
0x16f: {  	[tilespmem:s0], [sflag:$0x1] =	stream.indirect.gather @!p0 [hbm4b:s3+s12], $0x1, s10, s12, $0xb8;
	[tilespmem:$0x11B00] =	vst v63  }
0x170: {  	s30 =	smov.u32 s29;
	s29 =	rddreg [dreg:$0x3];
	s0 =	simm.s32 @!p0 $0x4600  }
0x171: {  	[tilespmem:s0], [sflag:$0x1] =	stream.indirect.gather @!p0 [hbm4b:s29+s12], $0x1, s10, s12, $0xb8;
	[tilespmem:$0x11B00] =	vst v63  }
0x172: {  	s0 =	simm.s32 @!p0 $0x5400  }
0x173: {  	[tilespmem:s0], [sflag:$0x1] =	stream.indirect.gather @!p0 [hbm4b:s1+s12], $0x1, s12, s12, $0xb8;
	[tilespmem:$0x11B00] =	vst v63  }
0x174: {  	s0 =	simm.s32 @!p0 $0x6200  }
0x175: {  	[tilespmem:s0], [sflag:$0x1] =	stream.indirect.gather @!p0 [hbm4b:s2+s12], $0x1, s12, s12, $0xb8;
	[tilespmem:$0x11B00] =	vst v63  }
0x176: {  	s0 =	simm.s32 @!p0 $0x7000  }
0x177: {  	[tilespmem:s0], [sflag:$0x1] =	stream.indirect.gather @!p0 [hbm4b:s3+s12], $0x1, s12, s12, $0xb8;
	[tilespmem:$0x11B00] =	vst v63  }
0x178: {  	s0 =	simm.s32 @!p0 $0x7E00  }
0x179: {  	[tilespmem:s0], [sflag:$0x1] =	stream.indirect.gather @!p0 [hbm4b:s29+s12], $0x1, s12, s12, $0xb8;
	[tilespmem:$0x11B00] =	vst v63  }
0x17a: {  	_ =	swait.ge [sflag:s15], $0xE00  }
0x17b: {  	[sflag:s15] =	ssyncset.done $0x0  }
0x17c: {  	[sflag:s15] =	ssyncadd.s32 $0xFFFFF200  }
0x17d: {  	_ =	swait.ge [sflag:s15], $0xE00  }
0x17e: {  	[sflag:s15] =	ssyncset.done $0x0  }
0x17f: {  	[sflag:s15] =	ssyncadd.s32 $0xFFFFF200  }
0x180: {  	_ =	swait.ge [sflag:s15], $0xE00  }
0x181: {  	[sflag:s15] =	ssyncset.done $0x0  }
0x182: {  	[sflag:s15] =	ssyncadd.s32 $0xFFFFF200  }
0x183: {  	_ =	swait.ge [sflag:s15], $0xE00  }
0x184: {  	[sflag:s15] =	ssyncset.done $0x0  }
0x185: {  	[sflag:s15] =	ssyncadd.s32 $0xFFFFF200  }
0x186: {  	_ =	swait.ge [sflag:s15], $0xE00  }
0x187: {  	[sflag:s15] =	ssyncset.done $0x0  }
0x188: {  	[sflag:s15] =	ssyncadd.s32 $0xFFFFF200  }
0x189: {  	_ =	swait.ge [sflag:s15], $0xE00  }
0x18a: {  	[sflag:s15] =	ssyncset.done $0x0  }
0x18b: {  	[sflag:s15] =	ssyncadd.s32 $0xFFFFF200  }
0x18c: {  	_ =	swait.ge [sflag:s15], $0xE00  }
0x18d: {  	[sflag:s15] =	ssyncset.done $0x0  }
0x18e: {  	[sflag:s15] =	ssyncadd.s32 $0xFFFFF200  }
0x18f: {  	_ =	swait.ge [sflag:s15], $0xE00  }
0x190: {  	[sflag:s15] =	ssyncset.done $0x0  }
0x191: {  	s10 =	simm.s32 $0x0;
	s0 =	simm.s32 $0x118E0;
	[sflag:s15] =	ssyncadd.s32 $0xFFFFF200  }
.LBB2_5:
0x192: {  	v24 =	vor.u32 s10, v2;
	_ =	sdelay $0x1  }
0x193: {  	v29 =	vor.u32 s10, v3;
	_ =	sdelay $0x2  }
0x194: {  	v17 =	vor.u32 s10, v0;
	v27 =	vld.idx.msk [tilespmem:v24+s5+$0x0], $0xffff  }
0x195: {  	v17 =	vand.u32 v1, v17;
	v28 =	vld.idx.msk [tilespmem:v24+s4+$0x0], $0xffff  }
0x196: {  	v30 =	vld.idx.msk [tilespmem:v29+s31+$0x0], $0xffff  }
0x197: {  	v31 =	vld.idx.msk [tilespmem:v29+s8+$0x0], $0xffff  }
0x198: {  	v61 =	vld.idx.msk [tilespmem:v29+s14+$0x0], $0xffff  }
0x199: {  	v33 =	vld.idx.msk [tilespmem:v29+s17+$0x0], $0xffff  }
0x19a: {  	v18 =	vld.idx.msk [tilespmem:v17+s31+$0x0], $0xffff  }
0x19b: {  	v19 =	vld.idx.msk [tilespmem:v17+s8+$0x0], $0xffff  }
0x19c: {  	v20 =	vld.idx.msk [tilespmem:v17+s14+$0x0], $0xffff  }
0x19d: {  	v21 =	vld.idx.msk [tilespmem:v17+s17+$0x0], $0xffff  }
0x19e: {  	v22 =	vld.idx.msk [tilespmem:v17+s5+$0x0], $0xffff  }
0x19f: {  	v23 =	vld.idx.msk [tilespmem:v17+s4+$0x0], $0xffff;
	_ =	sdelay $0x1  }
0x1a0: {  	v52 =	vld.idx.msk [tilespmem:v24+s31+$0x0], $0xffff;
	v56 =	vsub.f32 v27, v28  }
0x1a1: {  	v25 =	vld.idx.msk [tilespmem:v24+s8+$0x0], $0xffff;
	v18 =	vsub.f32 v18, v20;
	v19 =	vsub.f32 v19, v21  }
0x1a2: {  	v53 =	vld.idx.msk [tilespmem:v24+s14+$0x0], $0xffff;
	v28 =	vsub.f32 v30, v61;
	v30 =	vsub.f32 v31, v33;
	v31 =	vor.u32 s10, v4  }
0x1a3: {  	v26 =	vld.idx.msk [tilespmem:v24+s17+$0x0], $0xffff;
	v48 =	vsub.f32 v22, v23;
	v49 =	vmul.f32 v18, v18;
	v50 =	vmul.f32 v19, v19;
	_ =	sdelay $0x1  }
0x1a4: {  	v51 =	vmul.f32 v48, v48;
	v21 =	vadd.f32 v50, v49  }
0x1a5: {  	v34 =	vld.idx.msk [tilespmem:v29+s5+$0x0], $0xffff  }
0x1a6: {  	v35 =	vld.idx.msk [tilespmem:v29+s4+$0x0], $0xffff;
	v21 =	vadd.f32 v51, v21  }
0x1a7: {  	v54 =	vsub.f32 v25, v26;
	v22 =	vsub.f32 v52, v53;
	v40 =	vld.idx.msk [tilespmem:v31+s31+$0x0], $0xffff  }
0x1a8: {  	v49 =	vld.idx.msk [tilespmem:v31+s8+$0x0], $0xffff;
	(erf) = vrcp.f32 v21  }
0x1a9: {  	v58 =	vmul.f32 v54, v54;
	v57 =	vmul.f32 v22, v22;
	v41 =	vld.idx.msk [tilespmem:v31+s14+$0x0], $0xffff  }
0x1aa: {  	v46 =	vmul.f32 v28, v28;
	v38 =	vmul.f32 v30, v30;
	v42 =	vld.idx.msk [tilespmem:v31+s17+$0x0], $0xffff  }
0x1ab: {  	v59 =	vmul.f32 v56, v56;
	v27 =	vadd.f32 v58, v57;
	v44 =	vld.idx.msk [tilespmem:v31+s5+$0x0], $0xffff  }
0x1ac: {  	v34 =	vsub.f32 v34, v35;
	v35 =	vadd.f32 v38, v46;
	v46 =	vld.idx.msk [tilespmem:v31+s4+$0x0], $0xffff  }
0x1ad: {  	v27 =	vadd.f32 v59, v27  }
0x1ae: {  	v39 =	vld.idx.msk [tilespmem:v24+s13+$0x0], $0xffff  }
0x1af: {  	v24 =	vld.idx.msk [tilespmem:v24+s6+$0x0], $0xffff;
	(erf) = vrcp.f32 v27  }
0x1b0: {  	v55 =	vld.idx.msk [tilespmem:v17+s13+$0x0], $0xffff;
	v40 =	vsub.f32 v40, v41  }
0x1b1: {  	v17 =	vld.idx.msk [tilespmem:v17+s6+$0x0], $0xffff;
	vm0 =	veq.f32 v21, $0.0e+00;
	v38 =	vsub.f32 v49, v42;
	v42 =	vsub.f32 v44, v46;
	v60 =	vpop (erf)  }
0x1b2: {  	v47 =	vmul.f32 v34, v34;
	v53 =	vmul.f32 v40, v40;
	v21 =	vsel vm0, $0x3F800000, v60  }
0x1b3: {  	v58 =	vmul.f32 v42, v42;
	v32 =	vmul.f32 v21, v18  }
0x1b4: {  	v24 =	vsub.f32 v39, v24;
	v62 =	vmul.f32 v21, v19;
	v21 =	vmul.f32 v21, v48  }
0x1b5: {  	v35 =	vadd.f32 v47, v35;
	v18 =	vmul.f32 v32, v18;
	v36 =	vmul.f32 v32, v19  }
0x1b6: {  	v17 =	vsub.f32 v55, v17;
	v37 =	vmul.f32 v32, v48;
	v19 =	vmul.f32 v62, v19  }
0x1b7: {  	vm14 =	veq.f32 v35, $0.0e+00;
	v45 =	vmul.f32 v62, v48;
	v20 =	vmul.f32 v21, v48  }
0x1b8: {  	vm13 =	veq.f32 v27, $0.0e+00;
	v32 =	vmul.f32 v32, v17;
	v48 =	vpop (erf);
	v25 =	vmul.f32 v62, v17  }
0x1b9: {  	v17 =	vmul.f32 v21, v17;
	(erf) = vrcp.f32 v35;
	v27 =	vsel vm13, $0x3F800000, v48  }
0x1ba: {  	v18 =	vadd.f32 $0.0e+00, v18;
	v63 =	vadd.f32 $0.0e+00, v36;
	v50 =	vmul.f32 v27, v22  }
0x1bb: {  	v55 =	vld.idx.msk [tilespmem:v29+s6+$0x0], $0xffff;
	v37 =	vadd.f32 $0.0e+00, v37;
	v19 =	vadd.f32 $0.0e+00, v19;
	v51 =	vmul.f32 v27, v54  }
0x1bc: {  	v41 =	vld.idx.msk [tilespmem:v29+s13+$0x0], $0xffff;
	v36 =	vadd.f32 $0.0e+00, v45;
	v27 =	vmul.f32 v27, v56;
	v45 =	vmul.f32 v50, v56  }
0x1bd: {  	v20 =	vadd.f32 $0.0e+00, v20;
	v32 =	vadd.f32 $0.0e+00, v32;
	v43 =	vmul.f32 v50, v54  }
0x1be: {  	v26 =	vmul.f32 v27, v56;
	v33 =	vadd.f32 v45, v37;
	v37 =	vor.u32 s10, v5  }
0x1bf: {  	v25 =	vadd.f32 $0.0e+00, v25;
	v23 =	vmul.f32 v51, v54;
	v54 =	vmul.f32 v38, v38  }
0x1c0: {  	v17 =	vadd.f32 $0.0e+00, v17;
	v22 =	vmul.f32 v50, v22;
	v20 =	vadd.f32 v26, v20  }
0x1c1: {  	v48 =	vor.u32 s10, v6;
	v57 =	vadd.f32 v54, v53;
	v26 =	vsub.f32 v41, v55;
	v55 =	vld.idx.msk [tilespmem:v31+s13+$0x0], $0xffff  }
0x1c2: {  	v52 =	vmul.f32 v51, v56;
	v21 =	vmul.f32 v50, v24;
	v18 =	vadd.f32 v22, v18;
	v31 =	vld.idx.msk [tilespmem:v31+s6+$0x0], $0xffff  }
0x1c3: {  	v39 =	vmul.f32 v51, v24;
	v22 =	vadd.f32 v43, v63;
	v35 =	vadd.f32 v58, v57;
	v59 =	vld.idx.msk [tilespmem:v37+s31+$0x0], $0xffff  }
0x1c4: {  	v24 =	vmul.f32 v27, v24;
	v19 =	vadd.f32 v23, v19;
	v23 =	vadd.f32 v52, v36;
	v56 =	vpop (erf);
	v60 =	vld.idx.msk [tilespmem:v37+s8+$0x0], $0xffff  }
0x1c5: {  	v21 =	vadd.f32 v21, v32;
	v29 =	vsel vm14, $0x3F800000, v56;
	(erf) = vrcp.f32 v35;
	v61 =	vld.idx.msk [tilespmem:v37+s14+$0x0], $0xffff  }
0x1c6: {  	v25 =	vadd.f32 v39, v25;
	v17 =	vadd.f32 v24, v17;
	v27 =	vmul.f32 v29, v28;
	v62 =	vld.idx.msk [tilespmem:v37+s17+$0x0], $0xffff  }
0x1c7: {  	v45 =	vor.u32 s10, v7;
	v32 =	vmul.f32 v29, v30;
	v52 =	vld.idx.msk [tilespmem:v37+s5+$0x0], $0xffff;
	v29 =	vmul.f32 v29, v34  }
0x1c8: {  	vm15 =	veq.f32 v35, $0.0e+00;
	v47 =	vld.idx.msk [tilespmem:v37+s4+$0x0], $0xffff;
	v63 =	vmul.f32 v27, v28;
	v53 =	vmul.f32 v27, v30  }
0x1c9: {  	v31 =	vsub.f32 v55, v31;
	v54 =	vmul.f32 v27, v34;
	v30 =	vmul.f32 v32, v30  }
0x1ca: {  	v50 =	vld.idx.msk [tilespmem:v48+s17+$0x0], $0xffff;
	v56 =	vmul.f32 v32, v34;
	v34 =	vmul.f32 v29, v34;
	v18 =	vadd.f32 v63, v18  }
0x1cb: {  	v27 =	vmul.f32 v27, v26;
	v63 =	vld.idx.msk [tilespmem:v48+s14+$0x0], $0xffff;
	v36 =	vsub.f32 v59, v61;
	v39 =	vsub.f32 v60, v62  }
0x1cc: {  	v32 =	vmul.f32 v32, v26;
	v22 =	vadd.f32 v53, v22;
	v24 =	vadd.f32 v54, v33;
	v59 =	vld.idx.msk [tilespmem:v48+s31+$0x0], $0xffff  }
0x1cd: {  	v28 =	vsub.f32 v52, v47;
	v60 =	vld.idx.msk [tilespmem:v48+s8+$0x0], $0xffff;
	v57 =	vmul.f32 v36, v36;
	v58 =	vmul.f32 v39, v39  }
0x1ce: {  	v26 =	vmul.f32 v29, v26;
	v19 =	vadd.f32 v30, v19;
	v23 =	vadd.f32 v56, v23;
	v54 =	vld.idx.msk [tilespmem:v48+s4+$0x0], $0xffff;
	v49 =	vpop (erf)  }
0x1cf: {  	v52 =	vld.idx.msk [tilespmem:v48+s5+$0x0], $0xffff;
	v62 =	vmul.f32 v28, v28;
	v61 =	vadd.f32 v58, v57;
	v51 =	vsel vm15, $0x3F800000, v49  }
0x1d0: {  	v21 =	vadd.f32 v27, v21;
	v53 =	vmul.f32 v51, v40;
	v55 =	vmul.f32 v51, v38  }
0x1d1: {  	v27 =	vmul.f32 v51, v42;
	v43 =	vsub.f32 v59, v63;
	v29 =	vadd.f32 v62, v61  }
0x1d2: {  	v30 =	vsub.f32 v60, v50;
	v40 =	vmul.f32 v53, v40;
	v56 =	vmul.f32 v53, v38  }
0x1d3: {  	v25 =	vadd.f32 v32, v25;
	v49 =	vld.idx.msk [tilespmem:v45+s31+$0x0], $0xffff;
	v57 =	vmul.f32 v53, v42;
	(erf) = vrcp.f32 v29  }
0x1d4: {  	v32 =	vsub.f32 v52, v54;
	v50 =	vld.idx.msk [tilespmem:v45+s8+$0x0], $0xffff;
	v59 =	vmul.f32 v43, v43;
	v60 =	vmul.f32 v30, v30  }
0x1d5: {  	v20 =	vadd.f32 v34, v20;
	v51 =	vld.idx.msk [tilespmem:v45+s14+$0x0], $0xffff;
	v61 =	vmul.f32 v55, v38;
	v62 =	vmul.f32 v55, v42  }
0x1d6: {  	v17 =	vadd.f32 v26, v17;
	v54 =	vld.idx.msk [tilespmem:v45+s5+$0x0], $0xffff;
	v42 =	vmul.f32 v27, v42;
	v63 =	vmul.f32 v32, v32  }
0x1d7: {  	v26 =	vmul.f32 v53, v31;
	v53 =	vld.idx.msk [tilespmem:v45+s17+$0x0], $0xffff;
	v18 =	vadd.f32 v40, v18;
	v22 =	vadd.f32 v56, v22  }
0x1d8: {  	v24 =	vadd.f32 v57, v24;
	v34 =	vadd.f32 v60, v59;
	v56 =	vld.idx.msk [tilespmem:v45+s4+$0x0], $0xffff;
	v40 =	vor.u32 s10, v8  }
0x1d9: {  	v58 =	vld.idx.msk [tilespmem:v37+s13+$0x0], $0xffff;
	v33 =	vmul.f32 v55, v31;
	v19 =	vadd.f32 v61, v19;
	v23 =	vadd.f32 v62, v23  }
0x1da: {  	v37 =	vld.idx.msk [tilespmem:v37+s6+$0x0], $0xffff;
	v27 =	vmul.f32 v27, v31;
	v20 =	vadd.f32 v42, v20;
	v38 =	vsub.f32 v49, v51  }
0x1db: {  	vm4 =	veq.f32 v29, $0.0e+00;
	v21 =	vadd.f32 v26, v21;
	v34 =	vadd.f32 v63, v34  }
0x1dc: {  	v25 =	vadd.f32 v33, v25;
	v35 =	vsub.f32 v50, v53;
	v62 =	vmul.f32 v38, v38;
	v52 =	vpop (erf)  }
0x1dd: {  	v31 =	vsub.f32 v54, v56;
	v53 =	vld.idx.msk [tilespmem:v40+s8+$0x0], $0xffff;
	(erf) = vrcp.f32 v34;
	v29 =	vsel vm4, $0x3F800000, v52  }
0x1de: {  	v17 =	vadd.f32 v27, v17;
	v63 =	vmul.f32 v35, v35;
	v56 =	vld.idx.msk [tilespmem:v40+s17+$0x0], $0xffff;
	v55 =	vmul.f32 v29, v36  }
0x1df: {  	v57 =	vsub.f32 v58, v37;
	v49 =	vmul.f32 v31, v31;
	v58 =	vmul.f32 v29, v39  }
0x1e0: {  	v33 =	vadd.f32 v63, v62;
	v29 =	vmul.f32 v29, v28;
	v36 =	vmul.f32 v55, v36  }
0x1e1: {  	v42 =	vor.u32 s10, v9;
	v50 =	vld.idx.msk [tilespmem:v40+s31+$0x0], $0xffff;
	v59 =	vmul.f32 v55, v39;
	v60 =	vmul.f32 v55, v28  }
0x1e2: {  	v54 =	vld.idx.msk [tilespmem:v40+s14+$0x0], $0xffff;
	v33 =	vadd.f32 v49, v33;
	v39 =	vmul.f32 v58, v39;
	v51 =	vmul.f32 v58, v28  }
0x1e3: {  	v61 =	vld.idx.msk [tilespmem:v48+s13+$0x0], $0xffff;
	v41 =	vsub.f32 v53, v56;
	v28 =	vmul.f32 v29, v28;
	v26 =	vmul.f32 v55, v57  }
0x1e4: {  	v48 =	vld.idx.msk [tilespmem:v48+s6+$0x0], $0xffff;
	v37 =	vmul.f32 v58, v57;
	v18 =	vadd.f32 v36, v18;
	v22 =	vadd.f32 v59, v22  }
0x1e5: {  	v27 =	vmul.f32 v29, v57;
	v57 =	vld.idx.msk [tilespmem:v40+s5+$0x0], $0xffff;
	v24 =	vadd.f32 v60, v24;
	v19 =	vadd.f32 v39, v19  }
0x1e6: {  	vm5 =	veq.f32 v34, $0.0e+00;
	v23 =	vadd.f32 v51, v23;
	v20 =	vadd.f32 v28, v20;
	v59 =	vld.idx.msk [tilespmem:v40+s4+$0x0], $0xffff;
	v52 =	vpop (erf)  }
0x1e7: {  	v39 =	vsub.f32 v50, v54;
	v51 =	vmul.f32 v41, v41;
	v34 =	vsel vm5, $0x3F800000, v52  }
0x1e8: {  	v21 =	vadd.f32 v26, v21;
	(erf) = vrcp.f32 v33;
	v55 =	vmul.f32 v34, v43  }
0x1e9: {  	v60 =	vsub.f32 v61, v48;
	v50 =	vmul.f32 v39, v39;
	v61 =	vmul.f32 v34, v30  }
0x1ea: {  	v25 =	vadd.f32 v37, v25;
	v34 =	vmul.f32 v34, v32;
	v58 =	vmul.f32 v55, v43  }
0x1eb: {  	v28 =	vsub.f32 v57, v59;
	v62 =	vmul.f32 v55, v30;
	v63 =	vmul.f32 v55, v32  }
0x1ec: {  	v53 =	vld.idx.msk [tilespmem:v45+s6+$0x0], $0xffff;
	v17 =	vadd.f32 v27, v17;
	v48 =	vmul.f32 v61, v30;
	v49 =	vmul.f32 v61, v32  }
0x1ed: {  	v52 =	vld.idx.msk [tilespmem:v45+s13+$0x0], $0xffff;
	v29 =	vadd.f32 v51, v50;
	v54 =	vmul.f32 v28, v28;
	v32 =	vmul.f32 v34, v32  }
0x1ee: {  	v57 =	vld.idx.msk [tilespmem:v42+s31+$0x0], $0xffff;
	v55 =	vmul.f32 v55, v60;
	v36 =	vmul.f32 v61, v60;
	v18 =	vadd.f32 v58, v18  }
0x1ef: {  	v27 =	vmul.f32 v34, v60;
	v60 =	vld.idx.msk [tilespmem:v42+s14+$0x0], $0xffff;
	v22 =	vadd.f32 v62, v22;
	v24 =	vadd.f32 v63, v24  }
0x1f0: {  	v19 =	vadd.f32 v48, v19;
	v29 =	vadd.f32 v54, v29  }
0x1f1: {  	vm6 =	veq.f32 v33, $0.0e+00;
	v61 =	vld.idx.msk [tilespmem:v42+s17+$0x0], $0xffff;
	v23 =	vadd.f32 v49, v23;
	v20 =	vadd.f32 v32, v20;
	v56 =	vpop (erf)  }
0x1f2: {  	v58 =	vld.idx.msk [tilespmem:v42+s8+$0x0], $0xffff;
	v21 =	vadd.f32 v55, v21;
	(erf) = vrcp.f32 v29;
	v33 =	vsel vm6, $0x3F800000, v56  }
0x1f3: {  	v25 =	vadd.f32 v36, v25;
	v48 =	vld.idx.msk [tilespmem:v42+s5+$0x0], $0xffff;
	v59 =	vmul.f32 v33, v38;
	v49 =	vmul.f32 v33, v35  }
0x1f4: {  	v45 =	vor.u32 s10, v12;
	v26 =	vsub.f32 v52, v53;
	v53 =	vld.idx.msk [tilespmem:v42+s4+$0x0], $0xffff;
	v34 =	vsub.f32 v57, v60  }
0x1f5: {  	v63 =	vmul.f32 v59, v35;
	v54 =	vmul.f32 v49, v35;
	v35 =	vor.u32 s10, v10  }
0x1f6: {  	v17 =	vadd.f32 v27, v17;
	v33 =	vmul.f32 v33, v31;
	v56 =	vmul.f32 v34, v34  }
0x1f7: {  	v36 =	vsub.f32 v58, v61;
	v62 =	vmul.f32 v59, v38;
	v52 =	vmul.f32 v59, v31  }
0x1f8: {  	v37 =	vld.idx.msk [tilespmem:v40+s13+$0x0], $0xffff;
	vm7 =	veq.f32 v29, $0.0e+00;
	v55 =	vmul.f32 v49, v31;
	v31 =	vmul.f32 v33, v31  }
0x1f9: {  	v58 =	vld.idx.msk [tilespmem:v40+s6+$0x0], $0xffff;
	v38 =	vsub.f32 v48, v53;
	v57 =	vmul.f32 v36, v36;
	v32 =	vmul.f32 v59, v26  }
0x1fa: {  	v30 =	vmul.f32 v49, v26;
	v26 =	vmul.f32 v33, v26;
	v18 =	vadd.f32 v62, v18;
	v53 =	vld.idx.msk [tilespmem:v35+s31+$0x0], $0xffff  }
0x1fb: {  	v24 =	vadd.f32 v52, v24;
	v51 =	vadd.f32 v57, v56;
	v52 =	vmul.f32 v38, v38;
	v59 =	vld.idx.msk [tilespmem:v35+s8+$0x0], $0xffff  }
0x1fc: {  	v48 =	vor.u32 s10, v11;
	v22 =	vadd.f32 v63, v22;
	v19 =	vadd.f32 v54, v19;
	v50 =	vpop (erf);
	v61 =	vld.idx.msk [tilespmem:v35+s14+$0x0], $0xffff  }
0x1fd: {  	v20 =	vadd.f32 v31, v20;
	v31 =	vadd.f32 v52, v51;
	v62 =	vld.idx.msk [tilespmem:v35+s17+$0x0], $0xffff;
	v29 =	vsel vm7, $0x3F800000, v50  }
0x1fe: {  	v23 =	vadd.f32 v55, v23;
	v21 =	vadd.f32 v32, v21;
	v52 =	vld.idx.msk [tilespmem:v35+s5+$0x0], $0xffff;
	v60 =	vmul.f32 v29, v39  }
0x1ff: {  	v25 =	vadd.f32 v30, v25;
	v56 =	vld.idx.msk [tilespmem:v35+s4+$0x0], $0xffff;
	(erf) = vrcp.f32 v31;
	v30 =	vmul.f32 v29, v41  }
0x200: {  	v27 =	vsub.f32 v37, v58;
	v29 =	vmul.f32 v29, v28;
	v63 =	vmul.f32 v60, v39  }
0x201: {  	v17 =	vadd.f32 v26, v17;
	v51 =	vld.idx.msk [tilespmem:v48+s5+$0x0], $0xffff;
	v54 =	vmul.f32 v60, v41;
	v55 =	vmul.f32 v60, v28  }
0x202: {  	vm8 =	veq.f32 v31, $0.0e+00;
	v50 =	vld.idx.msk [tilespmem:v48+s17+$0x0], $0xffff;
	v57 =	vmul.f32 v30, v41;
	v60 =	vmul.f32 v60, v27  }
0x203: {  	v40 =	vsub.f32 v53, v61;
	v32 =	vsub.f32 v59, v62;
	v53 =	vmul.f32 v30, v28;
	v59 =	vld.idx.msk [tilespmem:v48+s8+$0x0], $0xffff  }
0x204: {  	v28 =	vmul.f32 v29, v28;
	v39 =	vsub.f32 v52, v56;
	v52 =	vld.idx.msk [tilespmem:v48+s4+$0x0], $0xffff;
	v18 =	vadd.f32 v63, v18  }
0x205: {  	v30 =	vmul.f32 v30, v27;
	v22 =	vadd.f32 v54, v22;
	v19 =	vadd.f32 v57, v19;
	v57 =	vld.idx.msk [tilespmem:v48+s31+$0x0], $0xffff  }
0x206: {  	v24 =	vadd.f32 v55, v24;
	v63 =	vld.idx.msk [tilespmem:v48+s14+$0x0], $0xffff;
	v55 =	vmul.f32 v40, v40;
	v56 =	vmul.f32 v32, v32  }
0x207: {  	v27 =	vmul.f32 v29, v27;
	v23 =	vadd.f32 v53, v23;
	v20 =	vadd.f32 v28, v20  }
0x208: {  	v58 =	vld.idx.msk [tilespmem:v42+s13+$0x0], $0xffff;
	v62 =	vmul.f32 v39, v39;
	v25 =	vadd.f32 v30, v25;
	v61 =	vadd.f32 v56, v55;
	v49 =	vpop (erf)  }
0x209: {  	v54 =	vld.idx.msk [tilespmem:v42+s6+$0x0], $0xffff;
	v26 =	vsub.f32 v59, v50;
	v30 =	vsub.f32 v51, v52;
	v29 =	vsel vm8, $0x3F800000, v49  }
0x20a: {  	v33 =	vadd.f32 v62, v61;
	v28 =	vmul.f32 v29, v34;
	v53 =	vmul.f32 v29, v36  }
0x20b: {  	v56 =	vld.idx.msk [tilespmem:v45+s5+$0x0], $0xffff;
	v43 =	vsub.f32 v57, v63;
	v29 =	vmul.f32 v29, v38;
	v62 =	vmul.f32 v26, v26  }
0x20c: {  	v51 =	vld.idx.msk [tilespmem:v45+s4+$0x0], $0xffff;
	v57 =	vmul.f32 v30, v30;
	(erf) = vrcp.f32 v33  }
0x20d: {  	v21 =	vadd.f32 v60, v21;
	v61 =	vmul.f32 v43, v43;
	v34 =	vmul.f32 v28, v34  }
0x20e: {  	v60 =	vld.idx.msk [tilespmem:v45+s31+$0x0], $0xffff;
	v37 =	vsub.f32 v58, v54;
	v58 =	vmul.f32 v28, v36;
	v59 =	vmul.f32 v28, v38  }
0x20f: {  	v17 =	vadd.f32 v27, v17;
	v63 =	vld.idx.msk [tilespmem:v45+s8+$0x0], $0xffff;
	v54 =	vmul.f32 v53, v36;
	v55 =	vmul.f32 v53, v38  }
0x210: {  	v49 =	vld.idx.msk [tilespmem:v45+s14+$0x0], $0xffff;
	v28 =	vmul.f32 v28, v37;
	v27 =	vmul.f32 v53, v37;
	v41 =	vadd.f32 v62, v61  }
0x211: {  	v52 =	vmul.f32 v29, v37;
	v37 =	vsub.f32 v56, v51;
	v22 =	vadd.f32 v58, v22;
	v58 =	vld.idx.msk [tilespmem:v45+s17+$0x0], $0xffff  }
0x212: {  	v38 =	vmul.f32 v29, v38;
	v18 =	vadd.f32 v34, v18;
	v24 =	vadd.f32 v59, v24  }
0x213: {  	v46 =	vld.idx.msk [tilespmem:v35+s13+$0x0], $0xffff;
	v19 =	vadd.f32 v54, v19;
	v23 =	vadd.f32 v55, v23  }
0x214: {  	v35 =	vld.idx.msk [tilespmem:v35+s6+$0x0], $0xffff;
	vm9 =	veq.f32 v33, $0.0e+00;
	v20 =	vadd.f32 v38, v20;
	v59 =	vadd.f32 v57, v41  }
0x215: {  	v33 =	vsub.f32 v60, v49;
	v41 =	vor.u32 s10, v13;
	v49 =	vmul.f32 v37, v37;
	v53 =	vpop (erf)  }
0x216: {  	v31 =	vsub.f32 v63, v58;
	(erf) = vrcp.f32 v59;
	v54 =	vsel vm9, $0x3F800000, v53  }
0x217: {  	v21 =	vadd.f32 v28, v21;
	v62 =	vmul.f32 v33, v33;
	v29 =	vmul.f32 v54, v40  }
0x218: {  	v25 =	vadd.f32 v27, v25;
	v63 =	vmul.f32 v31, v31;
	v60 =	vmul.f32 v54, v32  }
0x219: {  	v55 =	vsub.f32 v46, v35;
	v27 =	vmul.f32 v54, v39;
	v61 =	vmul.f32 v29, v40  }
0x21a: {  	vm10 =	veq.f32 v59, $0.0e+00;
	v58 =	vld.idx.msk [tilespmem:v41+s31+$0x0], $0xffff;
	v46 =	vmul.f32 v29, v32;
	v47 =	vmul.f32 v29, v39  }
0x21b: {  	v59 =	vld.idx.msk [tilespmem:v41+s8+$0x0], $0xffff;
	v38 =	vadd.f32 v63, v62;
	v32 =	vmul.f32 v60, v32;
	v56 =	vmul.f32 v60, v39  }
0x21c: {  	v17 =	vadd.f32 v52, v17;
	v53 =	vld.idx.msk [tilespmem:v41+s5+$0x0], $0xffff;
	v39 =	vmul.f32 v27, v39;
	v29 =	vmul.f32 v29, v55  }
0x21d: {  	v62 =	vld.idx.msk [tilespmem:v41+s17+$0x0], $0xffff;
	v34 =	vmul.f32 v60, v55;
	v38 =	vadd.f32 v49, v38;
	v18 =	vadd.f32 v61, v18  }
0x21e: {  	v27 =	vmul.f32 v27, v55;
	v55 =	vld.idx.msk [tilespmem:v41+s4+$0x0], $0xffff;
	v22 =	vadd.f32 v46, v22;
	v24 =	vadd.f32 v47, v24  }
0x21f: {  	v19 =	vadd.f32 v32, v19;
	v23 =	vadd.f32 v56, v23;
	v61 =	vld.idx.msk [tilespmem:v41+s14+$0x0], $0xffff;
	v57 =	vpop (erf)  }
0x220: {  	v50 =	vld.idx.msk [tilespmem:v48+s13+$0x0], $0xffff;
	v20 =	vadd.f32 v39, v20;
	(erf) = vrcp.f32 v38;
	v36 =	vsel vm10, $0x3F800000, v57  }
0x221: {  	v51 =	vld.idx.msk [tilespmem:v48+s6+$0x0], $0xffff;
	v25 =	vadd.f32 v34, v25;
	v27 =	vadd.f32 v27, v17;
	v60 =	vmul.f32 v36, v43  }
0x222: {  	v34 =	vor.u32 s10, v14;
	vm11 =	veq.f32 v38, $0.0e+00;
	v28 =	vsub.f32 v59, v62  }
0x223: {  	v39 =	vsub.f32 v53, v55;
	v63 =	vmul.f32 v36, v26;
	v17 =	vmul.f32 v60, v26  }
0x224: {  	v59 =	vmul.f32 v28, v28;
	v56 =	vmul.f32 v36, v30;
	v42 =	vsub.f32 v58, v61  }
0x225: {  	v38 =	vld.idx.msk [tilespmem:v41+s13+$0x0], $0xffff;
	v61 =	vmul.f32 v39, v39;
	v22 =	vadd.f32 v17, v22;
	v17 =	vmul.f32 v63, v26  }
0x226: {  	v32 =	vsub.f32 v50, v51;
	v41 =	vld.idx.msk [tilespmem:v41+s6+$0x0], $0xffff;
	v52 =	vmul.f32 v60, v43;
	v54 =	vmul.f32 v60, v30  }
0x227: {  	v21 =	vadd.f32 v29, v21;
	v62 =	vld.idx.msk [tilespmem:v34+s8+$0x0], $0xffff;
	v57 =	vmul.f32 v63, v30;
	v58 =	vmul.f32 v42, v42  }
0x228: {  	v53 =	vld.idx.msk [tilespmem:v34+s17+$0x0], $0xffff;
	v30 =	vmul.f32 v56, v30;
	v40 =	vmul.f32 v60, v32;
	v18 =	vadd.f32 v52, v18  }
0x229: {  	v60 =	vld.idx.msk [tilespmem:v34+s31+$0x0], $0xffff;
	v29 =	vmul.f32 v63, v32;
	v24 =	vadd.f32 v54, v24;
	v19 =	vadd.f32 v17, v19;
	v17 =	vpop (erf)  }
0x22a: {  	v44 =	vadd.f32 v59, v58;
	v63 =	vld.idx.msk [tilespmem:v34+s14+$0x0], $0xffff;
	v46 =	vsel vm11, $0x3F800000, v17;
	v17 =	vor.u32 s10, v15  }
0x22b: {  	v36 =	vld.idx.msk [tilespmem:v45+s6+$0x0], $0xffff;
	v23 =	vadd.f32 v57, v23;
	v20 =	vadd.f32 v30, v20;
	v52 =	vmul.f32 v56, v32  }
0x22c: {  	v55 =	vld.idx.msk [tilespmem:v34+s5+$0x0], $0xffff;
	v21 =	vadd.f32 v40, v21;
	v32 =	vadd.f32 v61, v44;
	v43 =	vmul.f32 v46, v33  }
0x22d: {  	v26 =	vld.idx.msk [tilespmem:v45+s13+$0x0], $0xffff;
	v25 =	vadd.f32 v29, v25;
	v35 =	vsub.f32 v62, v53  }
0x22e: {  	v57 =	vld.idx.msk [tilespmem:v34+s4+$0x0], $0xffff;
	v27 =	vadd.f32 v52, v27;
	(erf) = vrcp.f32 v32;
	v54 =	vmul.f32 v43, v33  }
0x22f: {  	v50 =	vmul.f32 v35, v35;
	v47 =	vsub.f32 v60, v63;
	v58 =	vmul.f32 v46, v31;
	v44 =	vld.idx.msk [tilespmem:v17+s31+$0x0], $0xffff  }
0x230: {  	v46 =	vmul.f32 v46, v37;
	v29 =	vadd.f32 v54, v18;
	v45 =	vld.idx.msk [tilespmem:v17+s8+$0x0], $0xffff;
	v18 =	vor.u32 s10, v16  }
0x231: {  	vm12 =	veq.f32 v32, $0.0e+00;
	v63 =	vmul.f32 v47, v47;
	v56 =	vmul.f32 v43, v31;
	v48 =	vld.idx.msk [tilespmem:v17+s5+$0x0], $0xffff  }
0x232: {  	v26 =	vsub.f32 v26, v36;
	v59 =	vmul.f32 v43, v37;
	v60 =	vmul.f32 v58, v31;
	v62 =	vld.idx.msk [tilespmem:v17+s14+$0x0], $0xffff  }
0x233: {  	v61 =	vmul.f32 v58, v37;
	v33 =	vsub.f32 v55, v57;
	v52 =	vmul.f32 v46, v37;
	v51 =	vld.idx.msk [tilespmem:v17+s17+$0x0], $0xffff  }
0x234: {  	v53 =	vmul.f32 v43, v26;
	v55 =	vadd.f32 v50, v63;
	v22 =	vadd.f32 v56, v22;
	v54 =	vld.idx.msk [tilespmem:v17+s4+$0x0], $0xffff  }
0x235: {  	v57 =	vmul.f32 v58, v26;
	v24 =	vadd.f32 v59, v24;
	v19 =	vadd.f32 v60, v19;
	v50 =	vld.idx.msk [tilespmem:v18+s31+$0x0], $0xffff  }
0x236: {  	v23 =	vadd.f32 v61, v23;
	v56 =	vmul.f32 v33, v33;
	v20 =	vadd.f32 v52, v20;
	v36 =	vld.idx.msk [tilespmem:v18+s8+$0x0], $0xffff  }
0x237: {  	v26 =	vmul.f32 v46, v26;
	v21 =	vadd.f32 v53, v21;
	v25 =	vadd.f32 v57, v25;
	v58 =	vpop (erf);
	v59 =	vld.idx.msk [tilespmem:v18+s14+$0x0], $0xffff  }
0x238: {  	v31 =	vadd.f32 v56, v55;
	v32 =	vsel vm12, $0x3F800000, v58;
	v40 =	vsub.f32 v44, v62;
	v60 =	vld.idx.msk [tilespmem:v18+s17+$0x0], $0xffff  }
0x239: {  	v26 =	vadd.f32 v26, v27;
	v44 =	vsub.f32 v45, v51;
	v30 =	vmul.f32 v32, v42;
	v61 =	vld.idx.msk [tilespmem:v18+s5+$0x0], $0xffff  }
0x23a: {  	(erf) = vrcp.f32 v31;
	v43 =	vsub.f32 v48, v54;
	v54 =	vld.idx.msk [tilespmem:v18+s4+$0x0], $0xffff;
	v62 =	vmul.f32 v40, v40  }
0x23b: {  	v27 =	vsub.f32 v38, v41;
	v63 =	vmul.f32 v44, v44;
	v55 =	vmul.f32 v30, v42  }
0x23c: {  	vm13 =	veq.f32 v31, $0.0e+00;
	v58 =	vmul.f32 v32, v28;
	v32 =	vmul.f32 v32, v39  }
0x23d: {  	v57 =	vmul.f32 v43, v43;
	v56 =	vadd.f32 v63, v62;
	v29 =	vadd.f32 v55, v29  }
0x23e: {  	v51 =	vmul.f32 v58, v39;
	v37 =	vsub.f32 v50, v59;
	v36 =	vsub.f32 v36, v60  }
0x23f: {  	v62 =	vmul.f32 v30, v39;
	v39 =	vmul.f32 v32, v39;
	v42 =	vsub.f32 v61, v54  }
0x240: {  	v41 =	vadd.f32 v57, v56;
	v60 =	vmul.f32 v37, v37;
	v61 =	vmul.f32 v36, v36  }
0x241: {  	v23 =	vadd.f32 v51, v23;
	v59 =	vmul.f32 v30, v28;
	v28 =	vmul.f32 v58, v28  }
0x242: {  	v63 =	vmul.f32 v42, v42;
	(erf) = vrcp.f32 v41;
	v46 =	vadd.f32 v61, v60  }
0x243: {  	v50 =	vld.idx.msk [tilespmem:v34+s13+$0x0], $0xffff;
	v30 =	vmul.f32 v30, v27;
	v54 =	vmul.f32 v58, v27;
	v24 =	vadd.f32 v62, v24  }
0x244: {  	v34 =	vld.idx.msk [tilespmem:v34+s6+$0x0], $0xffff;
	v27 =	vmul.f32 v32, v27;
	v20 =	vadd.f32 v39, v20;
	v53 =	vpop (erf);
	v52 =	vadd.f32 v63, v46  }
0x245: {  	v22 =	vadd.f32 v59, v22;
	v19 =	vadd.f32 v28, v19;
	v46 =	vsel vm13, $0x3F800000, v53  }
0x246: {  	v21 =	vadd.f32 v30, v21;
	v55 =	vmul.f32 v46, v47;
	(erf) = vrcp.f32 v52  }
0x247: {  	v25 =	vadd.f32 v54, v25;
	v31 =	vmul.f32 v46, v35;
	v32 =	vmul.f32 v46, v33  }
0x248: {  	v26 =	vadd.f32 v27, v26;
	v56 =	vmul.f32 v55, v47;
	v57 =	vmul.f32 v55, v35  }
0x249: {  	v27 =	vsub.f32 v50, v34;
	v59 =	vmul.f32 v55, v33;
	v60 =	vmul.f32 v31, v35  }
0x24a: {  	vm14 =	veq.f32 v41, $0.0e+00;
	v61 =	vmul.f32 v31, v33;
	v62 =	vmul.f32 v32, v33  }
0x24b: {  	vm15 =	veq.f32 v52, $0.0e+00;
	v63 =	vmul.f32 v55, v27;
	v31 =	vmul.f32 v31, v27;
	v58 =	vpop (erf)  }
0x24c: {  	v29 =	vadd.f32 v56, v29;
	v22 =	vadd.f32 v57, v22;
	v30 =	vsel vm14, $0x3F800000, v58  }
0x24d: {  	v24 =	vadd.f32 v59, v24;
	v19 =	vadd.f32 v60, v19;
	v33 =	vmul.f32 v30, v40  }
0x24e: {  	v23 =	vadd.f32 v61, v23;
	v28 =	vmul.f32 v30, v44;
	v30 =	vmul.f32 v30, v43  }
0x24f: {  	v20 =	vadd.f32 v62, v20;
	v47 =	vmul.f32 v33, v44;
	v48 =	vmul.f32 v33, v43;
	v49 =	vpop (erf)  }
0x250: {  	v50 =	vmul.f32 v28, v44;
	v51 =	vmul.f32 v28, v43;
	v38 =	vsel vm15, $0x3F800000, v49  }
0x251: {  	v52 =	vmul.f32 v30, v43;
	v22 =	vadd.f32 v47, v22;
	v41 =	vmul.f32 v38, v36  }
0x252: {  	v24 =	vadd.f32 v48, v24;
	v19 =	vadd.f32 v50, v19;
	v43 =	vmul.f32 v38, v42  }
0x253: {  	v23 =	vadd.f32 v51, v23;
	v38 =	vmul.f32 v38, v37;
	v53 =	vmul.f32 v41, v36  }
0x254: {  	v20 =	vadd.f32 v52, v20;
	v54 =	vmul.f32 v41, v42;
	v55 =	vmul.f32 v43, v42  }
0x255: {  	v36 =	vmul.f32 v38, v36;
	v56 =	vmul.f32 v38, v42;
	v19 =	vadd.f32 v53, v19  }
0x256: {  	v57 =	vld.idx.msk [tilespmem:v17+s13+$0x0], $0xffff;
	v40 =	vmul.f32 v33, v40;
	v23 =	vadd.f32 v54, v23;
	v20 =	vadd.f32 v55, v20  }
0x257: {  	v17 =	vld.idx.msk [tilespmem:v17+s6+$0x0], $0xffff;
	v37 =	vmul.f32 v38, v37;
	v22 =	vadd.f32 v36, v22;
	v24 =	vadd.f32 v56, v24  }
0x258: {  	v29 =	vadd.f32 v40, v29;
	v58 =	vmul.f32 v20, v19;
	v59 =	vmul.f32 v23, v23  }
0x259: {  	v60 =	vld.idx.msk [tilespmem:v18+s13+$0x0], $0xffff;
	v61 =	vmul.f32 v20, v22;
	v62 =	vmul.f32 v24, v23  }
0x25a: {  	v21 =	vadd.f32 v63, v21;
	v18 =	vld.idx.msk [tilespmem:v18+s6+$0x0], $0xffff;
	v29 =	vadd.f32 v37, v29;
	v44 =	vmul.f32 v23, v22  }
0x25b: {  	v45 =	vmul.f32 v24, v19;
	v36 =	vsub.f32 v58, v59;
	v63 =	vsub.f32 v61, v62  }
0x25c: {  	v27 =	vmul.f32 v32, v27;
	v25 =	vadd.f32 v31, v25;
	v17 =	vsub.f32 v57, v17  }
0x25d: {  	v46 =	vsub.f32 v44, v45;
	v47 =	vmul.f32 v36, v29;
	v48 =	vmul.f32 v63, v22  }
0x25e: {  	v26 =	vadd.f32 v27, v26;
	v49 =	vmul.f32 v33, v17;
	v28 =	vmul.f32 v28, v17  }
0x25f: {  	v18 =	vsub.f32 v60, v18;
	v50 =	vmul.f32 v46, v24;
	v32 =	vsub.f32 v47, v48  }
0x260: {  	v17 =	vmul.f32 v30, v17;
	v21 =	vadd.f32 v49, v21;
	v25 =	vadd.f32 v28, v25  }
0x261: {  	v52 =	vmul.f32 v38, v18;
	v53 =	vmul.f32 v41, v18;
	v51 =	vadd.f32 v32, v50  }
0x262: {  	v17 =	vadd.f32 v17, v26;
	v18 =	vmul.f32 v43, v18;
	v20 =	vmul.f32 v20, v29  }
0x263: {  	v21 =	vadd.f32 v52, v21;
	v54 =	vmul.f32 v24, v24;
	(erf) = vrcp.f32 v51  }
0x264: {  	v25 =	vadd.f32 v53, v25;
	v17 =	vadd.f32 v18, v17;
	v18 =	vmul.f32 v23, v29  }
0x265: {  	v55 =	vmul.f32 v24, v22;
	v19 =	vmul.f32 v19, v29;
	v57 =	vsub.f32 $0.0e+00, v21  }
0x266: {  	v20 =	vsub.f32 v20, v54;
	v22 =	vmul.f32 v22, v22;
	v56 =	vmul.f32 v36, v21  }
0x267: {  	v18 =	vsub.f32 v18, v55;
	v58 =	vmul.f32 v63, v25;
	v59 =	vmul.f32 v46, v17  }
0x268: {  	v60 =	vmul.f32 v63, v57;
	v20 =	vmul.f32 v20, v25;
	v19 =	vsub.f32 v19, v22  }
0x269: {  	v21 =	vmul.f32 v46, v21;
	v61 =	vmul.f32 v18, v25;
	v23 =	vsub.f32 v56, v58  }
0x26a: {  	v18 =	vmul.f32 v18, v17;
	v20 =	vadd.f32 v20, v60  }
0x26b: {  	v21 =	vsub.f32 v21, v61;
	v62 =	vadd.f32 v23, v59;
	v17 =	vmul.f32 v19, v17  }
0x26c: {  	p0 =	sne.s32 s10, $0xD00;
	v18 =	vsub.f32 v20, v18;
	v19 =	vpop (erf)  }
.Ltmp1:
0x26d: {  	v17 =	vadd.f32 v21, v17;
	v63 =	vmul.f32 v19, v62;
	(pc) =	sbr.rel @p0 .LBB2_5-.Ltmp1, $4  }
0x26e: {  	v18 =	vmul.f32 v19, v18  }
0x26f: {  	v17 =	vmul.f32 v19, v17;
	[tilespmem:s0+$0xFFFFFF20] =	vst v63  }
0x270: {  	[tilespmem:s0+$0x0] =	vst v18  }
0x271: {  	s10 =	sadd.s32 $0x100, s10;
	[tilespmem:s0+$0xE0] =	vst v17;
	s0 =	sadd.s32 $0x10, s0  }
0x272: {  	s0 =	sshrl.u32 s9, $0x3;
	s1 =	rddreg [dreg:$0x6]  }
0x273: {  	s2 =	simm.s32 $0x11800;
	s1 =	sadd.s32 s1, s0  }
0x274: {  	[hbm4b:s1+s11] =	stream.linear.scatter [tilespmem:s2], [sflag:$0x3], $0xE0, $0x38;
	[tilespmem:$0x11B00] =	vst v63  }
0x275: {  	_ =	swait.ge [sflag:s18], $0xE0  }
0x276: {  	[sflag:s18] =	ssyncset.done $0x0  }
0x277: {  	[sflag:s18] =	ssyncadd.s32 $0xFFFFFF20  }
0x278: {  	s3 =	rddreg [dreg:$0x7]  }
0x279: {  	s9 =	simm.s32 $0x118E0;
	s1 =	sadd.s32 s3, s0  }
0x27a: {  	[hbm4b:s1+s11] =	stream.linear.scatter [tilespmem:s9], [sflag:$0x3], $0xE0, $0x38;
	[tilespmem:$0x11B00] =	vst v63  }
0x27b: {  	_ =	swait.ge [sflag:s18], $0xE0  }
0x27c: {  	[sflag:s18] =	ssyncset.done $0x0  }
0x27d: {  	s16 =	sadd.s32 $0x1, s16;
	[sflag:s18] =	ssyncadd.s32 $0xFFFFFF20  }
0x27e: {  	p0 =	sne.s32 s16, $0x7;
	s10 =	rddreg [dreg:$0x8]  }
.Ltmp2:
0x27f: {  	s12 =	simm.s32 $0x119C0;
	s0 =	sadd.s32 s10, s0;
	(pc) =	sbr.rel @p0 .LBB2_2-.Ltmp2, $4  }
0x280: {  	[hbm4b:s0+s11] =	stream.linear.scatter [tilespmem:s12], [sflag:$0x3], $0xE0, $0x38;
	[tilespmem:$0x11B00] =	vst v63  }
0x281: {  	_ =	swait.ge [sflag:s18], $0xE0  }
0x282: {  	[sflag:s18] =	ssyncset.done $0x0  }
0x283: {  	s29 =	smov.u32 s30;
	[sflag:s18] =	ssyncadd.s32 $0xFFFFFF20  }
0x284: {  	s1 =	rddreg [dreg:$0x10]  }
0x285: {  	s0 =	rddreg [dreg:$0xf];
	s1 =	sadd.s32 $0x1, s1  }
0x286: {  	p0 =	sne.s32 s1, s0  }
.Ltmp3:
0x287: {  	_ = 	snop;
	(pc) =	sbr.rel @p0 .LBB2_1-.Ltmp3, $1  }
0x288: {  	_ =	sdelay $0x3  }
0x289: {  	_ =	sfence.sel $0x180000  }
0x28a: {  	[bflag:$0x0] =	sbarrier.arrive $0xFFFF  }
0x28b: {  	_ =	strace $0x90000047  }
0x28c: {  	s0 =	stileid.u32;
	[bflag:$0x2] =	sbarrier.arrive $0xFFFF  }
0x28d: {  	p0 =	sne.s32 s0, $0x0;
	s0 =	rddreg [dreg:$0x9]  }
0x28e: {  	s0 =	sadd.s32 @!p0 $0x100000, s0  }
0x28f: {  	[sflag:s0] =	ssyncadd.tile.s32 @!p0 $0x1;
	_ =	shalt  }
.Lfunc_end2:
_tile_overlayer_lowered:
.L_overlay_start_2:
0x290: {  	(tag) =	ssettag $0x2  }
0x291: {  	s0 =	rddreg [dreg:$0x0];
	s2 =	stileid.u32  }
0x292: {  	s1 =	rddreg [dreg:$0x1];
	p0 =	sne.s32 s2, $0x0  }
0x293: {  	s3 =	rddreg [dreg:$0x2];
	[bflag:$0x3] =	sbarrier.arrive $0xFFFF;
	s2 =	simm.s32 @!p0 $0x1C03  }
0x294: {  	[timem:s3], [sflag:s2] =	dma.local @!p0 [hbm:s0], s1  }
0x295: {  	s0 =	simm.s32 @!p0 $0x3  }
0x296: {  	_ =	swait.ge @!p0 [sflag:s0], s1  }
0x297: {  	s1 =	ssub.s32 @!p0 $0x0, s1;
	[sflag:s0] =	ssyncset.done @!p0 $0x0  }
0x298: {  	[sflag:s0] =	ssyncadd.s32 @!p0 s1  }
0x299: {  	[bflag:$0x3] =	sbarrier.arrive $0xFFFF  }
0x29a: {  	_ =	shalt  }

</sc_bundles>
